<compile_context>
chip_gen: v7x
topology: tpu7x:2x2x1
jax: 0.10.2.dev20260603
libtpu: 0.0.44.dev20260713+nightly
codegen_flags: <defaults>
</compile_context>

<pallas_src>
import functools

import jax
import jax.numpy as jnp
from jax import lax
from jax.experimental import pallas as pl
from jax.experimental.pallas import tpu as pltpu
from jax.experimental.pallas import tpu_sc as plsc

H = 512
W = 512
Z = 16384
O = 4096

QBLK = 1024


def _dist_body(z_ref, o_ref, out_ref):
    o2 = o_ref[...]
    z = z_ref[...]
    a = lax.dot_general(o2, z, (((1,), (0,)), ((), ())),
                        preferred_element_type=jnp.float32)
    b = jnp.sum(o2 * o2, axis=1, keepdims=True) * 0.25
    m = jnp.min(a + b, axis=0, keepdims=True)
    c = z[0:1, :] * z[0:1, :] + z[1:2, :] * z[1:2, :]
    out_ref[...] = jnp.sqrt(jnp.maximum(m + c, 1e-6))


def _min_dists(zeros_loc, ones_loc):
    zt = zeros_loc.T
    return pl.pallas_call(
        _dist_body,
        grid=(Z // QBLK,),
        in_specs=[
            pl.BlockSpec((2, QBLK), lambda i: (0, i)),
            pl.BlockSpec((O, 2), lambda i: (0, 0)),
        ],
        out_specs=pl.BlockSpec((1, QBLK), lambda i: (0, i)),
        out_shape=jax.ShapeDtypeStruct((1, Z), jnp.float32),
    )(zt, ones_loc * -2.0)


_NTILES = 16
_ROWS = Z // 128
_RPW = _ROWS // _NTILES
_ZSLICE = H * W // _NTILES
_ZBUF = 4096


def _scatter_body(d_hbm, r_hbm, c_hbm, out_hbm, r_v, c_v, idx_v, val_v,
                  zero_v, sem, zsem):
    sid = lax.axis_index("s")
    row0 = sid * _RPW
    in_cps = [
        pltpu.async_copy(r_hbm.at[pl.ds(row0, _RPW)], r_v, sem),
        pltpu.async_copy(c_hbm.at[pl.ds(row0, _RPW)], c_v, sem),
        pltpu.async_copy(d_hbm.at[pl.ds(row0, _RPW)], val_v, sem),
    ]
    zv = jnp.zeros((16,), jnp.float32)
    for i in range(_ZBUF // 16):
        zero_v[pl.ds(i * 16, 16)] = zv
    zbase = sid * _ZSLICE
    zero_cps = [
        pltpu.async_copy(zero_v, out_hbm.at[pl.ds(zbase + j * _ZBUF, _ZBUF)],
                         zsem)
        for j in range(_ZSLICE // _ZBUF)
    ]
    for cp in in_cps:
        cp.wait()
    for j in range(_RPW):
        for i in range(128 // 16):
            s = pl.ds(i * 16, 16)
            idx_v[j, s] = r_v[j, s] * W + c_v[j, s]
    for cp in zero_cps:
        cp.wait()
    plsc.subcore_barrier()
    sc_cps = [
        pltpu.async_copy(val_v.at[j], out_hbm.at[idx_v.at[j]], sem)
        for j in range(_RPW)
    ]
    for cp in sc_cps:
        cp.wait()


def _scatter(dists2, rows2, cols2):
    mesh = plsc.VectorSubcoreMesh(core_axis_name="c", subcore_axis_name="s",
                                  num_cores=1)
    run = functools.partial(
        pl.kernel,
        out_type=jax.ShapeDtypeStruct((H * W,), jnp.float32),
        mesh=mesh,
        scratch_types=[
            pltpu.VMEM((_RPW, 128), jnp.int32),
            pltpu.VMEM((_RPW, 128), jnp.int32),
            pltpu.VMEM((_RPW, 128), jnp.int32),
            pltpu.VMEM((_RPW, 128), jnp.float32),
            pltpu.VMEM((_ZBUF,), jnp.float32),
            pltpu.SemaphoreType.DMA,
            pltpu.SemaphoreType.DMA,
        ],
    )(_scatter_body)
    return run(dists2, rows2, cols2)


def kernel(zeros_loc, ones_loc, zeros_idx):
    dists = _min_dists(zeros_loc, ones_loc)
    d2 = dists.reshape(_ROWS, 128)
    r2 = zeros_idx[:, 0].reshape(_ROWS, 128)
    c2 = zeros_idx[:, 1].reshape(_ROWS, 128)
    return _scatter(d2, r2, c2).reshape(H, W)

# --- scband reference (transcript-rebuilt; emitter-appended) ---
"""Pipeline reference for scband-samsloss-58334245814721 (READ-ONLY COPY).

The authoritative reference and input builder live on the scoring server;
editing this copy changes nothing except your own understanding.
"""

import jax, jax.numpy as jnp
import numpy as np

H = 512
W = 512
Z = 16384  # number of background (query) pixel coordinates
O = 4096   # number of nucleus (key) pixel coordinates


def setup_inputs(seed: int = 0) -> dict:
    key = jax.random.key(seed)
    k1, k2 = jax.random.split(key)
    # integer grid coordinates of background pixels (queries) and nucleus pixels (keys)
    zeros_idx = jax.random.randint(k1, (Z, 2), 0, H, dtype=jnp.int32)
    zeros_loc = zeros_idx.astype(jnp.float32)
    ones_idx = jax.random.randint(k2, (O, 2), 0, H, dtype=jnp.int32)
    ones_loc = ones_idx.astype(jnp.float32)
    return {"zeros_loc": zeros_loc, "ones_loc": ones_loc, "zeros_idx": zeros_idx}


def reference(zeros_loc, ones_loc, zeros_idx):
    # Faithful translation of SAMSLoss.distance_transform_edt:
    # brute-force 1-NN squared distances: ||z - o||^2 = -2 z.o + ||o||^2 + ||z||^2
    a = -2.0 * jnp.matmul(zeros_loc, ones_loc.T)          # [Z, O]
    b = jnp.sum(ones_loc ** 2, axis=1)                    # [O]
    c = jnp.sum(zeros_loc ** 2, axis=1)[:, None]          # [Z, 1]
    d2 = a + b + c                                        # [Z, O] pairwise squared distances
    min_d2 = jnp.min(d2, axis=1)                          # nearest-nucleus squared distance per query
    dists = jnp.sqrt(jnp.maximum(min_d2, 1e-6))           # eps-clamp for numerical safety
    # scatter nearest-neighbor distances back onto the pixel grid
    dist_transform = jnp.zeros((H, W), dtype=jnp.float32).at[zeros_idx[:, 0], zeros_idx[:, 1]].set(dists)
    return dist_transform

if __name__ == "__main__":
    import jax
    _d = setup_inputs()
    print(jax.jit(kernel)(*tuple(_d.values())))

</pallas_src>

<mosaic_0001>
#map = affine_map<(d0, d1) -> (0, 0)>
#map1 = affine_map<(d0, d1) -> (0)>
module attributes {stable_mosaic.version = 14 : i64} {
  func.func @_scatter_body(%arg0: i32, %arg1: i32, %arg2: memref<128x128xf32, #tpu.memory_space<hbm>>, %arg3: memref<128x128xi32, #tpu.memory_space<hbm>>, %arg4: memref<128x128xi32, #tpu.memory_space<hbm>>, %arg5: memref<262144xf32, #tpu.memory_space<hbm>>, %arg6: memref<8x128xi32, #tpu.memory_space<vmem>>, %arg7: memref<8x128xi32, #tpu.memory_space<vmem>>, %arg8: memref<8x128xi32, #tpu.memory_space<vmem>>, %arg9: memref<8x128xf32, #tpu.memory_space<vmem>>, %arg10: memref<4096xf32, #tpu.memory_space<vmem>>, %arg11: memref<!tpu.dma_semaphore, #tpu.memory_space<semaphore_mem>>, %arg12: memref<!tpu.dma_semaphore, #tpu.memory_space<semaphore_mem>>) attributes {dimension_semantics = [#tpu.dimension_semantics<core_parallel>, #tpu.dimension_semantics<subcore_parallel>], iteration_bounds = array<i64: 1, 16>, scalar_prefetch = 0 : i64, scratch_operands = 7 : i64, tpu.core_type = #tpu.core_type<sc_vector_subcore>, window_params = [{transform_indices = #map}, {transform_indices = #map}, {transform_indices = #map}, {transform_indices = #map1}]} {
    %mul3A = arith.constant 8 : i32
    %mul3A_0 = arith.muli %arg1, %mul3A : i32
    %dma_start3A = arith.constant 0 : i32
    %dma_start3A_1 = tpu.memref_slice %arg3[%mul3A_0, %dma_start3A] : memref<128x128xi32, #tpu.memory_space<hbm>> -> memref<8x128xi32, #tpu.memory_space<hbm>>
    %dma_start3A_2 = arith.constant 0 : i32
    %dma_start3A_3 = tpu.memref_slice %arg3[%mul3A_0, %dma_start3A_2] : memref<128x128xi32, #tpu.memory_space<hbm>> -> memref<8x128xi32, #tpu.memory_space<hbm>>
    tpu.enqueue_dma source(%dma_start3A_3 : memref<8x128xi32, #tpu.memory_space<hbm>>) target(%arg6 : memref<8x128xi32, #tpu.memory_space<vmem>>) target_semaphore(%arg11 : memref<!tpu.dma_semaphore, #tpu.memory_space<semaphore_mem>>)
    %dma_start3A_4 = arith.constant 0 : i32
    %dma_start3A_5 = tpu.memref_slice %arg4[%mul3A_0, %dma_start3A_4] : memref<128x128xi32, #tpu.memory_space<hbm>> -> memref<8x128xi32, #tpu.memory_space<hbm>>
    %dma_start3A_6 = arith.constant 0 : i32
    %dma_start3A_7 = tpu.memref_slice %arg4[%mul3A_0, %dma_start3A_6] : memref<128x128xi32, #tpu.memory_space<hbm>> -> memref<8x128xi32, #tpu.memory_space<hbm>>
    tpu.enqueue_dma source(%dma_start3A_7 : memref<8x128xi32, #tpu.memory_space<hbm>>) target(%arg7 : memref<8x128xi32, #tpu.memory_space<vmem>>) target_semaphore(%arg11 : memref<!tpu.dma_semaphore, #tpu.memory_space<semaphore_mem>>)
    %dma_start3A_8 = arith.constant 0 : i32
    %dma_start3A_9 = tpu.memref_slice %arg2[%mul3A_0, %dma_start3A_8] : memref<128x128xf32, #tpu.memory_space<hbm>> -> memref<8x128xf32, #tpu.memory_space<hbm>>
    %dma_start3A_10 = arith.constant 0 : i32
    %dma_start3A_11 = tpu.memref_slice %arg2[%mul3A_0, %dma_start3A_10] : memref<128x128xf32, #tpu.memory_space<hbm>> -> memref<8x128xf32, #tpu.memory_space<hbm>>
    tpu.enqueue_dma source(%dma_start3A_11 : memref<8x128xf32, #tpu.memory_space<hbm>>) target(%arg9 : memref<8x128xf32, #tpu.memory_space<vmem>>) target_semaphore(%arg11 : memref<!tpu.dma_semaphore, #tpu.memory_space<semaphore_mem>>)
    %broadcast_in_dim3A = arith.constant 0.000000e+00 : f32
    %broadcast_in_dim3A_12 = vector.broadcast %broadcast_in_dim3A : f32 to vector<16xf32>
    %swap3A = arith.constant 0 : index
    %swap3A_13 = tpu.vector_load %arg10[%swap3A] {strides = array<i32>} : memref<4096xf32, #tpu.memory_space<vmem>>, vector<16xf32>,
    %swap3A_14 = vector.shape_cast %swap3A_13 : vector<16xf32> to vector<16xf32>
    %swap3A_15 = vector.shape_cast %broadcast_in_dim3A_12 : vector<16xf32> to vector<16xf32>
    tpu.vector_store %arg10[%swap3A], %swap3A_15 {strides = array<i32>} : memref<4096xf32, #tpu.memory_space<vmem>>, vector<16xf32>,
    %swap3A_16 = arith.constant 16 : index
    %swap3A_17 = tpu.vector_load %arg10[%swap3A_16] {strides = array<i32>} : memref<4096xf32, #tpu.memory_space<vmem>>, vector<16xf32>,
    %swap3A_18 = vector.shape_cast %swap3A_17 : vector<16xf32> to vector<16xf32>
    %swap3A_19 = vector.shape_cast %broadcast_in_dim3A_12 : vector<16xf32> to vector<16xf32>
    tpu.vector_store %arg10[%swap3A_16], %swap3A_19 {strides = array<i32>} : memref<4096xf32, #tpu.memory_space<vmem>>, vector<16xf32>,
    %swap3A_20 = arith.constant 32 : index
    %swap3A_21 = tpu.vector_load %arg10[%swap3A_20] {strides = array<i32>} : memref<4096xf32, #tpu.memory_space<vmem>>, vector<16xf32>,
    %swap3A_22 = vector.shape_cast %swap3A_21 : vector<16xf32> to vector<16xf32>
    %swap3A_23 = vector.shape_cast %broadcast_in_dim3A_12 : vector<16xf32> to vector<16xf32>
    tpu.vector_store %arg10[%swap3A_20], %swap3A_23 {strides = array<i32>} : memref<4096xf32, #tpu.memory_space<vmem>>, vector<16xf32>,
    %swap3A_24 = arith.constant 48 : index
    %swap3A_25 = tpu.vector_load %arg10[%swap3A_24] {strides = array<i32>} : memref<4096xf32, #tpu.memory_space<vmem>>, vector<16xf32>,
    %swap3A_26 = vector.shape_cast %swap3A_25 : vector<16xf32> to vector<16xf32>
    %swap3A_27 = vector.shape_cast %broadcast_in_dim3A_12 : vector<16xf32> to vector<16xf32>
    tpu.vector_store %arg10[%swap3A_24], %swap3A_27 {strides = array<i32>} : memref<4096xf32, #tpu.memory_space<vmem>>, vector<16xf32>,
    %swap3A_28 = arith.constant 64 : index
    %swap3A_29 = tpu.vector_load %arg10[%swap3A_28] {strides = array<i32>} : memref<4096xf32, #tpu.memory_space<vmem>>, vector<16xf32>,
    %swap3A_30 = vector.shape_cast %swap3A_29 : vector<16xf32> to vector<16xf32>
    %swap3A_31 = vector.shape_cast %broadcast_in_dim3A_12 : vector<16xf32> to vector<16xf32>
    tpu.vector_store %arg10[%swap3A_28], %swap3A_31 {strides = array<i32>} : memref<4096xf32, #tpu.memory_space<vmem>>, vector<16xf32>,
    %swap3A_32 = arith.constant 80 : index
    %swap3A_33 = tpu.vector_load %arg10[%swap3A_32] {strides = array<i32>} : memref<4096xf32, #tpu.memory_space<vmem>>, vector<16xf32>,
    %swap3A_34 = vector.shape_cast %swap3A_33 : vector<16xf32> to vector<16xf32>
    %swap3A_35 = vector.shape_cast %broadcast_in_dim3A_12 : vector<16xf32> to vector<16xf32>
    tpu.vector_store %arg10[%swap3A_32], %swap3A_35 {strides = array<i32>} : memref<4096xf32, #tpu.memory_space<vmem>>, vector<16xf32>,
    %swap3A_36 = arith.constant 96 : index
    %swap3A_37 = tpu.vector_load %arg10[%swap3A_36] {strides = array<i32>} : memref<4096xf32, #tpu.memory_space<vmem>>, vector<16xf32>,
    %swap3A_38 = vector.shape_cast %swap3A_37 : vector<16xf32> to vector<16xf32>
    %swap3A_39 = vector.shape_cast %broadcast_in_dim3A_12 : vector<16xf32> to vector<16xf32>
    tpu.vector_store %arg10[%swap3A_36], %swap3A_39 {strides = array<i32>} : memref<4096xf32, #tpu.memory_space<vmem>>, vector<16xf32>,
    %swap3A_40 = arith.constant 112 : index
    %swap3A_41 = tpu.vector_load %arg10[%swap3A_40] {strides = array<i32>} : memref<4096xf32, #tpu.memory_space<vmem>>, vector<16xf32>,
    %swap3A_42 = vector.shape_cast %swap3A_41 : vector<16xf32> to vector<16xf32>
    %swap3A_43 = vector.shape_cast %broadcast_in_dim3A_12 : vector<16xf32> to vector<16xf32>
    tpu.vector_store %arg10[%swap3A_40], %swap3A_43 {strides = array<i32>} : memref<4096xf32, #tpu.memory_space<vmem>>, vector<16xf32>,
    %swap3A_44 = arith.constant 128 : index
    %swap3A_45 = tpu.vector_load %arg10[%swap3A_44] {strides = array<i32>} : memref<4096xf32, #tpu.memory_space<vmem>>, vector<16xf32>,
    %swap3A_46 = vector.shape_cast %swap3A_45 : vector<16xf32> to vector<16xf32>
    %swap3A_47 = vector.shape_cast %broadcast_in_dim3A_12 : vector<16xf32> to vector<16xf32>
    tpu.vector_store %arg10[%swap3A_44], %swap3A_47 {strides = array<i32>} : memref<4096xf32, #tpu.memory_space<vmem>>, vector<16xf32>,
    %swap3A_48 = arith.constant 144 : index
    %swap3A_49 = tpu.vector_load %arg10[%swap3A_48] {strides = array<i32>} : memref<4096xf32, #tpu.memory_space<vmem>>, vector<16xf32>,
    %swap3A_50 = vector.shape_cast %swap3A_49 : vector<16xf32> to vector<16xf32>
    %swap3A_51 = vector.shape_cast %broadcast_in_dim3A_12 : vector<16xf32> to vector<16xf32>
    tpu.vector_store %arg10[%swap3A_48], %swap3A_51 {strides = array<i32>} : memref<4096xf32, #tpu.memory_space<vmem>>, vector<16xf32>,
    %swap3A_52 = arith.constant 160 : index
    %swap3A_53 = tpu.vector_load %arg10[%swap3A_52] {strides = array<i32>} : memref<4096xf32, #tpu.memory_space<vmem>>, vector<16xf32>,
    %swap3A_54 = vector.shape_cast %swap3A_53 : vector<16xf32> to vector<16xf32>
    %swap3A_55 = vector.shape_cast %broadcast_in_dim3A_12 : vector<16xf32> to vector<16xf32>
    tpu.vector_store %arg10[%swap3A_52], %swap3A_55 {strides = array<i32>} : memref<4096xf32, #tpu.memory_space<vmem>>, vector<16xf32>,
    %swap3A_56 = arith.constant 176 : index
    %swap3A_57 = tpu.vector_load %arg10[%swap3A_56] {strides = array<i32>} : memref<4096xf32, #tpu.memory_space<vmem>>, vector<16xf32>,
    %swap3A_58 = vector.shape_cast %swap3A_57 : vector<16xf32> to vector<16xf32>
    %swap3A_59 = vector.shape_cast %broadcast_in_dim3A_12 : vector<16xf32> to vector<16xf32>
    tpu.vector_store %arg10[%swap3A_56], %swap3A_59 {strides = array<i32>} : memref<4096xf32, #tpu.memory_space<vmem>>, vector<16xf32>,
    %swap3A_60 = arith.constant 192 : index
    %swap3A_61 = tpu.vector_load %arg10[%swap3A_60] {strides = array<i32>} : memref<4096xf32, #tpu.memory_space<vmem>>, vector<16xf32>,
    %swap3A_62 = vector.shape_cast %swap3A_61 : vector<16xf32> to vector<16xf32>
    %swap3A_63 = vector.shape_cast %broadcast_in_dim3A_12 : vector<16xf32> to vector<16xf32>
    tpu.vector_store %arg10[%swap3A_60], %swap3A_63 {strides = array<i32>} : memref<4096xf32, #tpu.memory_space<vmem>>, vector<16xf32>,
    %swap3A_64 = arith.constant 208 : index
    %swap3A_65 = tpu.vector_load %arg10[%swap3A_64] {strides = array<i32>} : memref<4096xf32, #tpu.memory_space<vmem>>, vector<16xf32>,
    %swap3A_66 = vector.shape_cast %swap3A_65 : vector<16xf32> to vector<16xf32>
    %swap3A_67 = vector.shape_cast %broadcast_in_dim3A_12 : vector<16xf32> to vector<16xf32>
    tpu.vector_store %arg10[%swap3A_64], %swap3A_67 {strides = array<i32>} : memref<4096xf32, #tpu.memory_space<vmem>>, vector<16xf32>,
    %swap3A_68 = arith.constant 224 : index
    %swap3A_69 = tpu.vector_load %arg10[%swap3A_68] {strides = array<i32>} : memref<4096xf32, #tpu.memory_space<vmem>>, vector<16xf32>,
    %swap3A_70 = vector.shape_cast %swap3A_69 : vector<16xf32> to vector<16xf32>
    %swap3A_71 = vector.shape_cast %broadcast_in_dim3A_12 : vector<16xf32> to vector<16xf32>
    tpu.vector_store %arg10[%swap3A_68], %swap3A_71 {strides = array<i32>} : memref<4096xf32, #tpu.memory_space<vmem>>, vector<16xf32>,
    %swap3A_72 = arith.constant 240 : index
    %swap3A_73 = tpu.vector_load %arg10[%swap3A_72] {strides = array<i32>} : memref<4096xf32, #tpu.memory_space<vmem>>, vector<16xf32>,
    %swap3A_74 = vector.shape_cast %swap3A_73 : vector<16xf32> to vector<16xf32>
    %swap3A_75 = vector.shape_cast %broadcast_in_dim3A_12 : vector<16xf32> to vector<16xf32>
    tpu.vector_store %arg10[%swap3A_72], %swap3A_75 {strides = array<i32>} : memref<4096xf32, #tpu.memory_space<vmem>>, vector<16xf32>,
    %swap3A_76 = arith.constant 256 : index
    %swap3A_77 = tpu.vector_load %arg10[%swap3A_76] {strides = array<i32>} : memref<4096xf32, #tpu.memory_space<vmem>>, vector<16xf32>,
    %swap3A_78 = vector.shape_cast %swap3A_77 : vector<16xf32> to vector<16xf32>
    %swap3A_79 = vector.shape_cast %broadcast_in_dim3A_12 : vector<16xf32> to vector<16xf32>
    tpu.vector_store %arg10[%swap3A_76], %swap3A_79 {strides = array<i32>} : memref<4096xf32, #tpu.memory_space<vmem>>, vector<16xf32>,
    %swap3A_80 = arith.constant 272 : index
    %swap3A_81 = tpu.vector_load %arg10[%swap3A_80] {strides = array<i32>} : memref<4096xf32, #tpu.memory_space<vmem>>, vector<16xf32>,
    %swap3A_82 = vector.shape_cast %swap3A_81 : vector<16xf32> to vector<16xf32>
    %swap3A_83 = vector.shape_cast %broadcast_in_dim3A_12 : vector<16xf32> to vector<16xf32>
    tpu.vector_store %arg10[%swap3A_80], %swap3A_83 {strides = array<i32>} : memref<4096xf32, #tpu.memory_space<vmem>>, vector<16xf32>,
    %swap3A_84 = arith.constant 288 : index
    %swap3A_85 = tpu.vector_load %arg10[%swap3A_84] {strides = array<i32>} : memref<4096xf32, #tpu.memory_space<vmem>>, vector<16xf32>,
    %swap3A_86 = vector.shape_cast %swap3A_85 : vector<16xf32> to vector<16xf32>
    %swap3A_87 = vector.shape_cast %broadcast_in_dim3A_12 : vector<16xf32> to vector<16xf32>
    tpu.vector_store %arg10[%swap3A_84], %swap3A_87 {strides = array<i32>} : memref<4096xf32, #tpu.memory_space<vmem>>, vector<16xf32>,
    %swap3A_88 = arith.constant 304 : index
    %swap3A_89 = tpu.vector_load %arg10[%swap3A_88] {strides = array<i32>} : memref<4096xf32, #tpu.memory_space<vmem>>, vector<16xf32>,
    %swap3A_90 = vector.shape_cast %swap3A_89 : vector<16xf32> to vector<16xf32>
    %swap3A_91 = vector.shape_cast %broadcast_in_dim3A_12 : vector<16xf32> to vector<16xf32>
    tpu.vector_store %arg10[%swap3A_88], %swap3A_91 {strides = array<i32>} : memref<4096xf32, #tpu.memory_space<vmem>>, vector<16xf32>,
    %swap3A_92 = arith.constant 320 : index
    %swap3A_93 = tpu.vector_load %arg10[%swap3A_92] {strides = array<i32>} : memref<4096xf32, #tpu.memory_space<vmem>>, vector<16xf32>,
    %swap3A_94 = vector.shape_cast %swap3A_93 : vector<16xf32> to vector<16xf32>
    %swap3A_95 = vector.shape_cast %broadcast_in_dim3A_12 : vector<16xf32> to vector<16xf32>
    tpu.vector_store %arg10[%swap3A_92], %swap3A_95 {strides = array<i32>} : memref<4096xf32, #tpu.memory_space<vmem>>, vector<16xf32>,
    %swap3A_96 = arith.constant 336 : index
    %swap3A_97 = tpu.vector_load %arg10[%swap3A_96] {strides = array<i32>} : memref<4096xf32, #tpu.memory_space<vmem>>, vector<16xf32>,
    %swap3A_98 = vector.shape_cast %swap3A_97 : vector<16xf32> to vector<16xf32>
    %swap3A_99 = vector.shape_cast %broadcast_in_dim3A_12 : vector<16xf32> to vector<16xf32>
    tpu.vector_store %arg10[%swap3A_96], %swap3A_99 {strides = array<i32>} : memref<4096xf32, #tpu.memory_space<vmem>>, vector<16xf32>,
    %swap3A_100 = arith.constant 352 : index
    %swap3A_101 = tpu.vector_load %arg10[%swap3A_100] {strides = array<i32>} : memref<4096xf32, #tpu.memory_space<vmem>>, vector<16xf32>,
    %swap3A_102 = vector.shape_cast %swap3A_101 : vector<16xf32> to vector<16xf32>
    %swap3A_103 = vector.shape_cast %broadcast_in_dim3A_12 : vector<16xf32> to vector<16xf32>
    tpu.vector_store %arg10[%swap3A_100], %swap3A_103 {strides = array<i32>} : memref<4096xf32, #tpu.memory_space<vmem>>, vector<16xf32>,
    %swap3A_104 = arith.constant 368 : index
    %swap3A_105 = tpu.vector_load %arg10[%swap3A_104] {strides = array<i32>} : memref<4096xf32, #tpu.memory_space<vmem>>, vector<16xf32>,
    %swap3A_106 = vector.shape_cast %swap3A_105 : vector<16xf32> to vector<16xf32>
    %swap3A_107 = vector.shape_cast %broadcast_in_dim3A_12 : vector<16xf32> to vector<16xf32>
    tpu.vector_store %arg10[%swap3A_104], %swap3A_107 {strides = array<i32>} : memref<4096xf32, #tpu.memory_space<vmem>>, vector<16xf32>,
    %swap3A_108 = arith.constant 384 : index
    %swap3A_109 = tpu.vector_load %arg10[%swap3A_108] {strides = array<i32>} : memref<4096xf32, #tpu.memory_space<vmem>>, vector<16xf32>,
    %swap3A_110 = vector.shape_cast %swap3A_109 : vector<16xf32> to vector<16xf32>
    %swap3A_111 = vector.shape_cast %broadcast_in_dim3A_12 : vector<16xf32> to vector<16xf32>
    tpu.vector_store %arg10[%swap3A_108], %swap3A_111 {strides = array<i32>} : memref<4096xf32, #tpu.memory_space<vmem>>, vector<16xf32>,
    %swap3A_112 = arith.constant 400 : index
    %swap3A_113 = tpu.vector_load %arg10[%swap3A_112] {strides = array<i32>} : memref<4096xf32, #tpu.memory_space<vmem>>, vector<16xf32>,
    %swap3A_114 = vector.shape_cast %swap3A_113 : vector<16xf32> to vector<16xf32>
    %swap3A_115 = vector.shape_cast %broadcast_in_dim3A_12 : vector<16xf32> to vector<16xf32>
    tpu.vector_store %arg10[%swap3A_112], %swap3A_115 {strides = array<i32>} : memref<4096xf32, #tpu.memory_space<vmem>>, vector<16xf32>,
    %swap3A_116 = arith.constant 416 : index
    %swap3A_117 = tpu.vector_load %arg10[%swap3A_116] {strides = array<i32>} : memref<4096xf32, #tpu.memory_space<vmem>>, vector<16xf32>,
    %swap3A_118 = vector.shape_cast %swap3A_117 : vector<16xf32> to vector<16xf32>
    %swap3A_119 = vector.shape_cast %broadcast_in_dim3A_12 : vector<16xf32> to vector<16xf32>
    tpu.vector_store %arg10[%swap3A_116], %swap3A_119 {strides = array<i32>} : memref<4096xf32, #tpu.memory_space<vmem>>, vector<16xf32>,
    %swap3A_120 = arith.constant 432 : index
    %swap3A_121 = tpu.vector_load %arg10[%swap3A_120] {strides = array<i32>} : memref<4096xf32, #tpu.memory_space<vmem>>, vector<16xf32>,
    %swap3A_122 = vector.shape_cast %swap3A_121 : vector<16xf32> to vector<16xf32>
    %swap3A_123 = vector.shape_cast %broadcast_in_dim3A_12 : vector<16xf32> to vector<16xf32>
    tpu.vector_store %arg10[%swap3A_120], %swap3A_123 {strides = array<i32>} : memref<4096xf32, #tpu.memory_space<vmem>>, vector<16xf32>,
    %swap3A_124 = arith.constant 448 : index
    %swap3A_125 = tpu.vector_load %arg10[%swap3A_124] {strides = array<i32>} : memref<4096xf32, #tpu.memory_space<vmem>>, vector<16xf32>,
    %swap3A_126 = vector.shape_cast %swap3A_125 : vector<16xf32> to vector<16xf32>
    %swap3A_127 = vector.shape_cast %broadcast_in_dim3A_12 : vector<16xf32> to vector<16xf32>
    tpu.vector_store %arg10[%swap3A_124], %swap3A_127 {strides = array<i32>} : memref<4096xf32, #tpu.memory_space<vmem>>, vector<16xf32>,
    %swap3A_128 = arith.constant 464 : index
    %swap3A_129 = tpu.vector_load %arg10[%swap3A_128] {strides = array<i32>} : memref<4096xf32, #tpu.memory_space<vmem>>, vector<16xf32>,
    %swap3A_130 = vector.shape_cast %swap3A_129 : vector<16xf32> to vector<16xf32>
    %swap3A_131 = vector.shape_cast %broadcast_in_dim3A_12 : vector<16xf32> to vector<16xf32>
    tpu.vector_store %arg10[%swap3A_128], %swap3A_131 {strides = array<i32>} : memref<4096xf32, #tpu.memory_space<vmem>>, vector<16xf32>,
    %swap3A_132 = arith.constant 480 : index
    %swap3A_133 = tpu.vector_load %arg10[%swap3A_132] {strides = array<i32>} : memref<4096xf32, #tpu.memory_space<vmem>>, vector<16xf32>,
    %swap3A_134 = vector.shape_cast %swap3A_133 : vector<16xf32> to vector<16xf32>
    %swap3A_135 = vector.shape_cast %broadcast_in_dim3A_12 : vector<16xf32> to vector<16xf32>
    tpu.vector_store %arg10[%swap3A_132], %swap3A_135 {strides = array<i32>} : memref<4096xf32, #tpu.memory_space<vmem>>, vector<16xf32>,
    %swap3A_136 = arith.constant 496 : index
    %swap3A_137 = tpu.vector_load %arg10[%swap3A_136] {strides = array<i32>} : memref<4096xf32, #tpu.memory_space<vmem>>, vector<16xf32>,
    %swap3A_138 = vector.shape_cast %swap3A_137 : vector<16xf32> to vector<16xf32>
    %swap3A_139 = vector.shape_cast %broadcast_in_dim3A_12 : vector<16xf32> to vector<16xf32>
    tpu.vector_store %arg10[%swap3A_136], %swap3A_139 {strides = array<i32>} : memref<4096xf32, #tpu.memory_space<vmem>>, vector<16xf32>,
    %swap3A_140 = arith.constant 512 : index
    %swap3A_141 = tpu.vector_load %arg10[%swap3A_140] {strides = array<i32>} : memref<4096xf32, #tpu.memory_space<vmem>>, vector<16xf32>,
    %swap3A_142 = vector.shape_cast %swap3A_141 : vector<16xf32> to vector<16xf32>
    %swap3A_143 = vector.shape_cast %broadcast_in_dim3A_12 : vector<16xf32> to vector<16xf32>
    tpu.vector_store %arg10[%swap3A_140], %swap3A_143 {strides = array<i32>} : memref<4096xf32, #tpu.memory_space<vmem>>, vector<16xf32>,
    %swap3A_144 = arith.constant 528 : index
    %swap3A_145 = tpu.vector_load %arg10[%swap3A_144] {strides = array<i32>} : memref<4096xf32, #tpu.memory_space<vmem>>, vector<16xf32>,
    %swap3A_146 = vector.shape_cast %swap3A_145 : vector<16xf32> to vector<16xf32>
    %swap3A_147 = vector.shape_cast %broadcast_in_dim3A_12 : vector<16xf32> to vector<16xf32>
    tpu.vector_store %arg10[%swap3A_144], %swap3A_147 {strides = array<i32>} : memref<4096xf32, #tpu.memory_space<vmem>>, vector<16xf32>,
    %swap3A_148 = arith.constant 544 : index
    %swap3A_149 = tpu.vector_load %arg10[%swap3A_148] {strides = array<i32>} : memref<4096xf32, #tpu.memory_space<vmem>>, vector<16xf32>,
    %swap3A_150 = vector.shape_cast %swap3A_149 : vector<16xf32> to vector<16xf32>
    %swap3A_151 = vector.shape_cast %broadcast_in_dim3A_12 : vector<16xf32> to vector<16xf32>
    tpu.vector_store %arg10[%swap3A_148], %swap3A_151 {strides = array<i32>} : memref<4096xf32, #tpu.memory_space<vmem>>, vector<16xf32>,
    %swap3A_152 = arith.constant 560 : index
    %swap3A_153 = tpu.vector_load %arg10[%swap3A_152] {strides = array<i32>} : memref<4096xf32, #tpu.memory_space<vmem>>, vector<16xf32>,
    %swap3A_154 = vector.shape_cast %swap3A_153 : vector<16xf32> to vector<16xf32>
    %swap3A_155 = vector.shape_cast %broadcast_in_dim3A_12 : vector<16xf32> to vector<16xf32>
    tpu.vector_store %arg10[%swap3A_152], %swap3A_155 {strides = array<i32>} : memref<4096xf32, #tpu.memory_space<vmem>>, vector<16xf32>,
    %swap3A_156 = arith.constant 576 : index
    %swap3A_157 = tpu.vector_load %arg10[%swap3A_156] {strides = array<i32>} : memref<4096xf32, #tpu.memory_space<vmem>>, vector<16xf32>,
    %swap3A_158 = vector.shape_cast %swap3A_157 : vector<16xf32> to vector<16xf32>
    %swap3A_159 = vector.shape_cast %broadcast_in_dim3A_12 : vector<16xf32> to vector<16xf32>
    tpu.vector_store %arg10[%swap3A_156], %swap3A_159 {strides = array<i32>} : memref<4096xf32, #tpu.memory_space<vmem>>, vector<16xf32>,
    %swap3A_160 = arith.constant 592 : index
    %swap3A_161 = tpu.vector_load %arg10[%swap3A_160] {strides = array<i32>} : memref<4096xf32, #tpu.memory_space<vmem>>, vector<16xf32>,
    %swap3A_162 = vector.shape_cast %swap3A_161 : vector<16xf32> to vector<16xf32>
    %swap3A_163 = vector.shape_cast %broadcast_in_dim3A_12 : vector<16xf32> to vector<16xf32>
    tpu.vector_store %arg10[%swap3A_160], %swap3A_163 {strides = array<i32>} : memref<4096xf32, #tpu.memory_space<vmem>>, vector<16xf32>,
    %swap3A_164 = arith.constant 608 : index
    %swap3A_165 = tpu.vector_load %arg10[%swap3A_164] {strides = array<i32>} : memref<4096xf32, #tpu.memory_space<vmem>>, vector<16xf32>,
    %swap3A_166 = vector.shape_cast %swap3A_165 : vector<16xf32> to vector<16xf32>
    %swap3A_167 = vector.shape_cast %broadcast_in_dim3A_12 : vector<16xf32> to vector<16xf32>
    tpu.vector_store %arg10[%swap3A_164], %swap3A_167 {strides = array<i32>} : memref<4096xf32, #tpu.memory_space<vmem>>, vector<16xf32>,
    %swap3A_168 = arith.constant 624 : index
    %swap3A_169 = tpu.vector_load %arg10[%swap3A_168] {strides = array<i32>} : memref<4096xf32, #tpu.memory_space<vmem>>, vector<16xf32>,
    %swap3A_170 = vector.shape_cast %swap3A_169 : vector<16xf32> to vector<16xf32>
    %swap3A_171 = vector.shape_cast %broadcast_in_dim3A_12 : vector<16xf32> to vector<16xf32>
    tpu.vector_store %arg10[%swap3A_168], %swap3A_171 {strides = array<i32>} : memref<4096xf32, #tpu.memory_space<vmem>>, vector<16xf32>,
    %swap3A_172 = arith.constant 640 : index
    %swap3A_173 = tpu.vector_load %arg10[%swap3A_172] {strides = array<i32>} : memref<4096xf32, #tpu.memory_space<vmem>>, vector<16xf32>,
    %swap3A_174 = vector.shape_cast %swap3A_173 : vector<16xf32> to vector<16xf32>
    %swap3A_175 = vector.shape_cast %broadcast_in_dim3A_12 : vector<16xf32> to vector<16xf32>
    tpu.vector_store %arg10[%swap3A_172], %swap3A_175 {strides = array<i32>} : memref<4096xf32, #tpu.memory_space<vmem>>, vector<16xf32>,
    %swap3A_176 = arith.constant 656 : index
    %swap3A_177 = tpu.vector_load %arg10[%swap3A_176] {strides = array<i32>} : memref<4096xf32, #tpu.memory_space<vmem>>, vector<16xf32>,
    %swap3A_178 = vector.shape_cast %swap3A_177 : vector<16xf32> to vector<16xf32>
    %swap3A_179 = vector.shape_cast %broadcast_in_dim3A_12 : vector<16xf32> to vector<16xf32>
    tpu.vector_store %arg10[%swap3A_176], %swap3A_179 {strides = array<i32>} : memref<4096xf32, #tpu.memory_space<vmem>>, vector<16xf32>,
    %swap3A_180 = arith.constant 672 : index
    %swap3A_181 = tpu.vector_load %arg10[%swap3A_180] {strides = array<i32>} : memref<4096xf32, #tpu.memory_space<vmem>>, vector<16xf32>,
    %swap3A_182 = vector.shape_cast %swap3A_181 : vector<16xf32> to vector<16xf32>
    %swap3A_183 = vector.shape_cast %broadcast_in_dim3A_12 : vector<16xf32> to vector<16xf32>
    tpu.vector_store %arg10[%swap3A_180], %swap3A_183 {strides = array<i32>} : memref<4096xf32, #tpu.memory_space<vmem>>, vector<16xf32>,
    %swap3A_184 = arith.constant 688 : index
    %swap3A_185 = tpu.vector_load %arg10[%swap3A_184] {strides = array<i32>} : memref<4096xf32, #tpu.memory_space<vmem>>, vector<16xf32>,
    %swap3A_186 = vector.shape_cast %swap3A_185 : vector<16xf32> to vector<16xf32>
    %swap3A_187 = vector.shape_cast %broadcast_in_dim3A_12 : vector<16xf32> to vector<16xf32>
    tpu.vector_store %arg10[%swap3A_184], %swap3A_187 {strides = array<i32>} : memref<4096xf32, #tpu.memory_space<vmem>>, vector<16xf32>,
    %swap3A_188 = arith.constant 704 : index
    %swap3A_189 = tpu.vector_load %arg10[%swap3A_188] {strides = array<i32>} : memref<4096xf32, #tpu.memory_space<vmem>>, vector<16xf32>,
    %swap3A_190 = vector.shape_cast %swap3A_189 : vector<16xf32> to vector<16xf32>
    %swap3A_191 = vector.shape_cast %broadcast_in_dim3A_12 : vector<16xf32> to vector<16xf32>
    tpu.vector_store %arg10[%swap3A_188], %swap3A_191 {strides = array<i32>} : memref<4096xf32, #tpu.memory_space<vmem>>, vector<16xf32>,
    %swap3A_192 = arith.constant 720 : index
    %swap3A_193 = tpu.vector_load %arg10[%swap3A_192] {strides = array<i32>} : memref<4096xf32, #tpu.memory_space<vmem>>, vector<16xf32>,
    %swap3A_194 = vector.shape_cast %swap3A_193 : vector<16xf32> to vector<16xf32>
    %swap3A_195 = vector.shape_cast %broadcast_in_dim3A_12 : vector<16xf32> to vector<16xf32>
    tpu.vector_store %arg10[%swap3A_192], %swap3A_195 {strides = array<i32>} : memref<4096xf32, #tpu.memory_space<vmem>>, vector<16xf32>,
    %swap3A_196 = arith.constant 736 : index
    %swap3A_197 = tpu.vector_load %arg10[%swap3A_196] {strides = array<i32>} : memref<4096xf32, #tpu.memory_space<vmem>>, vector<16xf32>,
    %swap3A_198 = vector.shape_cast %swap3A_197 : vector<16xf32> to vector<16xf32>
    %swap3A_199 = vector.shape_cast %broadcast_in_dim3A_12 : vector<16xf32> to vector<16xf32>
    tpu.vector_store %arg10[%swap3A_196], %swap3A_199 {strides = array<i32>} : memref<4096xf32, #tpu.memory_space<vmem>>, vector<16xf32>,
    %swap3A_200 = arith.constant 752 : index
    %swap3A_201 = tpu.vector_load %arg10[%swap3A_200] {strides = array<i32>} : memref<4096xf32, #tpu.memory_space<vmem>>, vector<16xf32>,
    %swap3A_202 = vector.shape_cast %swap3A_201 : vector<16xf32> to vector<16xf32>
    %swap3A_203 = vector.shape_cast %broadcast_in_dim3A_12 : vector<16xf32> to vector<16xf32>
    tpu.vector_store %arg10[%swap3A_200], %swap3A_203 {strides = array<i32>} : memref<4096xf32, #tpu.memory_space<vmem>>, vector<16xf32>,
    %swap3A_204 = arith.constant 768 : index
    %swap3A_205 = tpu.vector_load %arg10[%swap3A_204] {strides = array<i32>} : memref<4096xf32, #tpu.memory_space<vmem>>, vector<16xf32>,
    %swap3A_206 = vector.shape_cast %swap3A_205 : vector<16xf32> to vector<16xf32>
    %swap3A_207 = vector.shape_cast %broadcast_in_dim3A_12 : vector<16xf32> to vector<16xf32>
    tpu.vector_store %arg10[%swap3A_204], %swap3A_207 {strides = array<i32>} : memref<4096xf32, #tpu.memory_space<vmem>>, vector<16xf32>,
    %swap3A_208 = arith.constant 784 : index
    %swap3A_209 = tpu.vector_load %arg10[%swap3A_208] {strides = array<i32>} : memref<4096xf32, #tpu.memory_space<vmem>>, vector<16xf32>,
    %swap3A_210 = vector.shape_cast %swap3A_209 : vector<16xf32> to vector<16xf32>
    %swap3A_211 = vector.shape_cast %broadcast_in_dim3A_12 : vector<16xf32> to vector<16xf32>
    tpu.vector_store %arg10[%swap3A_208], %swap3A_211 {strides = array<i32>} : memref<4096xf32, #tpu.memory_space<vmem>>, vector<16xf32>,
    %swap3A_212 = arith.constant 800 : index
    %swap3A_213 = tpu.vector_load %arg10[%swap3A_212] {strides = array<i32>} : memref<4096xf32, #tpu.memory_space<vmem>>, vector<16xf32>,
    %swap3A_214 = vector.shape_cast %swap3A_213 : vector<16xf32> to vector<16xf32>
    %swap3A_215 = vector.shape_cast %broadcast_in_dim3A_12 : vector<16xf32> to vector<16xf32>
    tpu.vector_store %arg10[%swap3A_212], %swap3A_215 {strides = array<i32>} : memref<4096xf32, #tpu.memory_space<vmem>>, vector<16xf32>,
    %swap3A_216 = arith.constant 816 : index
    %swap3A_217 = tpu.vector_load %arg10[%swap3A_216] {strides = array<i32>} : memref<4096xf32, #tpu.memory_space<vmem>>, vector<16xf32>,
    %swap3A_218 = vector.shape_cast %swap3A_217 : vector<16xf32> to vector<16xf32>
    %swap3A_219 = vector.shape_cast %broadcast_in_dim3A_12 : vector<16xf32> to vector<16xf32>
    tpu.vector_store %arg10[%swap3A_216], %swap3A_219 {strides = array<i32>} : memref<4096xf32, #tpu.memory_space<vmem>>, vector<16xf32>,
    %swap3A_220 = arith.constant 832 : index
    %swap3A_221 = tpu.vector_load %arg10[%swap3A_220] {strides = array<i32>} : memref<4096xf32, #tpu.memory_space<vmem>>, vector<16xf32>,
    %swap3A_222 = vector.shape_cast %swap3A_221 : vector<16xf32> to vector<16xf32>
    %swap3A_223 = vector.shape_cast %broadcast_in_dim3A_12 : vector<16xf32> to vector<16xf32>
    tpu.vector_store %arg10[%swap3A_220], %swap3A_223 {strides = array<i32>} : memref<4096xf32, #tpu.memory_space<vmem>>, vector<16xf32>,
    %swap3A_224 = arith.constant 848 : index
    %swap3A_225 = tpu.vector_load %arg10[%swap3A_224] {strides = array<i32>} : memref<4096xf32, #tpu.memory_space<vmem>>, vector<16xf32>,
    %swap3A_226 = vector.shape_cast %swap3A_225 : vector<16xf32> to vector<16xf32>
    %swap3A_227 = vector.shape_cast %broadcast_in_dim3A_12 : vector<16xf32> to vector<16xf32>
    tpu.vector_store %arg10[%swap3A_224], %swap3A_227 {strides = array<i32>} : memref<4096xf32, #tpu.memory_space<vmem>>, vector<16xf32>,
    %swap3A_228 = arith.constant 864 : index
    %swap3A_229 = tpu.vector_load %arg10[%swap3A_228] {strides = array<i32>} : memref<4096xf32, #tpu.memory_space<vmem>>, vector<16xf32>,
    %swap3A_230 = vector.shape_cast %swap3A_229 : vector<16xf32> to vector<16xf32>
    %swap3A_231 = vector.shape_cast %broadcast_in_dim3A_12 : vector<16xf32> to vector<16xf32>
    tpu.vector_store %arg10[%swap3A_228], %swap3A_231 {strides = array<i32>} : memref<4096xf32, #tpu.memory_space<vmem>>, vector<16xf32>,
    %swap3A_232 = arith.constant 880 : index
    %swap3A_233 = tpu.vector_load %arg10[%swap3A_232] {strides = array<i32>} : memref<4096xf32, #tpu.memory_space<vmem>>, vector<16xf32>,
    %swap3A_234 = vector.shape_cast %swap3A_233 : vector<16xf32> to vector<16xf32>
    %swap3A_235 = vector.shape_cast %broadcast_in_dim3A_12 : vector<16xf32> to vector<16xf32>
    tpu.vector_store %arg10[%swap3A_232], %swap3A_235 {strides = array<i32>} : memref<4096xf32, #tpu.memory_space<vmem>>, vector<16xf32>,
    %swap3A_236 = arith.constant 896 : index
    %swap3A_237 = tpu.vector_load %arg10[%swap3A_236] {strides = array<i32>} : memref<4096xf32, #tpu.memory_space<vmem>>, vector<16xf32>,
    %swap3A_238 = vector.shape_cast %swap3A_237 : vector<16xf32> to vector<16xf32>
    %swap3A_239 = vector.shape_cast %broadcast_in_dim3A_12 : vector<16xf32> to vector<16xf32>
    tpu.vector_store %arg10[%swap3A_236], %swap3A_239 {strides = array<i32>} : memref<4096xf32, #tpu.memory_space<vmem>>, vector<16xf32>,
    %swap3A_240 = arith.constant 912 : index
    %swap3A_241 = tpu.vector_load %arg10[%swap3A_240] {strides = array<i32>} : memref<4096xf32, #tpu.memory_space<vmem>>, vector<16xf32>,
    %swap3A_242 = vector.shape_cast %swap3A_241 : vector<16xf32> to vector<16xf32>
    %swap3A_243 = vector.shape_cast %broadcast_in_dim3A_12 : vector<16xf32> to vector<16xf32>
    tpu.vector_store %arg10[%swap3A_240], %swap3A_243 {strides = array<i32>} : memref<4096xf32, #tpu.memory_space<vmem>>, vector<16xf32>,
    %swap3A_244 = arith.constant 928 : index
    %swap3A_245 = tpu.vector_load %arg10[%swap3A_244] {strides = array<i32>} : memref<4096xf32, #tpu.memory_space<vmem>>, vector<16xf32>,
    %swap3A_246 = vector.shape_cast %swap3A_245 : vector<16xf32> to vector<16xf32>
    %swap3A_247 = vector.shape_cast %broadcast_in_dim3A_12 : vector<16xf32> to vector<16xf32>
    tpu.vector_store %arg10[%swap3A_244], %swap3A_247 {strides = array<i32>} : memref<4096xf32, #tpu.memory_space<vmem>>, vector<16xf32>,
    %swap3A_248 = arith.constant 944 : index
    %swap3A_249 = tpu.vector_load %arg10[%swap3A_248] {strides = array<i32>} : memref<4096xf32, #tpu.memory_space<vmem>>, vector<16xf32>,
    %swap3A_250 = vector.shape_cast %swap3A_249 : vector<16xf32> to vector<16xf32>
    %swap3A_251 = vector.shape_cast %broadcast_in_dim3A_12 : vector<16xf32> to vector<16xf32>
    tpu.vector_store %arg10[%swap3A_248], %swap3A_251 {strides = array<i32>} : memref<4096xf32, #tpu.memory_space<vmem>>, vector<16xf32>,
    %swap3A_252 = arith.constant 960 : index
    %swap3A_253 = tpu.vector_load %arg10[%swap3A_252] {strides = array<i32>} : memref<4096xf32, #tpu.memory_space<vmem>>, vector<16xf32>,
    %swap3A_254 = vector.shape_cast %swap3A_253 : vector<16xf32> to vector<16xf32>
    %swap3A_255 = vector.shape_cast %broadcast_in_dim3A_12 : vector<16xf32> to vector<16xf32>
    tpu.vector_store %arg10[%swap3A_252], %swap3A_255 {strides = array<i32>} : memref<4096xf32, #tpu.memory_space<vmem>>, vector<16xf32>,
    %swap3A_256 = arith.constant 976 : index
    %swap3A_257 = tpu.vector_load %arg10[%swap3A_256] {strides = array<i32>} : memref<4096xf32, #tpu.memory_space<vmem>>, vector<16xf32>,
    %swap3A_258 = vector.shape_cast %swap3A_257 : vector<16xf32> to vector<16xf32>
    %swap3A_259 = vector.shape_cast %broadcast_in_dim3A_12 : vector<16xf32> to vector<16xf32>
    tpu.vector_store %arg10[%swap3A_256], %swap3A_259 {strides = array<i32>} : memref<4096xf32, #tpu.memory_space<vmem>>, vector<16xf32>,
    %swap3A_260 = arith.constant 992 : index
    %swap3A_261 = tpu.vector_load %arg10[%swap3A_260] {strides = array<i32>} : memref<4096xf32, #tpu.memory_space<vmem>>, vector<16xf32>,
    %swap3A_262 = vector.shape_cast %swap3A_261 : vector<16xf32> to vector<16xf32>
    %swap3A_263 = vector.shape_cast %broadcast_in_dim3A_12 : vector<16xf32> to vector<16xf32>
    tpu.vector_store %arg10[%swap3A_260], %swap3A_263 {strides = array<i32>} : memref<4096xf32, #tpu.memory_space<vmem>>, vector<16xf32>,
    %swap3A_264 = arith.constant 1008 : index
    %swap3A_265 = tpu.vector_load %arg10[%swap3A_264] {strides = array<i32>} : memref<4096xf32, #tpu.memory_space<vmem>>, vector<16xf32>,
    %swap3A_266 = vector.shape_cast %swap3A_265 : vector<16xf32> to vector<16xf32>
    %swap3A_267 = vector.shape_cast %broadcast_in_dim3A_12 : vector<16xf32> to vector<16xf32>
    tpu.vector_store %arg10[%swap3A_264], %swap3A_267 {strides = array<i32>} : memref<4096xf32, #tpu.memory_space<vmem>>, vector<16xf32>,
    %swap3A_268 = arith.constant 1024 : index
    %swap3A_269 = tpu.vector_load %arg10[%swap3A_268] {strides = array<i32>} : memref<4096xf32, #tpu.memory_space<vmem>>, vector<16xf32>,
    %swap3A_270 = vector.shape_cast %swap3A_269 : vector<16xf32> to vector<16xf32>
    %swap3A_271 = vector.shape_cast %broadcast_in_dim3A_12 : vector<16xf32> to vector<16xf32>
    tpu.vector_store %arg10[%swap3A_268], %swap3A_271 {strides = array<i32>} : memref<4096xf32, #tpu.memory_space<vmem>>, vector<16xf32>,
    %swap3A_272 = arith.constant 1040 : index
    %swap3A_273 = tpu.vector_load %arg10[%swap3A_272] {strides = array<i32>} : memref<4096xf32, #tpu.memory_space<vmem>>, vector<16xf32>,
    %swap3A_274 = vector.shape_cast %swap3A_273 : vector<16xf32> to vector<16xf32>
    %swap3A_275 = vector.shape_cast %broadcast_in_dim3A_12 : vector<16xf32> to vector<16xf32>
    tpu.vector_store %arg10[%swap3A_272], %swap3A_275 {strides = array<i32>} : memref<4096xf32, #tpu.memory_space<vmem>>, vector<16xf32>,
    %swap3A_276 = arith.constant 1056 : index
    %swap3A_277 = tpu.vector_load %arg10[%swap3A_276] {strides = array<i32>} : memref<4096xf32, #tpu.memory_space<vmem>>, vector<16xf32>,
    %swap3A_278 = vector.shape_cast %swap3A_277 : vector<16xf32> to vector<16xf32>
    %swap3A_279 = vector.shape_cast %broadcast_in_dim3A_12 : vector<16xf32> to vector<16xf32>
    tpu.vector_store %arg10[%swap3A_276], %swap3A_279 {strides = array<i32>} : memref<4096xf32, #tpu.memory_space<vmem>>, vector<16xf32>,
    %swap3A_280 = arith.constant 1072 : index
    %swap3A_281 = tpu.vector_load %arg10[%swap3A_280] {strides = array<i32>} : memref<4096xf32, #tpu.memory_space<vmem>>, vector<16xf32>,
    %swap3A_282 = vector.shape_cast %swap3A_281 : vector<16xf32> to vector<16xf32>
    %swap3A_283 = vector.shape_cast %broadcast_in_dim3A_12 : vector<16xf32> to vector<16xf32>
    tpu.vector_store %arg10[%swap3A_280], %swap3A_283 {strides = array<i32>} : memref<4096xf32, #tpu.memory_space<vmem>>, vector<16xf32>,
    %swap3A_284 = arith.constant 1088 : index
    %swap3A_285 = tpu.vector_load %arg10[%swap3A_284] {strides = array<i32>} : memref<4096xf32, #tpu.memory_space<vmem>>, vector<16xf32>,
    %swap3A_286 = vector.shape_cast %swap3A_285 : vector<16xf32> to vector<16xf32>
    %swap3A_287 = vector.shape_cast %broadcast_in_dim3A_12 : vector<16xf32> to vector<16xf32>
    tpu.vector_store %arg10[%swap3A_284], %swap3A_287 {strides = array<i32>} : memref<4096xf32, #tpu.memory_space<vmem>>, vector<16xf32>,
    %swap3A_288 = arith.constant 1104 : index
    %swap3A_289 = tpu.vector_load %arg10[%swap3A_288] {strides = array<i32>} : memref<4096xf32, #tpu.memory_space<vmem>>, vector<16xf32>,
    %swap3A_290 = vector.shape_cast %swap3A_289 : vector<16xf32> to vector<16xf32>
    %swap3A_291 = vector.shape_cast %broadcast_in_dim3A_12 : vector<16xf32> to vector<16xf32>
    tpu.vector_store %arg10[%swap3A_288], %swap3A_291 {strides = array<i32>} : memref<4096xf32, #tpu.memory_space<vmem>>, vector<16xf32>,
    %swap3A_292 = arith.constant 1120 : index
    %swap3A_293 = tpu.vector_load %arg10[%swap3A_292] {strides = array<i32>} : memref<4096xf32, #tpu.memory_space<vmem>>, vector<16xf32>,
    %swap3A_294 = vector.shape_cast %swap3A_293 : vector<16xf32> to vector<16xf32>
    %swap3A_295 = vector.shape_cast %broadcast_in_dim3A_12 : vector<16xf32> to vector<16xf32>
    tpu.vector_store %arg10[%swap3A_292], %swap3A_295 {strides = array<i32>} : memref<4096xf32, #tpu.memory_space<vmem>>, vector<16xf32>,
    %swap3A_296 = arith.constant 1136 : index
    %swap3A_297 = tpu.vector_load %arg10[%swap3A_296] {strides = array<i32>} : memref<4096xf32, #tpu.memory_space<vmem>>, vector<16xf32>,
    %swap3A_298 = vector.shape_cast %swap3A_297 : vector<16xf32> to vector<16xf32>
    %swap3A_299 = vector.shape_cast %broadcast_in_dim3A_12 : vector<16xf32> to vector<16xf32>
    tpu.vector_store %arg10[%swap3A_296], %swap3A_299 {strides = array<i32>} : memref<4096xf32, #tpu.memory_space<vmem>>, vector<16xf32>,
    %swap3A_300 = arith.constant 1152 : index
    %swap3A_301 = tpu.vector_load %arg10[%swap3A_300] {strides = array<i32>} : memref<4096xf32, #tpu.memory_space<vmem>>, vector<16xf32>,
    %swap3A_302 = vector.shape_cast %swap3A_301 : vector<16xf32> to vector<16xf32>
    %swap3A_303 = vector.shape_cast %broadcast_in_dim3A_12 : vector<16xf32> to vector<16xf32>
    tpu.vector_store %arg10[%swap3A_300], %swap3A_303 {strides = array<i32>} : memref<4096xf32, #tpu.memory_space<vmem>>, vector<16xf32>,
    %swap3A_304 = arith.constant 1168 : index
    %swap3A_305 = tpu.vector_load %arg10[%swap3A_304] {strides = array<i32>} : memref<4096xf32, #tpu.memory_space<vmem>>, vector<16xf32>,
    %swap3A_306 = vector.shape_cast %swap3A_305 : vector<16xf32> to vector<16xf32>
    %swap3A_307 = vector.shape_cast %broadcast_in_dim3A_12 : vector<16xf32> to vector<16xf32>
    tpu.vector_store %arg10[%swap3A_304], %swap3A_307 {strides = array<i32>} : memref<4096xf32, #tpu.memory_space<vmem>>, vector<16xf32>,
    %swap3A_308 = arith.constant 1184 : index
    %swap3A_309 = tpu.vector_load %arg10[%swap3A_308] {strides = array<i32>} : memref<4096xf32, #tpu.memory_space<vmem>>, vector<16xf32>,
    %swap3A_310 = vector.shape_cast %swap3A_309 : vector<16xf32> to vector<16xf32>
    %swap3A_311 = vector.shape_cast %broadcast_in_dim3A_12 : vector<16xf32> to vector<16xf32>
    tpu.vector_store %arg10[%swap3A_308], %swap3A_311 {strides = array<i32>} : memref<4096xf32, #tpu.memory_space<vmem>>, vector<16xf32>,
    %swap3A_312 = arith.constant 1200 : index
    %swap3A_313 = tpu.vector_load %arg10[%swap3A_312] {strides = array<i32>} : memref<4096xf32, #tpu.memory_space<vmem>>, vector<16xf32>,
    %swap3A_314 = vector.shape_cast %swap3A_313 : vector<16xf32> to vector<16xf32>
    %swap3A_315 = vector.shape_cast %broadcast_in_dim3A_12 : vector<16xf32> to vector<16xf32>
    tpu.vector_store %arg10[%swap3A_312], %swap3A_315 {strides = array<i32>} : memref<4096xf32, #tpu.memory_space<vmem>>, vector<16xf32>,
    %swap3A_316 = arith.constant 1216 : index
    %swap3A_317 = tpu.vector_load %arg10[%swap3A_316] {strides = array<i32>} : memref<4096xf32, #tpu.memory_space<vmem>>, vector<16xf32>,
    %swap3A_318 = vector.shape_cast %swap3A_317 : vector<16xf32> to vector<16xf32>
    %swap3A_319 = vector.shape_cast %broadcast_in_dim3A_12 : vector<16xf32> to vector<16xf32>
    tpu.vector_store %arg10[%swap3A_316], %swap3A_319 {strides = array<i32>} : memref<4096xf32, #tpu.memory_space<vmem>>, vector<16xf32>,
    %swap3A_320 = arith.constant 1232 : index
    %swap3A_321 = tpu.vector_load %arg10[%swap3A_320] {strides = array<i32>} : memref<4096xf32, #tpu.memory_space<vmem>>, vector<16xf32>,
    %swap3A_322 = vector.shape_cast %swap3A_321 : vector<16xf32> to vector<16xf32>
    %swap3A_323 = vector.shape_cast %broadcast_in_dim3A_12 : vector<16xf32> to vector<16xf32>
    tpu.vector_store %arg10[%swap3A_320], %swap3A_323 {strides = array<i32>} : memref<4096xf32, #tpu.memory_space<vmem>>, vector<16xf32>,
    %swap3A_324 = arith.constant 1248 : index
    %swap3A_325 = tpu.vector_load %arg10[%swap3A_324] {strides = array<i32>} : memref<4096xf32, #tpu.memory_space<vmem>>, vector<16xf32>,
    %swap3A_326 = vector.shape_cast %swap3A_325 : vector<16xf32> to vector<16xf32>
    %swap3A_327 = vector.shape_cast %broadcast_in_dim3A_12 : vector<16xf32> to vector<16xf32>
    tpu.vector_store %arg10[%swap3A_324], %swap3A_327 {strides = array<i32>} : memref<4096xf32, #tpu.memory_space<vmem>>, vector<16xf32>,
    %swap3A_328 = arith.constant 1264 : index
    %swap3A_329 = tpu.vector_load %arg10[%swap3A_328] {strides = array<i32>} : memref<4096xf32, #tpu.memory_space<vmem>>, vector<16xf32>,
    %swap3A_330 = vector.shape_cast %swap3A_329 : vector<16xf32> to vector<16xf32>
    %swap3A_331 = vector.shape_cast %broadcast_in_dim3A_12 : vector<16xf32> to vector<16xf32>
    tpu.vector_store %arg10[%swap3A_328], %swap3A_331 {strides = array<i32>} : memref<4096xf32, #tpu.memory_space<vmem>>, vector<16xf32>,
    %swap3A_332 = arith.constant 1280 : index
    %swap3A_333 = tpu.vector_load %arg10[%swap3A_332] {strides = array<i32>} : memref<4096xf32, #tpu.memory_space<vmem>>, vector<16xf32>,
    %swap3A_334 = vector.shape_cast %swap3A_333 : vector<16xf32> to vector<16xf32>
    %swap3A_335 = vector.shape_cast %broadcast_in_dim3A_12 : vector<16xf32> to vector<16xf32>
    tpu.vector_store %arg10[%swap3A_332], %swap3A_335 {strides = array<i32>} : memref<4096xf32, #tpu.memory_space<vmem>>, vector<16xf32>,
    %swap3A_336 = arith.constant 1296 : index
    %swap3A_337 = tpu.vector_load %arg10[%swap3A_336] {strides = array<i32>} : memref<4096xf32, #tpu.memory_space<vmem>>, vector<16xf32>,
    %swap3A_338 = vector.shape_cast %swap3A_337 : vector<16xf32> to vector<16xf32>
    %swap3A_339 = vector.shape_cast %broadcast_in_dim3A_12 : vector<16xf32> to vector<16xf32>
    tpu.vector_store %arg10[%swap3A_336], %swap3A_339 {strides = array<i32>} : memref<4096xf32, #tpu.memory_space<vmem>>, vector<16xf32>,
    %swap3A_340 = arith.constant 1312 : index
    %swap3A_341 = tpu.vector_load %arg10[%swap3A_340] {strides = array<i32>} : memref<4096xf32, #tpu.memory_space<vmem>>, vector<16xf32>,
    %swap3A_342 = vector.shape_cast %swap3A_341 : vector<16xf32> to vector<16xf32>
    %swap3A_343 = vector.shape_cast %broadcast_in_dim3A_12 : vector<16xf32> to vector<16xf32>
    tpu.vector_store %arg10[%swap3A_340], %swap3A_343 {strides = array<i32>} : memref<4096xf32, #tpu.memory_space<vmem>>, vector<16xf32>,
    %swap3A_344 = arith.constant 1328 : index
    %swap3A_345 = tpu.vector_load %arg10[%swap3A_344] {strides = array<i32>} : memref<4096xf32, #tpu.memory_space<vmem>>, vector<16xf32>,
    %swap3A_346 = vector.shape_cast %swap3A_345 : vector<16xf32> to vector<16xf32>
    %swap3A_347 = vector.shape_cast %broadcast_in_dim3A_12 : vector<16xf32> to vector<16xf32>
    tpu.vector_store %arg10[%swap3A_344], %swap3A_347 {strides = array<i32>} : memref<4096xf32, #tpu.memory_space<vmem>>, vector<16xf32>,
    %swap3A_348 = arith.constant 1344 : index
    %swap3A_349 = tpu.vector_load %arg10[%swap3A_348] {strides = array<i32>} : memref<4096xf32, #tpu.memory_space<vmem>>, vector<16xf32>,
    %swap3A_350 = vector.shape_cast %swap3A_349 : vector<16xf32> to vector<16xf32>
    %swap3A_351 = vector.shape_cast %broadcast_in_dim3A_12 : vector<16xf32> to vector<16xf32>
    tpu.vector_store %arg10[%swap3A_348], %swap3A_351 {strides = array<i32>} : memref<4096xf32, #tpu.memory_space<vmem>>, vector<16xf32>,
    %swap3A_352 = arith.constant 1360 : index
    %swap3A_353 = tpu.vector_load %arg10[%swap3A_352] {strides = array<i32>} : memref<4096xf32, #tpu.memory_space<vmem>>, vector<16xf32>,
    %swap3A_354 = vector.shape_cast %swap3A_353 : vector<16xf32> to vector<16xf32>
    %swap3A_355 = vector.shape_cast %broadcast_in_dim3A_12 : vector<16xf32> to vector<16xf32>
    tpu.vector_store %arg10[%swap3A_352], %swap3A_355 {strides = array<i32>} : memref<4096xf32, #tpu.memory_space<vmem>>, vector<16xf32>,
    %swap3A_356 = arith.constant 1376 : index
    %swap3A_357 = tpu.vector_load %arg10[%swap3A_356] {strides = array<i32>} : memref<4096xf32, #tpu.memory_space<vmem>>, vector<16xf32>,
    %swap3A_358 = vector.shape_cast %swap3A_357 : vector<16xf32> to vector<16xf32>
    %swap3A_359 = vector.shape_cast %broadcast_in_dim3A_12 : vector<16xf32> to vector<16xf32>
    tpu.vector_store %arg10[%swap3A_356], %swap3A_359 {strides = array<i32>} : memref<4096xf32, #tpu.memory_space<vmem>>, vector<16xf32>,
    %swap3A_360 = arith.constant 1392 : index
    %swap3A_361 = tpu.vector_load %arg10[%swap3A_360] {strides = array<i32>} : memref<4096xf32, #tpu.memory_space<vmem>>, vector<16xf32>,
    %swap3A_362 = vector.shape_cast %swap3A_361 : vector<16xf32> to vector<16xf32>
    %swap3A_363 = vector.shape_cast %broadcast_in_dim3A_12 : vector<16xf32> to vector<16xf32>
    tpu.vector_store %arg10[%swap3A_360], %swap3A_363 {strides = array<i32>} : memref<4096xf32, #tpu.memory_space<vmem>>, vector<16xf32>,
    %swap3A_364 = arith.constant 1408 : index
    %swap3A_365 = tpu.vector_load %arg10[%swap3A_364] {strides = array<i32>} : memref<4096xf32, #tpu.memory_space<vmem>>, vector<16xf32>,
    %swap3A_366 = vector.shape_cast %swap3A_365 : vector<16xf32> to vector<16xf32>
    %swap3A_367 = vector.shape_cast %broadcast_in_dim3A_12 : vector<16xf32> to vector<16xf32>
    tpu.vector_store %arg10[%swap3A_364], %swap3A_367 {strides = array<i32>} : memref<4096xf32, #tpu.memory_space<vmem>>, vector<16xf32>,
    %swap3A_368 = arith.constant 1424 : index
    %swap3A_369 = tpu.vector_load %arg10[%swap3A_368] {strides = array<i32>} : memref<4096xf32, #tpu.memory_space<vmem>>, vector<16xf32>,
    %swap3A_370 = vector.shape_cast %swap3A_369 : vector<16xf32> to vector<16xf32>
    %swap3A_371 = vector.shape_cast %broadcast_in_dim3A_12 : vector<16xf32> to vector<16xf32>
    tpu.vector_store %arg10[%swap3A_368], %swap3A_371 {strides = array<i32>} : memref<4096xf32, #tpu.memory_space<vmem>>, vector<16xf32>,
    %swap3A_372 = arith.constant 1440 : index
    %swap3A_373 = tpu.vector_load %arg10[%swap3A_372] {strides = array<i32>} : memref<4096xf32, #tpu.memory_space<vmem>>, vector<16xf32>,
    %swap3A_374 = vector.shape_cast %swap3A_373 : vector<16xf32> to vector<16xf32>
    %swap3A_375 = vector.shape_cast %broadcast_in_dim3A_12 : vector<16xf32> to vector<16xf32>
    tpu.vector_store %arg10[%swap3A_372], %swap3A_375 {strides = array<i32>} : memref<4096xf32, #tpu.memory_space<vmem>>, vector<16xf32>,
    %swap3A_376 = arith.constant 1456 : index
    %swap3A_377 = tpu.vector_load %arg10[%swap3A_376] {strides = array<i32>} : memref<4096xf32, #tpu.memory_space<vmem>>, vector<16xf32>,
    %swap3A_378 = vector.shape_cast %swap3A_377 : vector<16xf32> to vector<16xf32>
    %swap3A_379 = vector.shape_cast %broadcast_in_dim3A_12 : vector<16xf32> to vector<16xf32>
    tpu.vector_store %arg10[%swap3A_376], %swap3A_379 {strides = array<i32>} : memref<4096xf32, #tpu.memory_space<vmem>>, vector<16xf32>,
    %swap3A_380 = arith.constant 1472 : index
    %swap3A_381 = tpu.vector_load %arg10[%swap3A_380] {strides = array<i32>} : memref<4096xf32, #tpu.memory_space<vmem>>, vector<16xf32>,
    %swap3A_382 = vector.shape_cast %swap3A_381 : vector<16xf32> to vector<16xf32>
    %swap3A_383 = vector.shape_cast %broadcast_in_dim3A_12 : vector<16xf32> to vector<16xf32>
    tpu.vector_store %arg10[%swap3A_380], %swap3A_383 {strides = array<i32>} : memref<4096xf32, #tpu.memory_space<vmem>>, vector<16xf32>,
    %swap3A_384 = arith.constant 1488 : index
    %swap3A_385 = tpu.vector_load %arg10[%swap3A_384] {strides = array<i32>} : memref<4096xf32, #tpu.memory_space<vmem>>, vector<16xf32>,
    %swap3A_386 = vector.shape_cast %swap3A_385 : vector<16xf32> to vector<16xf32>
    %swap3A_387 = vector.shape_cast %broadcast_in_dim3A_12 : vector<16xf32> to vector<16xf32>
    tpu.vector_store %arg10[%swap3A_384], %swap3A_387 {strides = array<i32>} : memref<4096xf32, #tpu.memory_space<vmem>>, vector<16xf32>,
    %swap3A_388 = arith.constant 1504 : index
    %swap3A_389 = tpu.vector_load %arg10[%swap3A_388] {strides = array<i32>} : memref<4096xf32, #tpu.memory_space<vmem>>, vector<16xf32>,
    %swap3A_390 = vector.shape_cast %swap3A_389 : vector<16xf32> to vector<16xf32>
    %swap3A_391 = vector.shape_cast %broadcast_in_dim3A_12 : vector<16xf32> to vector<16xf32>
    tpu.vector_store %arg10[%swap3A_388], %swap3A_391 {strides = array<i32>} : memref<4096xf32, #tpu.memory_space<vmem>>, vector<16xf32>,
    %swap3A_392 = arith.constant 1520 : index
    %swap3A_393 = tpu.vector_load %arg10[%swap3A_392] {strides = array<i32>} : memref<4096xf32, #tpu.memory_space<vmem>>, vector<16xf32>,
    %swap3A_394 = vector.shape_cast %swap3A_393 : vector<16xf32> to vector<16xf32>
    %swap3A_395 = vector.shape_cast %broadcast_in_dim3A_12 : vector<16xf32> to vector<16xf32>
    tpu.vector_store %arg10[%swap3A_392], %swap3A_395 {strides = array<i32>} : memref<4096xf32, #tpu.memory_space<vmem>>, vector<16xf32>,
    %swap3A_396 = arith.constant 1536 : index
    %swap3A_397 = tpu.vector_load %arg10[%swap3A_396] {strides = array<i32>} : memref<4096xf32, #tpu.memory_space<vmem>>, vector<16xf32>,
    %swap3A_398 = vector.shape_cast %swap3A_397 : vector<16xf32> to vector<16xf32>
    %swap3A_399 = vector.shape_cast %broadcast_in_dim3A_12 : vector<16xf32> to vector<16xf32>
    tpu.vector_store %arg10[%swap3A_396], %swap3A_399 {strides = array<i32>} : memref<4096xf32, #tpu.memory_space<vmem>>, vector<16xf32>,
    %swap3A_400 = arith.constant 1552 : index
    %swap3A_401 = tpu.vector_load %arg10[%swap3A_400] {strides = array<i32>} : memref<4096xf32, #tpu.memory_space<vmem>>, vector<16xf32>,
    %swap3A_402 = vector.shape_cast %swap3A_401 : vector<16xf32> to vector<16xf32>
    %swap3A_403 = vector.shape_cast %broadcast_in_dim3A_12 : vector<16xf32> to vector<16xf32>
    tpu.vector_store %arg10[%swap3A_400], %swap3A_403 {strides = array<i32>} : memref<4096xf32, #tpu.memory_space<vmem>>, vector<16xf32>,
    %swap3A_404 = arith.constant 1568 : index
    %swap3A_405 = tpu.vector_load %arg10[%swap3A_404] {strides = array<i32>} : memref<4096xf32, #tpu.memory_space<vmem>>, vector<16xf32>,
    %swap3A_406 = vector.shape_cast %swap3A_405 : vector<16xf32> to vector<16xf32>
    %swap3A_407 = vector.shape_cast %broadcast_in_dim3A_12 : vector<16xf32> to vector<16xf32>
    tpu.vector_store %arg10[%swap3A_404], %swap3A_407 {strides = array<i32>} : memref<4096xf32, #tpu.memory_space<vmem>>, vector<16xf32>,
    %swap3A_408 = arith.constant 1584 : index
    %swap3A_409 = tpu.vector_load %arg10[%swap3A_408] {strides = array<i32>} : memref<4096xf32, #tpu.memory_space<vmem>>, vector<16xf32>,
    %swap3A_410 = vector.shape_cast %swap3A_409 : vector<16xf32> to vector<16xf32>
    %swap3A_411 = vector.shape_cast %broadcast_in_dim3A_12 : vector<16xf32> to vector<16xf32>
    tpu.vector_store %arg10[%swap3A_408], %swap3A_411 {strides = array<i32>} : memref<4096xf32, #tpu.memory_space<vmem>>, vector<16xf32>,
    %swap3A_412 = arith.constant 1600 : index
    %swap3A_413 = tpu.vector_load %arg10[%swap3A_412] {strides = array<i32>} : memref<4096xf32, #tpu.memory_space<vmem>>, vector<16xf32>,
    %swap3A_414 = vector.shape_cast %swap3A_413 : vector<16xf32> to vector<16xf32>
    %swap3A_415 = vector.shape_cast %broadcast_in_dim3A_12 : vector<16xf32> to vector<16xf32>
    tpu.vector_store %arg10[%swap3A_412], %swap3A_415 {strides = array<i32>} : memref<4096xf32, #tpu.memory_space<vmem>>, vector<16xf32>,
    %swap3A_416 = arith.constant 1616 : index
    %swap3A_417 = tpu.vector_load %arg10[%swap3A_416] {strides = array<i32>} : memref<4096xf32, #tpu.memory_space<vmem>>, vector<16xf32>,
    %swap3A_418 = vector.shape_cast %swap3A_417 : vector<16xf32> to vector<16xf32>
    %swap3A_419 = vector.shape_cast %broadcast_in_dim3A_12 : vector<16xf32> to vector<16xf32>
    tpu.vector_store %arg10[%swap3A_416], %swap3A_419 {strides = array<i32>} : memref<4096xf32, #tpu.memory_space<vmem>>, vector<16xf32>,
    %swap3A_420 = arith.constant 1632 : index
    %swap3A_421 = tpu.vector_load %arg10[%swap3A_420] {strides = array<i32>} : memref<4096xf32, #tpu.memory_space<vmem>>, vector<16xf32>,
    %swap3A_422 = vector.shape_cast %swap3A_421 : vector<16xf32> to vector<16xf32>
    %swap3A_423 = vector.shape_cast %broadcast_in_dim3A_12 : vector<16xf32> to vector<16xf32>
    tpu.vector_store %arg10[%swap3A_420], %swap3A_423 {strides = array<i32>} : memref<4096xf32, #tpu.memory_space<vmem>>, vector<16xf32>,
    %swap3A_424 = arith.constant 1648 : index
    %swap3A_425 = tpu.vector_load %arg10[%swap3A_424] {strides = array<i32>} : memref<4096xf32, #tpu.memory_space<vmem>>, vector<16xf32>,
    %swap3A_426 = vector.shape_cast %swap3A_425 : vector<16xf32> to vector<16xf32>
    %swap3A_427 = vector.shape_cast %broadcast_in_dim3A_12 : vector<16xf32> to vector<16xf32>
    tpu.vector_store %arg10[%swap3A_424], %swap3A_427 {strides = array<i32>} : memref<4096xf32, #tpu.memory_space<vmem>>, vector<16xf32>,
    %swap3A_428 = arith.constant 1664 : index
    %swap3A_429 = tpu.vector_load %arg10[%swap3A_428] {strides = array<i32>} : memref<4096xf32, #tpu.memory_space<vmem>>, vector<16xf32>,
    %swap3A_430 = vector.shape_cast %swap3A_429 : vector<16xf32> to vector<16xf32>
    %swap3A_431 = vector.shape_cast %broadcast_in_dim3A_12 : vector<16xf32> to vector<16xf32>
    tpu.vector_store %arg10[%swap3A_428], %swap3A_431 {strides = array<i32>} : memref<4096xf32, #tpu.memory_space<vmem>>, vector<16xf32>,
    %swap3A_432 = arith.constant 1680 : index
    %swap3A_433 = tpu.vector_load %arg10[%swap3A_432] {strides = array<i32>} : memref<4096xf32, #tpu.memory_space<vmem>>, vector<16xf32>,
    %swap3A_434 = vector.shape_cast %swap3A_433 : vector<16xf32> to vector<16xf32>
    %swap3A_435 = vector.shape_cast %broadcast_in_dim3A_12 : vector<16xf32> to vector<16xf32>
    tpu.vector_store %arg10[%swap3A_432], %swap3A_435 {strides = array<i32>} : memref<4096xf32, #tpu.memory_space<vmem>>, vector<16xf32>,
    %swap3A_436 = arith.constant 1696 : index
    %swap3A_437 = tpu.vector_load %arg10[%swap3A_436] {strides = array<i32>} : memref<4096xf32, #tpu.memory_space<vmem>>, vector<16xf32>,
    %swap3A_438 = vector.shape_cast %swap3A_437 : vector<16xf32> to vector<16xf32>
    %swap3A_439 = vector.shape_cast %broadcast_in_dim3A_12 : vector<16xf32> to vector<16xf32>
    tpu.vector_store %arg10[%swap3A_436], %swap3A_439 {strides = array<i32>} : memref<4096xf32, #tpu.memory_space<vmem>>, vector<16xf32>,
    %swap3A_440 = arith.constant 1712 : index
    %swap3A_441 = tpu.vector_load %arg10[%swap3A_440] {strides = array<i32>} : memref<4096xf32, #tpu.memory_space<vmem>>, vector<16xf32>,
    %swap3A_442 = vector.shape_cast %swap3A_441 : vector<16xf32> to vector<16xf32>
    %swap3A_443 = vector.shape_cast %broadcast_in_dim3A_12 : vector<16xf32> to vector<16xf32>
    tpu.vector_store %arg10[%swap3A_440], %swap3A_443 {strides = array<i32>} : memref<4096xf32, #tpu.memory_space<vmem>>, vector<16xf32>,
    %swap3A_444 = arith.constant 1728 : index
    %swap3A_445 = tpu.vector_load %arg10[%swap3A_444] {strides = array<i32>} : memref<4096xf32, #tpu.memory_space<vmem>>, vector<16xf32>,
    %swap3A_446 = vector.shape_cast %swap3A_445 : vector<16xf32> to vector<16xf32>
    %swap3A_447 = vector.shape_cast %broadcast_in_dim3A_12 : vector<16xf32> to vector<16xf32>
    tpu.vector_store %arg10[%swap3A_444], %swap3A_447 {strides = array<i32>} : memref<4096xf32, #tpu.memory_space<vmem>>, vector<16xf32>,
    %swap3A_448 = arith.constant 1744 : index
    %swap3A_449 = tpu.vector_load %arg10[%swap3A_448] {strides = array<i32>} : memref<4096xf32, #tpu.memory_space<vmem>>, vector<16xf32>,
    %swap3A_450 = vector.shape_cast %swap3A_449 : vector<16xf32> to vector<16xf32>
    %swap3A_451 = vector.shape_cast %broadcast_in_dim3A_12 : vector<16xf32> to vector<16xf32>
    tpu.vector_store %arg10[%swap3A_448], %swap3A_451 {strides = array<i32>} : memref<4096xf32, #tpu.memory_space<vmem>>, vector<16xf32>,
    %swap3A_452 = arith.constant 1760 : index
    %swap3A_453 = tpu.vector_load %arg10[%swap3A_452] {strides = array<i32>} : memref<4096xf32, #tpu.memory_space<vmem>>, vector<16xf32>,
    %swap3A_454 = vector.shape_cast %swap3A_453 : vector<16xf32> to vector<16xf32>
    %swap3A_455 = vector.shape_cast %broadcast_in_dim3A_12 : vector<16xf32> to vector<16xf32>
    tpu.vector_store %arg10[%swap3A_452], %swap3A_455 {strides = array<i32>} : memref<4096xf32, #tpu.memory_space<vmem>>, vector<16xf32>,
    %swap3A_456 = arith.constant 1776 : index
    %swap3A_457 = tpu.vector_load %arg10[%swap3A_456] {strides = array<i32>} : memref<4096xf32, #tpu.memory_space<vmem>>, vector<16xf32>,
    %swap3A_458 = vector.shape_cast %swap3A_457 : vector<16xf32> to vector<16xf32>
    %swap3A_459 = vector.shape_cast %broadcast_in_dim3A_12 : vector<16xf32> to vector<16xf32>
    tpu.vector_store %arg10[%swap3A_456], %swap3A_459 {strides = array<i32>} : memref<4096xf32, #tpu.memory_space<vmem>>, vector<16xf32>,
    %swap3A_460 = arith.constant 1792 : index
    %swap3A_461 = tpu.vector_load %arg10[%swap3A_460] {strides = array<i32>} : memref<4096xf32, #tpu.memory_space<vmem>>, vector<16xf32>,
    %swap3A_462 = vector.shape_cast %swap3A_461 : vector<16xf32> to vector<16xf32>
    %swap3A_463 = vector.shape_cast %broadcast_in_dim3A_12 : vector<16xf32> to vector<16xf32>
    tpu.vector_store %arg10[%swap3A_460], %swap3A_463 {strides = array<i32>} : memref<4096xf32, #tpu.memory_space<vmem>>, vector<16xf32>,
    %swap3A_464 = arith.constant 1808 : index
    %swap3A_465 = tpu.vector_load %arg10[%swap3A_464] {strides = array<i32>} : memref<4096xf32, #tpu.memory_space<vmem>>, vector<16xf32>,
    %swap3A_466 = vector.shape_cast %swap3A_465 : vector<16xf32> to vector<16xf32>
    %swap3A_467 = vector.shape_cast %broadcast_in_dim3A_12 : vector<16xf32> to vector<16xf32>
    tpu.vector_store %arg10[%swap3A_464], %swap3A_467 {strides = array<i32>} : memref<4096xf32, #tpu.memory_space<vmem>>, vector<16xf32>,
    %swap3A_468 = arith.constant 1824 : index
    %swap3A_469 = tpu.vector_load %arg10[%swap3A_468] {strides = array<i32>} : memref<4096xf32, #tpu.memory_space<vmem>>, vector<16xf32>,
    %swap3A_470 = vector.shape_cast %swap3A_469 : vector<16xf32> to vector<16xf32>
    %swap3A_471 = vector.shape_cast %broadcast_in_dim3A_12 : vector<16xf32> to vector<16xf32>
    tpu.vector_store %arg10[%swap3A_468], %swap3A_471 {strides = array<i32>} : memref<4096xf32, #tpu.memory_space<vmem>>, vector<16xf32>,
    %swap3A_472 = arith.constant 1840 : index
    %swap3A_473 = tpu.vector_load %arg10[%swap3A_472] {strides = array<i32>} : memref<4096xf32, #tpu.memory_space<vmem>>, vector<16xf32>,
    %swap3A_474 = vector.shape_cast %swap3A_473 : vector<16xf32> to vector<16xf32>
    %swap3A_475 = vector.shape_cast %broadcast_in_dim3A_12 : vector<16xf32> to vector<16xf32>
    tpu.vector_store %arg10[%swap3A_472], %swap3A_475 {strides = array<i32>} : memref<4096xf32, #tpu.memory_space<vmem>>, vector<16xf32>,
    %swap3A_476 = arith.constant 1856 : index
    %swap3A_477 = tpu.vector_load %arg10[%swap3A_476] {strides = array<i32>} : memref<4096xf32, #tpu.memory_space<vmem>>, vector<16xf32>,
    %swap3A_478 = vector.shape_cast %swap3A_477 : vector<16xf32> to vector<16xf32>
    %swap3A_479 = vector.shape_cast %broadcast_in_dim3A_12 : vector<16xf32> to vector<16xf32>
    tpu.vector_store %arg10[%swap3A_476], %swap3A_479 {strides = array<i32>} : memref<4096xf32, #tpu.memory_space<vmem>>, vector<16xf32>,
    %swap3A_480 = arith.constant 1872 : index
    %swap3A_481 = tpu.vector_load %arg10[%swap3A_480] {strides = array<i32>} : memref<4096xf32, #tpu.memory_space<vmem>>, vector<16xf32>,
    %swap3A_482 = vector.shape_cast %swap3A_481 : vector<16xf32> to vector<16xf32>
    %swap3A_483 = vector.shape_cast %broadcast_in_dim3A_12 : vector<16xf32> to vector<16xf32>
    tpu.vector_store %arg10[%swap3A_480], %swap3A_483 {strides = array<i32>} : memref<4096xf32, #tpu.memory_space<vmem>>, vector<16xf32>,
    %swap3A_484 = arith.constant 1888 : index
    %swap3A_485 = tpu.vector_load %arg10[%swap3A_484] {strides = array<i32>} : memref<4096xf32, #tpu.memory_space<vmem>>, vector<16xf32>,
    %swap3A_486 = vector.shape_cast %swap3A_485 : vector<16xf32> to vector<16xf32>
    %swap3A_487 = vector.shape_cast %broadcast_in_dim3A_12 : vector<16xf32> to vector<16xf32>
    tpu.vector_store %arg10[%swap3A_484], %swap3A_487 {strides = array<i32>} : memref<4096xf32, #tpu.memory_space<vmem>>, vector<16xf32>,
    %swap3A_488 = arith.constant 1904 : index
    %swap3A_489 = tpu.vector_load %arg10[%swap3A_488] {strides = array<i32>} : memref<4096xf32, #tpu.memory_space<vmem>>, vector<16xf32>,
    %swap3A_490 = vector.shape_cast %swap3A_489 : vector<16xf32> to vector<16xf32>
    %swap3A_491 = vector.shape_cast %broadcast_in_dim3A_12 : vector<16xf32> to vector<16xf32>
    tpu.vector_store %arg10[%swap3A_488], %swap3A_491 {strides = array<i32>} : memref<4096xf32, #tpu.memory_space<vmem>>, vector<16xf32>,
    %swap3A_492 = arith.constant 1920 : index
    %swap3A_493 = tpu.vector_load %arg10[%swap3A_492] {strides = array<i32>} : memref<4096xf32, #tpu.memory_space<vmem>>, vector<16xf32>,
    %swap3A_494 = vector.shape_cast %swap3A_493 : vector<16xf32> to vector<16xf32>
    %swap3A_495 = vector.shape_cast %broadcast_in_dim3A_12 : vector<16xf32> to vector<16xf32>
    tpu.vector_store %arg10[%swap3A_492], %swap3A_495 {strides = array<i32>} : memref<4096xf32, #tpu.memory_space<vmem>>, vector<16xf32>,
    %swap3A_496 = arith.constant 1936 : index
    %swap3A_497 = tpu.vector_load %arg10[%swap3A_496] {strides = array<i32>} : memref<4096xf32, #tpu.memory_space<vmem>>, vector<16xf32>,
    %swap3A_498 = vector.shape_cast %swap3A_497 : vector<16xf32> to vector<16xf32>
    %swap3A_499 = vector.shape_cast %broadcast_in_dim3A_12 : vector<16xf32> to vector<16xf32>
    tpu.vector_store %arg10[%swap3A_496], %swap3A_499 {strides = array<i32>} : memref<4096xf32, #tpu.memory_space<vmem>>, vector<16xf32>,
    %swap3A_500 = arith.constant 1952 : index
    %swap3A_501 = tpu.vector_load %arg10[%swap3A_500] {strides = array<i32>} : memref<4096xf32, #tpu.memory_space<vmem>>, vector<16xf32>,
    %swap3A_502 = vector.shape_cast %swap3A_501 : vector<16xf32> to vector<16xf32>
    %swap3A_503 = vector.shape_cast %broadcast_in_dim3A_12 : vector<16xf32> to vector<16xf32>
    tpu.vector_store %arg10[%swap3A_500], %swap3A_503 {strides = array<i32>} : memref<4096xf32, #tpu.memory_space<vmem>>, vector<16xf32>,
    %swap3A_504 = arith.constant 1968 : index
    %swap3A_505 = tpu.vector_load %arg10[%swap3A_504] {strides = array<i32>} : memref<4096xf32, #tpu.memory_space<vmem>>, vector<16xf32>,
    %swap3A_506 = vector.shape_cast %swap3A_505 : vector<16xf32> to vector<16xf32>
    %swap3A_507 = vector.shape_cast %broadcast_in_dim3A_12 : vector<16xf32> to vector<16xf32>
    tpu.vector_store %arg10[%swap3A_504], %swap3A_507 {strides = array<i32>} : memref<4096xf32, #tpu.memory_space<vmem>>, vector<16xf32>,
    %swap3A_508 = arith.constant 1984 : index
    %swap3A_509 = tpu.vector_load %arg10[%swap3A_508] {strides = array<i32>} : memref<4096xf32, #tpu.memory_space<vmem>>, vector<16xf32>,
    %swap3A_510 = vector.shape_cast %swap3A_509 : vector<16xf32> to vector<16xf32>
    %swap3A_511 = vector.shape_cast %broadcast_in_dim3A_12 : vector<16xf32> to vector<16xf32>
    tpu.vector_store %arg10[%swap3A_508], %swap3A_511 {strides = array<i32>} : memref<4096xf32, #tpu.memory_space<vmem>>, vector<16xf32>,
    %swap3A_512 = arith.constant 2000 : index
    %swap3A_513 = tpu.vector_load %arg10[%swap3A_512] {strides = array<i32>} : memref<4096xf32, #tpu.memory_space<vmem>>, vector<16xf32>,
    %swap3A_514 = vector.shape_cast %swap3A_513 : vector<16xf32> to vector<16xf32>
    %swap3A_515 = vector.shape_cast %broadcast_in_dim3A_12 : vector<16xf32> to vector<16xf32>
    tpu.vector_store %arg10[%swap3A_512], %swap3A_515 {strides = array<i32>} : memref<4096xf32, #tpu.memory_space<vmem>>, vector<16xf32>,
    %swap3A_516 = arith.constant 2016 : index
    %swap3A_517 = tpu.vector_load %arg10[%swap3A_516] {strides = array<i32>} : memref<4096xf32, #tpu.memory_space<vmem>>, vector<16xf32>,
    %swap3A_518 = vector.shape_cast %swap3A_517 : vector<16xf32> to vector<16xf32>
    %swap3A_519 = vector.shape_cast %broadcast_in_dim3A_12 : vector<16xf32> to vector<16xf32>
    tpu.vector_store %arg10[%swap3A_516], %swap3A_519 {strides = array<i32>} : memref<4096xf32, #tpu.memory_space<vmem>>, vector<16xf32>,
    %swap3A_520 = arith.constant 2032 : index
    %swap3A_521 = tpu.vector_load %arg10[%swap3A_520] {strides = array<i32>} : memref<4096xf32, #tpu.memory_space<vmem>>, vector<16xf32>,
    %swap3A_522 = vector.shape_cast %swap3A_521 : vector<16xf32> to vector<16xf32>
    %swap3A_523 = vector.shape_cast %broadcast_in_dim3A_12 : vector<16xf32> to vector<16xf32>
    tpu.vector_store %arg10[%swap3A_520], %swap3A_523 {strides = array<i32>} : memref<4096xf32, #tpu.memory_space<vmem>>, vector<16xf32>,
    %swap3A_524 = arith.constant 2048 : index
    %swap3A_525 = tpu.vector_load %arg10[%swap3A_524] {strides = array<i32>} : memref<4096xf32, #tpu.memory_space<vmem>>, vector<16xf32>,
    %swap3A_526 = vector.shape_cast %swap3A_525 : vector<16xf32> to vector<16xf32>
    %swap3A_527 = vector.shape_cast %broadcast_in_dim3A_12 : vector<16xf32> to vector<16xf32>
    tpu.vector_store %arg10[%swap3A_524], %swap3A_527 {strides = array<i32>} : memref<4096xf32, #tpu.memory_space<vmem>>, vector<16xf32>,
    %swap3A_528 = arith.constant 2064 : index
    %swap3A_529 = tpu.vector_load %arg10[%swap3A_528] {strides = array<i32>} : memref<4096xf32, #tpu.memory_space<vmem>>, vector<16xf32>,
    %swap3A_530 = vector.shape_cast %swap3A_529 : vector<16xf32> to vector<16xf32>
    %swap3A_531 = vector.shape_cast %broadcast_in_dim3A_12 : vector<16xf32> to vector<16xf32>
    tpu.vector_store %arg10[%swap3A_528], %swap3A_531 {strides = array<i32>} : memref<4096xf32, #tpu.memory_space<vmem>>, vector<16xf32>,
    %swap3A_532 = arith.constant 2080 : index
    %swap3A_533 = tpu.vector_load %arg10[%swap3A_532] {strides = array<i32>} : memref<4096xf32, #tpu.memory_space<vmem>>, vector<16xf32>,
    %swap3A_534 = vector.shape_cast %swap3A_533 : vector<16xf32> to vector<16xf32>
    %swap3A_535 = vector.shape_cast %broadcast_in_dim3A_12 : vector<16xf32> to vector<16xf32>
    tpu.vector_store %arg10[%swap3A_532], %swap3A_535 {strides = array<i32>} : memref<4096xf32, #tpu.memory_space<vmem>>, vector<16xf32>,
    %swap3A_536 = arith.constant 2096 : index
    %swap3A_537 = tpu.vector_load %arg10[%swap3A_536] {strides = array<i32>} : memref<4096xf32, #tpu.memory_space<vmem>>, vector<16xf32>,
    %swap3A_538 = vector.shape_cast %swap3A_537 : vector<16xf32> to vector<16xf32>
    %swap3A_539 = vector.shape_cast %broadcast_in_dim3A_12 : vector<16xf32> to vector<16xf32>
    tpu.vector_store %arg10[%swap3A_536], %swap3A_539 {strides = array<i32>} : memref<4096xf32, #tpu.memory_space<vmem>>, vector<16xf32>,
    %swap3A_540 = arith.constant 2112 : index
    %swap3A_541 = tpu.vector_load %arg10[%swap3A_540] {strides = array<i32>} : memref<4096xf32, #tpu.memory_space<vmem>>, vector<16xf32>,
    %swap3A_542 = vector.shape_cast %swap3A_541 : vector<16xf32> to vector<16xf32>
    %swap3A_543 = vector.shape_cast %broadcast_in_dim3A_12 : vector<16xf32> to vector<16xf32>
    tpu.vector_store %arg10[%swap3A_540], %swap3A_543 {strides = array<i32>} : memref<4096xf32, #tpu.memory_space<vmem>>, vector<16xf32>,
    %swap3A_544 = arith.constant 2128 : index
    %swap3A_545 = tpu.vector_load %arg10[%swap3A_544] {strides = array<i32>} : memref<4096xf32, #tpu.memory_space<vmem>>, vector<16xf32>,
    %swap3A_546 = vector.shape_cast %swap3A_545 : vector<16xf32> to vector<16xf32>
    %swap3A_547 = vector.shape_cast %broadcast_in_dim3A_12 : vector<16xf32> to vector<16xf32>
    tpu.vector_store %arg10[%swap3A_544], %swap3A_547 {strides = array<i32>} : memref<4096xf32, #tpu.memory_space<vmem>>, vector<16xf32>,
    %swap3A_548 = arith.constant 2144 : index
    %swap3A_549 = tpu.vector_load %arg10[%swap3A_548] {strides = array<i32>} : memref<4096xf32, #tpu.memory_space<vmem>>, vector<16xf32>,
    %swap3A_550 = vector.shape_cast %swap3A_549 : vector<16xf32> to vector<16xf32>
    %swap3A_551 = vector.shape_cast %broadcast_in_dim3A_12 : vector<16xf32> to vector<16xf32>
    tpu.vector_store %arg10[%swap3A_548], %swap3A_551 {strides = array<i32>} : memref<4096xf32, #tpu.memory_space<vmem>>, vector<16xf32>,
    %swap3A_552 = arith.constant 2160 : index
    %swap3A_553 = tpu.vector_load %arg10[%swap3A_552] {strides = array<i32>} : memref<4096xf32, #tpu.memory_space<vmem>>, vector<16xf32>,
    %swap3A_554 = vector.shape_cast %swap3A_553 : vector<16xf32> to vector<16xf32>
    %swap3A_555 = vector.shape_cast %broadcast_in_dim3A_12 : vector<16xf32> to vector<16xf32>
    tpu.vector_store %arg10[%swap3A_552], %swap3A_555 {strides = array<i32>} : memref<4096xf32, #tpu.memory_space<vmem>>, vector<16xf32>,
    %swap3A_556 = arith.constant 2176 : index
    %swap3A_557 = tpu.vector_load %arg10[%swap3A_556] {strides = array<i32>} : memref<4096xf32, #tpu.memory_space<vmem>>, vector<16xf32>,
    %swap3A_558 = vector.shape_cast %swap3A_557 : vector<16xf32> to vector<16xf32>
    %swap3A_559 = vector.shape_cast %broadcast_in_dim3A_12 : vector<16xf32> to vector<16xf32>
    tpu.vector_store %arg10[%swap3A_556], %swap3A_559 {strides = array<i32>} : memref<4096xf32, #tpu.memory_space<vmem>>, vector<16xf32>,
    %swap3A_560 = arith.constant 2192 : index
    %swap3A_561 = tpu.vector_load %arg10[%swap3A_560] {strides = array<i32>} : memref<4096xf32, #tpu.memory_space<vmem>>, vector<16xf32>,
    %swap3A_562 = vector.shape_cast %swap3A_561 : vector<16xf32> to vector<16xf32>
    %swap3A_563 = vector.shape_cast %broadcast_in_dim3A_12 : vector<16xf32> to vector<16xf32>
    tpu.vector_store %arg10[%swap3A_560], %swap3A_563 {strides = array<i32>} : memref<4096xf32, #tpu.memory_space<vmem>>, vector<16xf32>,
    %swap3A_564 = arith.constant 2208 : index
    %swap3A_565 = tpu.vector_load %arg10[%swap3A_564] {strides = array<i32>} : memref<4096xf32, #tpu.memory_space<vmem>>, vector<16xf32>,
    %swap3A_566 = vector.shape_cast %swap3A_565 : vector<16xf32> to vector<16xf32>
    %swap3A_567 = vector.shape_cast %broadcast_in_dim3A_12 : vector<16xf32> to vector<16xf32>
    tpu.vector_store %arg10[%swap3A_564], %swap3A_567 {strides = array<i32>} : memref<4096xf32, #tpu.memory_space<vmem>>, vector<16xf32>,
    %swap3A_568 = arith.constant 2224 : index
    %swap3A_569 = tpu.vector_load %arg10[%swap3A_568] {strides = array<i32>} : memref<4096xf32, #tpu.memory_space<vmem>>, vector<16xf32>,
    %swap3A_570 = vector.shape_cast %swap3A_569 : vector<16xf32> to vector<16xf32>
    %swap3A_571 = vector.shape_cast %broadcast_in_dim3A_12 : vector<16xf32> to vector<16xf32>
    tpu.vector_store %arg10[%swap3A_568], %swap3A_571 {strides = array<i32>} : memref<4096xf32, #tpu.memory_space<vmem>>, vector<16xf32>,
    %swap3A_572 = arith.constant 2240 : index
    %swap3A_573 = tpu.vector_load %arg10[%swap3A_572] {strides = array<i32>} : memref<4096xf32, #tpu.memory_space<vmem>>, vector<16xf32>,
    %swap3A_574 = vector.shape_cast %swap3A_573 : vector<16xf32> to vector<16xf32>
    %swap3A_575 = vector.shape_cast %broadcast_in_dim3A_12 : vector<16xf32> to vector<16xf32>
    tpu.vector_store %arg10[%swap3A_572], %swap3A_575 {strides = array<i32>} : memref<4096xf32, #tpu.memory_space<vmem>>, vector<16xf32>,
    %swap3A_576 = arith.constant 2256 : index
    %swap3A_577 = tpu.vector_load %arg10[%swap3A_576] {strides = array<i32>} : memref<4096xf32, #tpu.memory_space<vmem>>, vector<16xf32>,
    %swap3A_578 = vector.shape_cast %swap3A_577 : vector<16xf32> to vector<16xf32>
    %swap3A_579 = vector.shape_cast %broadcast_in_dim3A_12 : vector<16xf32> to vector<16xf32>
    tpu.vector_store %arg10[%swap3A_576], %swap3A_579 {strides = array<i32>} : memref<4096xf32, #tpu.memory_space<vmem>>, vector<16xf32>,
    %swap3A_580 = arith.constant 2272 : index
    %swap3A_581 = tpu.vector_load %arg10[%swap3A_580] {strides = array<i32>} : memref<4096xf32, #tpu.memory_space<vmem>>, vector<16xf32>,
    %swap3A_582 = vector.shape_cast %swap3A_581 : vector<16xf32> to vector<16xf32>
    %swap3A_583 = vector.shape_cast %broadcast_in_dim3A_12 : vector<16xf32> to vector<16xf32>
    tpu.vector_store %arg10[%swap3A_580], %swap3A_583 {strides = array<i32>} : memref<4096xf32, #tpu.memory_space<vmem>>, vector<16xf32>,
    %swap3A_584 = arith.constant 2288 : index
    %swap3A_585 = tpu.vector_load %arg10[%swap3A_584] {strides = array<i32>} : memref<4096xf32, #tpu.memory_space<vmem>>, vector<16xf32>,
    %swap3A_586 = vector.shape_cast %swap3A_585 : vector<16xf32> to vector<16xf32>
    %swap3A_587 = vector.shape_cast %broadcast_in_dim3A_12 : vector<16xf32> to vector<16xf32>
    tpu.vector_store %arg10[%swap3A_584], %swap3A_587 {strides = array<i32>} : memref<4096xf32, #tpu.memory_space<vmem>>, vector<16xf32>,
    %swap3A_588 = arith.constant 2304 : index
    %swap3A_589 = tpu.vector_load %arg10[%swap3A_588] {strides = array<i32>} : memref<4096xf32, #tpu.memory_space<vmem>>, vector<16xf32>,
    %swap3A_590 = vector.shape_cast %swap3A_589 : vector<16xf32> to vector<16xf32>
    %swap3A_591 = vector.shape_cast %broadcast_in_dim3A_12 : vector<16xf32> to vector<16xf32>
    tpu.vector_store %arg10[%swap3A_588], %swap3A_591 {strides = array<i32>} : memref<4096xf32, #tpu.memory_space<vmem>>, vector<16xf32>,
    %swap3A_592 = arith.constant 2320 : index
    %swap3A_593 = tpu.vector_load %arg10[%swap3A_592] {strides = array<i32>} : memref<4096xf32, #tpu.memory_space<vmem>>, vector<16xf32>,
    %swap3A_594 = vector.shape_cast %swap3A_593 : vector<16xf32> to vector<16xf32>
    %swap3A_595 = vector.shape_cast %broadcast_in_dim3A_12 : vector<16xf32> to vector<16xf32>
    tpu.vector_store %arg10[%swap3A_592], %swap3A_595 {strides = array<i32>} : memref<4096xf32, #tpu.memory_space<vmem>>, vector<16xf32>,
    %swap3A_596 = arith.constant 2336 : index
    %swap3A_597 = tpu.vector_load %arg10[%swap3A_596] {strides = array<i32>} : memref<4096xf32, #tpu.memory_space<vmem>>, vector<16xf32>,
    %swap3A_598 = vector.shape_cast %swap3A_597 : vector<16xf32> to vector<16xf32>
    %swap3A_599 = vector.shape_cast %broadcast_in_dim3A_12 : vector<16xf32> to vector<16xf32>
    tpu.vector_store %arg10[%swap3A_596], %swap3A_599 {strides = array<i32>} : memref<4096xf32, #tpu.memory_space<vmem>>, vector<16xf32>,
    %swap3A_600 = arith.constant 2352 : index
    %swap3A_601 = tpu.vector_load %arg10[%swap3A_600] {strides = array<i32>} : memref<4096xf32, #tpu.memory_space<vmem>>, vector<16xf32>,
    %swap3A_602 = vector.shape_cast %swap3A_601 : vector<16xf32> to vector<16xf32>
    %swap3A_603 = vector.shape_cast %broadcast_in_dim3A_12 : vector<16xf32> to vector<16xf32>
    tpu.vector_store %arg10[%swap3A_600], %swap3A_603 {strides = array<i32>} : memref<4096xf32, #tpu.memory_space<vmem>>, vector<16xf32>,
    %swap3A_604 = arith.constant 2368 : index
    %swap3A_605 = tpu.vector_load %arg10[%swap3A_604] {strides = array<i32>} : memref<4096xf32, #tpu.memory_space<vmem>>, vector<16xf32>,
    %swap3A_606 = vector.shape_cast %swap3A_605 : vector<16xf32> to vector<16xf32>
    %swap3A_607 = vector.shape_cast %broadcast_in_dim3A_12 : vector<16xf32> to vector<16xf32>
    tpu.vector_store %arg10[%swap3A_604], %swap3A_607 {strides = array<i32>} : memref<4096xf32, #tpu.memory_space<vmem>>, vector<16xf32>,
    %swap3A_608 = arith.constant 2384 : index
    %swap3A_609 = tpu.vector_load %arg10[%swap3A_608] {strides = array<i32>} : memref<4096xf32, #tpu.memory_space<vmem>>, vector<16xf32>,
    %swap3A_610 = vector.shape_cast %swap3A_609 : vector<16xf32> to vector<16xf32>
    %swap3A_611 = vector.shape_cast %broadcast_in_dim3A_12 : vector<16xf32> to vector<16xf32>
    tpu.vector_store %arg10[%swap3A_608], %swap3A_611 {strides = array<i32>} : memref<4096xf32, #tpu.memory_space<vmem>>, vector<16xf32>,
    %swap3A_612 = arith.constant 2400 : index
    %swap3A_613 = tpu.vector_load %arg10[%swap3A_612] {strides = array<i32>} : memref<4096xf32, #tpu.memory_space<vmem>>, vector<16xf32>,
    %swap3A_614 = vector.shape_cast %swap3A_613 : vector<16xf32> to vector<16xf32>
    %swap3A_615 = vector.shape_cast %broadcast_in_dim3A_12 : vector<16xf32> to vector<16xf32>
    tpu.vector_store %arg10[%swap3A_612], %swap3A_615 {strides = array<i32>} : memref<4096xf32, #tpu.memory_space<vmem>>, vector<16xf32>,
    %swap3A_616 = arith.constant 2416 : index
    %swap3A_617 = tpu.vector_load %arg10[%swap3A_616] {strides = array<i32>} : memref<4096xf32, #tpu.memory_space<vmem>>, vector<16xf32>,
    %swap3A_618 = vector.shape_cast %swap3A_617 : vector<16xf32> to vector<16xf32>
    %swap3A_619 = vector.shape_cast %broadcast_in_dim3A_12 : vector<16xf32> to vector<16xf32>
    tpu.vector_store %arg10[%swap3A_616], %swap3A_619 {strides = array<i32>} : memref<4096xf32, #tpu.memory_space<vmem>>, vector<16xf32>,
    %swap3A_620 = arith.constant 2432 : index
    %swap3A_621 = tpu.vector_load %arg10[%swap3A_620] {strides = array<i32>} : memref<4096xf32, #tpu.memory_space<vmem>>, vector<16xf32>,
    %swap3A_622 = vector.shape_cast %swap3A_621 : vector<16xf32> to vector<16xf32>
    %swap3A_623 = vector.shape_cast %broadcast_in_dim3A_12 : vector<16xf32> to vector<16xf32>
    tpu.vector_store %arg10[%swap3A_620], %swap3A_623 {strides = array<i32>} : memref<4096xf32, #tpu.memory_space<vmem>>, vector<16xf32>,
    %swap3A_624 = arith.constant 2448 : index
    %swap3A_625 = tpu.vector_load %arg10[%swap3A_624] {strides = array<i32>} : memref<4096xf32, #tpu.memory_space<vmem>>, vector<16xf32>,
    %swap3A_626 = vector.shape_cast %swap3A_625 : vector<16xf32> to vector<16xf32>
    %swap3A_627 = vector.shape_cast %broadcast_in_dim3A_12 : vector<16xf32> to vector<16xf32>
    tpu.vector_store %arg10[%swap3A_624], %swap3A_627 {strides = array<i32>} : memref<4096xf32, #tpu.memory_space<vmem>>, vector<16xf32>,
    %swap3A_628 = arith.constant 2464 : index
    %swap3A_629 = tpu.vector_load %arg10[%swap3A_628] {strides = array<i32>} : memref<4096xf32, #tpu.memory_space<vmem>>, vector<16xf32>,
    %swap3A_630 = vector.shape_cast %swap3A_629 : vector<16xf32> to vector<16xf32>
    %swap3A_631 = vector.shape_cast %broadcast_in_dim3A_12 : vector<16xf32> to vector<16xf32>
    tpu.vector_store %arg10[%swap3A_628], %swap3A_631 {strides = array<i32>} : memref<4096xf32, #tpu.memory_space<vmem>>, vector<16xf32>,
    %swap3A_632 = arith.constant 2480 : index
    %swap3A_633 = tpu.vector_load %arg10[%swap3A_632] {strides = array<i32>} : memref<4096xf32, #tpu.memory_space<vmem>>, vector<16xf32>,
    %swap3A_634 = vector.shape_cast %swap3A_633 : vector<16xf32> to vector<16xf32>
    %swap3A_635 = vector.shape_cast %broadcast_in_dim3A_12 : vector<16xf32> to vector<16xf32>
    tpu.vector_store %arg10[%swap3A_632], %swap3A_635 {strides = array<i32>} : memref<4096xf32, #tpu.memory_space<vmem>>, vector<16xf32>,
    %swap3A_636 = arith.constant 2496 : index
    %swap3A_637 = tpu.vector_load %arg10[%swap3A_636] {strides = array<i32>} : memref<4096xf32, #tpu.memory_space<vmem>>, vector<16xf32>,
    %swap3A_638 = vector.shape_cast %swap3A_637 : vector<16xf32> to vector<16xf32>
    %swap3A_639 = vector.shape_cast %broadcast_in_dim3A_12 : vector<16xf32> to vector<16xf32>
    tpu.vector_store %arg10[%swap3A_636], %swap3A_639 {strides = array<i32>} : memref<4096xf32, #tpu.memory_space<vmem>>, vector<16xf32>,
    %swap3A_640 = arith.constant 2512 : index
    %swap3A_641 = tpu.vector_load %arg10[%swap3A_640] {strides = array<i32>} : memref<4096xf32, #tpu.memory_space<vmem>>, vector<16xf32>,
    %swap3A_642 = vector.shape_cast %swap3A_641 : vector<16xf32> to vector<16xf32>
    %swap3A_643 = vector.shape_cast %broadcast_in_dim3A_12 : vector<16xf32> to vector<16xf32>
    tpu.vector_store %arg10[%swap3A_640], %swap3A_643 {strides = array<i32>} : memref<4096xf32, #tpu.memory_space<vmem>>, vector<16xf32>,
    %swap3A_644 = arith.constant 2528 : index
    %swap3A_645 = tpu.vector_load %arg10[%swap3A_644] {strides = array<i32>} : memref<4096xf32, #tpu.memory_space<vmem>>, vector<16xf32>,
    %swap3A_646 = vector.shape_cast %swap3A_645 : vector<16xf32> to vector<16xf32>
    %swap3A_647 = vector.shape_cast %broadcast_in_dim3A_12 : vector<16xf32> to vector<16xf32>
    tpu.vector_store %arg10[%swap3A_644], %swap3A_647 {strides = array<i32>} : memref<4096xf32, #tpu.memory_space<vmem>>, vector<16xf32>,
    %swap3A_648 = arith.constant 2544 : index
    %swap3A_649 = tpu.vector_load %arg10[%swap3A_648] {strides = array<i32>} : memref<4096xf32, #tpu.memory_space<vmem>>, vector<16xf32>,
    %swap3A_650 = vector.shape_cast %swap3A_649 : vector<16xf32> to vector<16xf32>
    %swap3A_651 = vector.shape_cast %broadcast_in_dim3A_12 : vector<16xf32> to vector<16xf32>
    tpu.vector_store %arg10[%swap3A_648], %swap3A_651 {strides = array<i32>} : memref<4096xf32, #tpu.memory_space<vmem>>, vector<16xf32>,
    %swap3A_652 = arith.constant 2560 : index
    %swap3A_653 = tpu.vector_load %arg10[%swap3A_652] {strides = array<i32>} : memref<4096xf32, #tpu.memory_space<vmem>>, vector<16xf32>,
    %swap3A_654 = vector.shape_cast %swap3A_653 : vector<16xf32> to vector<16xf32>
    %swap3A_655 = vector.shape_cast %broadcast_in_dim3A_12 : vector<16xf32> to vector<16xf32>
    tpu.vector_store %arg10[%swap3A_652], %swap3A_655 {strides = array<i32>} : memref<4096xf32, #tpu.memory_space<vmem>>, vector<16xf32>,
    %swap3A_656 = arith.constant 2576 : index
    %swap3A_657 = tpu.vector_load %arg10[%swap3A_656] {strides = array<i32>} : memref<4096xf32, #tpu.memory_space<vmem>>, vector<16xf32>,
    %swap3A_658 = vector.shape_cast %swap3A_657 : vector<16xf32> to vector<16xf32>
    %swap3A_659 = vector.shape_cast %broadcast_in_dim3A_12 : vector<16xf32> to vector<16xf32>
    tpu.vector_store %arg10[%swap3A_656], %swap3A_659 {strides = array<i32>} : memref<4096xf32, #tpu.memory_space<vmem>>, vector<16xf32>,
    %swap3A_660 = arith.constant 2592 : index
    %swap3A_661 = tpu.vector_load %arg10[%swap3A_660] {strides = array<i32>} : memref<4096xf32, #tpu.memory_space<vmem>>, vector<16xf32>,
    %swap3A_662 = vector.shape_cast %swap3A_661 : vector<16xf32> to vector<16xf32>
    %swap3A_663 = vector.shape_cast %broadcast_in_dim3A_12 : vector<16xf32> to vector<16xf32>
    tpu.vector_store %arg10[%swap3A_660], %swap3A_663 {strides = array<i32>} : memref<4096xf32, #tpu.memory_space<vmem>>, vector<16xf32>,
    %swap3A_664 = arith.constant 2608 : index
    %swap3A_665 = tpu.vector_load %arg10[%swap3A_664] {strides = array<i32>} : memref<4096xf32, #tpu.memory_space<vmem>>, vector<16xf32>,
    %swap3A_666 = vector.shape_cast %swap3A_665 : vector<16xf32> to vector<16xf32>
    %swap3A_667 = vector.shape_cast %broadcast_in_dim3A_12 : vector<16xf32> to vector<16xf32>
    tpu.vector_store %arg10[%swap3A_664], %swap3A_667 {strides = array<i32>} : memref<4096xf32, #tpu.memory_space<vmem>>, vector<16xf32>,
    %swap3A_668 = arith.constant 2624 : index
    %swap3A_669 = tpu.vector_load %arg10[%swap3A_668] {strides = array<i32>} : memref<4096xf32, #tpu.memory_space<vmem>>, vector<16xf32>,
    %swap3A_670 = vector.shape_cast %swap3A_669 : vector<16xf32> to vector<16xf32>
    %swap3A_671 = vector.shape_cast %broadcast_in_dim3A_12 : vector<16xf32> to vector<16xf32>
    tpu.vector_store %arg10[%swap3A_668], %swap3A_671 {strides = array<i32>} : memref<4096xf32, #tpu.memory_space<vmem>>, vector<16xf32>,
    %swap3A_672 = arith.constant 2640 : index
    %swap3A_673 = tpu.vector_load %arg10[%swap3A_672] {strides = array<i32>} : memref<4096xf32, #tpu.memory_space<vmem>>, vector<16xf32>,
    %swap3A_674 = vector.shape_cast %swap3A_673 : vector<16xf32> to vector<16xf32>
    %swap3A_675 = vector.shape_cast %broadcast_in_dim3A_12 : vector<16xf32> to vector<16xf32>
    tpu.vector_store %arg10[%swap3A_672], %swap3A_675 {strides = array<i32>} : memref<4096xf32, #tpu.memory_space<vmem>>, vector<16xf32>,
    %swap3A_676 = arith.constant 2656 : index
    %swap3A_677 = tpu.vector_load %arg10[%swap3A_676] {strides = array<i32>} : memref<4096xf32, #tpu.memory_space<vmem>>, vector<16xf32>,
    %swap3A_678 = vector.shape_cast %swap3A_677 : vector<16xf32> to vector<16xf32>
    %swap3A_679 = vector.shape_cast %broadcast_in_dim3A_12 : vector<16xf32> to vector<16xf32>
    tpu.vector_store %arg10[%swap3A_676], %swap3A_679 {strides = array<i32>} : memref<4096xf32, #tpu.memory_space<vmem>>, vector<16xf32>,
    %swap3A_680 = arith.constant 2672 : index
    %swap3A_681 = tpu.vector_load %arg10[%swap3A_680] {strides = array<i32>} : memref<4096xf32, #tpu.memory_space<vmem>>, vector<16xf32>,
    %swap3A_682 = vector.shape_cast %swap3A_681 : vector<16xf32> to vector<16xf32>
    %swap3A_683 = vector.shape_cast %broadcast_in_dim3A_12 : vector<16xf32> to vector<16xf32>
    tpu.vector_store %arg10[%swap3A_680], %swap3A_683 {strides = array<i32>} : memref<4096xf32, #tpu.memory_space<vmem>>, vector<16xf32>,
    %swap3A_684 = arith.constant 2688 : index
    %swap3A_685 = tpu.vector_load %arg10[%swap3A_684] {strides = array<i32>} : memref<4096xf32, #tpu.memory_space<vmem>>, vector<16xf32>,
    %swap3A_686 = vector.shape_cast %swap3A_685 : vector<16xf32> to vector<16xf32>
    %swap3A_687 = vector.shape_cast %broadcast_in_dim3A_12 : vector<16xf32> to vector<16xf32>
    tpu.vector_store %arg10[%swap3A_684], %swap3A_687 {strides = array<i32>} : memref<4096xf32, #tpu.memory_space<vmem>>, vector<16xf32>,
    %swap3A_688 = arith.constant 2704 : index
    %swap3A_689 = tpu.vector_load %arg10[%swap3A_688] {strides = array<i32>} : memref<4096xf32, #tpu.memory_space<vmem>>, vector<16xf32>,
    %swap3A_690 = vector.shape_cast %swap3A_689 : vector<16xf32> to vector<16xf32>
    %swap3A_691 = vector.shape_cast %broadcast_in_dim3A_12 : vector<16xf32> to vector<16xf32>
    tpu.vector_store %arg10[%swap3A_688], %swap3A_691 {strides = array<i32>} : memref<4096xf32, #tpu.memory_space<vmem>>, vector<16xf32>,
    %swap3A_692 = arith.constant 2720 : index
    %swap3A_693 = tpu.vector_load %arg10[%swap3A_692] {strides = array<i32>} : memref<4096xf32, #tpu.memory_space<vmem>>, vector<16xf32>,
    %swap3A_694 = vector.shape_cast %swap3A_693 : vector<16xf32> to vector<16xf32>
    %swap3A_695 = vector.shape_cast %broadcast_in_dim3A_12 : vector<16xf32> to vector<16xf32>
    tpu.vector_store %arg10[%swap3A_692], %swap3A_695 {strides = array<i32>} : memref<4096xf32, #tpu.memory_space<vmem>>, vector<16xf32>,
    %swap3A_696 = arith.constant 2736 : index
    %swap3A_697 = tpu.vector_load %arg10[%swap3A_696] {strides = array<i32>} : memref<4096xf32, #tpu.memory_space<vmem>>, vector<16xf32>,
    %swap3A_698 = vector.shape_cast %swap3A_697 : vector<16xf32> to vector<16xf32>
    %swap3A_699 = vector.shape_cast %broadcast_in_dim3A_12 : vector<16xf32> to vector<16xf32>
    tpu.vector_store %arg10[%swap3A_696], %swap3A_699 {strides = array<i32>} : memref<4096xf32, #tpu.memory_space<vmem>>, vector<16xf32>,
    %swap3A_700 = arith.constant 2752 : index
    %swap3A_701 = tpu.vector_load %arg10[%swap3A_700] {strides = array<i32>} : memref<4096xf32, #tpu.memory_space<vmem>>, vector<16xf32>,
    %swap3A_702 = vector.shape_cast %swap3A_701 : vector<16xf32> to vector<16xf32>
    %swap3A_703 = vector.shape_cast %broadcast_in_dim3A_12 : vector<16xf32> to vector<16xf32>
    tpu.vector_store %arg10[%swap3A_700], %swap3A_703 {strides = array<i32>} : memref<4096xf32, #tpu.memory_space<vmem>>, vector<16xf32>,
    %swap3A_704 = arith.constant 2768 : index
    %swap3A_705 = tpu.vector_load %arg10[%swap3A_704] {strides = array<i32>} : memref<4096xf32, #tpu.memory_space<vmem>>, vector<16xf32>,
    %swap3A_706 = vector.shape_cast %swap3A_705 : vector<16xf32> to vector<16xf32>
    %swap3A_707 = vector.shape_cast %broadcast_in_dim3A_12 : vector<16xf32> to vector<16xf32>
    tpu.vector_store %arg10[%swap3A_704], %swap3A_707 {strides = array<i32>} : memref<4096xf32, #tpu.memory_space<vmem>>, vector<16xf32>,
    %swap3A_708 = arith.constant 2784 : index
    %swap3A_709 = tpu.vector_load %arg10[%swap3A_708] {strides = array<i32>} : memref<4096xf32, #tpu.memory_space<vmem>>, vector<16xf32>,
    %swap3A_710 = vector.shape_cast %swap3A_709 : vector<16xf32> to vector<16xf32>
    %swap3A_711 = vector.shape_cast %broadcast_in_dim3A_12 : vector<16xf32> to vector<16xf32>
    tpu.vector_store %arg10[%swap3A_708], %swap3A_711 {strides = array<i32>} : memref<4096xf32, #tpu.memory_space<vmem>>, vector<16xf32>,
    %swap3A_712 = arith.constant 2800 : index
    %swap3A_713 = tpu.vector_load %arg10[%swap3A_712] {strides = array<i32>} : memref<4096xf32, #tpu.memory_space<vmem>>, vector<16xf32>,
    %swap3A_714 = vector.shape_cast %swap3A_713 : vector<16xf32> to vector<16xf32>
    %swap3A_715 = vector.shape_cast %broadcast_in_dim3A_12 : vector<16xf32> to vector<16xf32>
    tpu.vector_store %arg10[%swap3A_712], %swap3A_715 {strides = array<i32>} : memref<4096xf32, #tpu.memory_space<vmem>>, vector<16xf32>,
    %swap3A_716 = arith.constant 2816 : index
    %swap3A_717 = tpu.vector_load %arg10[%swap3A_716] {strides = array<i32>} : memref<4096xf32, #tpu.memory_space<vmem>>, vector<16xf32>,
    %swap3A_718 = vector.shape_cast %swap3A_717 : vector<16xf32> to vector<16xf32>
    %swap3A_719 = vector.shape_cast %broadcast_in_dim3A_12 : vector<16xf32> to vector<16xf32>
    tpu.vector_store %arg10[%swap3A_716], %swap3A_719 {strides = array<i32>} : memref<4096xf32, #tpu.memory_space<vmem>>, vector<16xf32>,
    %swap3A_720 = arith.constant 2832 : index
    %swap3A_721 = tpu.vector_load %arg10[%swap3A_720] {strides = array<i32>} : memref<4096xf32, #tpu.memory_space<vmem>>, vector<16xf32>,
    %swap3A_722 = vector.shape_cast %swap3A_721 : vector<16xf32> to vector<16xf32>
    %swap3A_723 = vector.shape_cast %broadcast_in_dim3A_12 : vector<16xf32> to vector<16xf32>
    tpu.vector_store %arg10[%swap3A_720], %swap3A_723 {strides = array<i32>} : memref<4096xf32, #tpu.memory_space<vmem>>, vector<16xf32>,
    %swap3A_724 = arith.constant 2848 : index
    %swap3A_725 = tpu.vector_load %arg10[%swap3A_724] {strides = array<i32>} : memref<4096xf32, #tpu.memory_space<vmem>>, vector<16xf32>,
    %swap3A_726 = vector.shape_cast %swap3A_725 : vector<16xf32> to vector<16xf32>
    %swap3A_727 = vector.shape_cast %broadcast_in_dim3A_12 : vector<16xf32> to vector<16xf32>
    tpu.vector_store %arg10[%swap3A_724], %swap3A_727 {strides = array<i32>} : memref<4096xf32, #tpu.memory_space<vmem>>, vector<16xf32>,
    %swap3A_728 = arith.constant 2864 : index
    %swap3A_729 = tpu.vector_load %arg10[%swap3A_728] {strides = array<i32>} : memref<4096xf32, #tpu.memory_space<vmem>>, vector<16xf32>,
    %swap3A_730 = vector.shape_cast %swap3A_729 : vector<16xf32> to vector<16xf32>
    %swap3A_731 = vector.shape_cast %broadcast_in_dim3A_12 : vector<16xf32> to vector<16xf32>
    tpu.vector_store %arg10[%swap3A_728], %swap3A_731 {strides = array<i32>} : memref<4096xf32, #tpu.memory_space<vmem>>, vector<16xf32>,
    %swap3A_732 = arith.constant 2880 : index
    %swap3A_733 = tpu.vector_load %arg10[%swap3A_732] {strides = array<i32>} : memref<4096xf32, #tpu.memory_space<vmem>>, vector<16xf32>,
    %swap3A_734 = vector.shape_cast %swap3A_733 : vector<16xf32> to vector<16xf32>
    %swap3A_735 = vector.shape_cast %broadcast_in_dim3A_12 : vector<16xf32> to vector<16xf32>
    tpu.vector_store %arg10[%swap3A_732], %swap3A_735 {strides = array<i32>} : memref<4096xf32, #tpu.memory_space<vmem>>, vector<16xf32>,
    %swap3A_736 = arith.constant 2896 : index
    %swap3A_737 = tpu.vector_load %arg10[%swap3A_736] {strides = array<i32>} : memref<4096xf32, #tpu.memory_space<vmem>>, vector<16xf32>,
    %swap3A_738 = vector.shape_cast %swap3A_737 : vector<16xf32> to vector<16xf32>
    %swap3A_739 = vector.shape_cast %broadcast_in_dim3A_12 : vector<16xf32> to vector<16xf32>
    tpu.vector_store %arg10[%swap3A_736], %swap3A_739 {strides = array<i32>} : memref<4096xf32, #tpu.memory_space<vmem>>, vector<16xf32>,
    %swap3A_740 = arith.constant 2912 : index
    %swap3A_741 = tpu.vector_load %arg10[%swap3A_740] {strides = array<i32>} : memref<4096xf32, #tpu.memory_space<vmem>>, vector<16xf32>,
    %swap3A_742 = vector.shape_cast %swap3A_741 : vector<16xf32> to vector<16xf32>
    %swap3A_743 = vector.shape_cast %broadcast_in_dim3A_12 : vector<16xf32> to vector<16xf32>
    tpu.vector_store %arg10[%swap3A_740], %swap3A_743 {strides = array<i32>} : memref<4096xf32, #tpu.memory_space<vmem>>, vector<16xf32>,
    %swap3A_744 = arith.constant 2928 : index
    %swap3A_745 = tpu.vector_load %arg10[%swap3A_744] {strides = array<i32>} : memref<4096xf32, #tpu.memory_space<vmem>>, vector<16xf32>,
    %swap3A_746 = vector.shape_cast %swap3A_745 : vector<16xf32> to vector<16xf32>
    %swap3A_747 = vector.shape_cast %broadcast_in_dim3A_12 : vector<16xf32> to vector<16xf32>
    tpu.vector_store %arg10[%swap3A_744], %swap3A_747 {strides = array<i32>} : memref<4096xf32, #tpu.memory_space<vmem>>, vector<16xf32>,
    %swap3A_748 = arith.constant 2944 : index
    %swap3A_749 = tpu.vector_load %arg10[%swap3A_748] {strides = array<i32>} : memref<4096xf32, #tpu.memory_space<vmem>>, vector<16xf32>,
    %swap3A_750 = vector.shape_cast %swap3A_749 : vector<16xf32> to vector<16xf32>
    %swap3A_751 = vector.shape_cast %broadcast_in_dim3A_12 : vector<16xf32> to vector<16xf32>
    tpu.vector_store %arg10[%swap3A_748], %swap3A_751 {strides = array<i32>} : memref<4096xf32, #tpu.memory_space<vmem>>, vector<16xf32>,
    %swap3A_752 = arith.constant 2960 : index
    %swap3A_753 = tpu.vector_load %arg10[%swap3A_752] {strides = array<i32>} : memref<4096xf32, #tpu.memory_space<vmem>>, vector<16xf32>,
    %swap3A_754 = vector.shape_cast %swap3A_753 : vector<16xf32> to vector<16xf32>
    %swap3A_755 = vector.shape_cast %broadcast_in_dim3A_12 : vector<16xf32> to vector<16xf32>
    tpu.vector_store %arg10[%swap3A_752], %swap3A_755 {strides = array<i32>} : memref<4096xf32, #tpu.memory_space<vmem>>, vector<16xf32>,
    %swap3A_756 = arith.constant 2976 : index
    %swap3A_757 = tpu.vector_load %arg10[%swap3A_756] {strides = array<i32>} : memref<4096xf32, #tpu.memory_space<vmem>>, vector<16xf32>,
    %swap3A_758 = vector.shape_cast %swap3A_757 : vector<16xf32> to vector<16xf32>
    %swap3A_759 = vector.shape_cast %broadcast_in_dim3A_12 : vector<16xf32> to vector<16xf32>
    tpu.vector_store %arg10[%swap3A_756], %swap3A_759 {strides = array<i32>} : memref<4096xf32, #tpu.memory_space<vmem>>, vector<16xf32>,
    %swap3A_760 = arith.constant 2992 : index
    %swap3A_761 = tpu.vector_load %arg10[%swap3A_760] {strides = array<i32>} : memref<4096xf32, #tpu.memory_space<vmem>>, vector<16xf32>,
    %swap3A_762 = vector.shape_cast %swap3A_761 : vector<16xf32> to vector<16xf32>
    %swap3A_763 = vector.shape_cast %broadcast_in_dim3A_12 : vector<16xf32> to vector<16xf32>
    tpu.vector_store %arg10[%swap3A_760], %swap3A_763 {strides = array<i32>} : memref<4096xf32, #tpu.memory_space<vmem>>, vector<16xf32>,
    %swap3A_764 = arith.constant 3008 : index
    %swap3A_765 = tpu.vector_load %arg10[%swap3A_764] {strides = array<i32>} : memref<4096xf32, #tpu.memory_space<vmem>>, vector<16xf32>,
    %swap3A_766 = vector.shape_cast %swap3A_765 : vector<16xf32> to vector<16xf32>
    %swap3A_767 = vector.shape_cast %broadcast_in_dim3A_12 : vector<16xf32> to vector<16xf32>
    tpu.vector_store %arg10[%swap3A_764], %swap3A_767 {strides = array<i32>} : memref<4096xf32, #tpu.memory_space<vmem>>, vector<16xf32>,
    %swap3A_768 = arith.constant 3024 : index
    %swap3A_769 = tpu.vector_load %arg10[%swap3A_768] {strides = array<i32>} : memref<4096xf32, #tpu.memory_space<vmem>>, vector<16xf32>,
    %swap3A_770 = vector.shape_cast %swap3A_769 : vector<16xf32> to vector<16xf32>
    %swap3A_771 = vector.shape_cast %broadcast_in_dim3A_12 : vector<16xf32> to vector<16xf32>
    tpu.vector_store %arg10[%swap3A_768], %swap3A_771 {strides = array<i32>} : memref<4096xf32, #tpu.memory_space<vmem>>, vector<16xf32>,
    %swap3A_772 = arith.constant 3040 : index
    %swap3A_773 = tpu.vector_load %arg10[%swap3A_772] {strides = array<i32>} : memref<4096xf32, #tpu.memory_space<vmem>>, vector<16xf32>,
    %swap3A_774 = vector.shape_cast %swap3A_773 : vector<16xf32> to vector<16xf32>
    %swap3A_775 = vector.shape_cast %broadcast_in_dim3A_12 : vector<16xf32> to vector<16xf32>
    tpu.vector_store %arg10[%swap3A_772], %swap3A_775 {strides = array<i32>} : memref<4096xf32, #tpu.memory_space<vmem>>, vector<16xf32>,
    %swap3A_776 = arith.constant 3056 : index
    %swap3A_777 = tpu.vector_load %arg10[%swap3A_776] {strides = array<i32>} : memref<4096xf32, #tpu.memory_space<vmem>>, vector<16xf32>,
    %swap3A_778 = vector.shape_cast %swap3A_777 : vector<16xf32> to vector<16xf32>
    %swap3A_779 = vector.shape_cast %broadcast_in_dim3A_12 : vector<16xf32> to vector<16xf32>
    tpu.vector_store %arg10[%swap3A_776], %swap3A_779 {strides = array<i32>} : memref<4096xf32, #tpu.memory_space<vmem>>, vector<16xf32>,
    %swap3A_780 = arith.constant 3072 : index
    %swap3A_781 = tpu.vector_load %arg10[%swap3A_780] {strides = array<i32>} : memref<4096xf32, #tpu.memory_space<vmem>>, vector<16xf32>,
    %swap3A_782 = vector.shape_cast %swap3A_781 : vector<16xf32> to vector<16xf32>
    %swap3A_783 = vector.shape_cast %broadcast_in_dim3A_12 : vector<16xf32> to vector<16xf32>
    tpu.vector_store %arg10[%swap3A_780], %swap3A_783 {strides = array<i32>} : memref<4096xf32, #tpu.memory_space<vmem>>, vector<16xf32>,
    %swap3A_784 = arith.constant 3088 : index
    %swap3A_785 = tpu.vector_load %arg10[%swap3A_784] {strides = array<i32>} : memref<4096xf32, #tpu.memory_space<vmem>>, vector<16xf32>,
    %swap3A_786 = vector.shape_cast %swap3A_785 : vector<16xf32> to vector<16xf32>
    %swap3A_787 = vector.shape_cast %broadcast_in_dim3A_12 : vector<16xf32> to vector<16xf32>
    tpu.vector_store %arg10[%swap3A_784], %swap3A_787 {strides = array<i32>} : memref<4096xf32, #tpu.memory_space<vmem>>, vector<16xf32>,
    %swap3A_788 = arith.constant 3104 : index
    %swap3A_789 = tpu.vector_load %arg10[%swap3A_788] {strides = array<i32>} : memref<4096xf32, #tpu.memory_space<vmem>>, vector<16xf32>,
    %swap3A_790 = vector.shape_cast %swap3A_789 : vector<16xf32> to vector<16xf32>
    %swap3A_791 = vector.shape_cast %broadcast_in_dim3A_12 : vector<16xf32> to vector<16xf32>
    tpu.vector_store %arg10[%swap3A_788], %swap3A_791 {strides = array<i32>} : memref<4096xf32, #tpu.memory_space<vmem>>, vector<16xf32>,
    %swap3A_792 = arith.constant 3120 : index
    %swap3A_793 = tpu.vector_load %arg10[%swap3A_792] {strides = array<i32>} : memref<4096xf32, #tpu.memory_space<vmem>>, vector<16xf32>,
    %swap3A_794 = vector.shape_cast %swap3A_793 : vector<16xf32> to vector<16xf32>
    %swap3A_795 = vector.shape_cast %broadcast_in_dim3A_12 : vector<16xf32> to vector<16xf32>
    tpu.vector_store %arg10[%swap3A_792], %swap3A_795 {strides = array<i32>} : memref<4096xf32, #tpu.memory_space<vmem>>, vector<16xf32>,
    %swap3A_796 = arith.constant 3136 : index
    %swap3A_797 = tpu.vector_load %arg10[%swap3A_796] {strides = array<i32>} : memref<4096xf32, #tpu.memory_space<vmem>>, vector<16xf32>,
    %swap3A_798 = vector.shape_cast %swap3A_797 : vector<16xf32> to vector<16xf32>
    %swap3A_799 = vector.shape_cast %broadcast_in_dim3A_12 : vector<16xf32> to vector<16xf32>
    tpu.vector_store %arg10[%swap3A_796], %swap3A_799 {strides = array<i32>} : memref<4096xf32, #tpu.memory_space<vmem>>, vector<16xf32>,
    %swap3A_800 = arith.constant 3152 : index
    %swap3A_801 = tpu.vector_load %arg10[%swap3A_800] {strides = array<i32>} : memref<4096xf32, #tpu.memory_space<vmem>>, vector<16xf32>,
    %swap3A_802 = vector.shape_cast %swap3A_801 : vector<16xf32> to vector<16xf32>
    %swap3A_803 = vector.shape_cast %broadcast_in_dim3A_12 : vector<16xf32> to vector<16xf32>
    tpu.vector_store %arg10[%swap3A_800], %swap3A_803 {strides = array<i32>} : memref<4096xf32, #tpu.memory_space<vmem>>, vector<16xf32>,
    %swap3A_804 = arith.constant 3168 : index
    %swap3A_805 = tpu.vector_load %arg10[%swap3A_804] {strides = array<i32>} : memref<4096xf32, #tpu.memory_space<vmem>>, vector<16xf32>,
    %swap3A_806 = vector.shape_cast %swap3A_805 : vector<16xf32> to vector<16xf32>
    %swap3A_807 = vector.shape_cast %broadcast_in_dim3A_12 : vector<16xf32> to vector<16xf32>
    tpu.vector_store %arg10[%swap3A_804], %swap3A_807 {strides = array<i32>} : memref<4096xf32, #tpu.memory_space<vmem>>, vector<16xf32>,
    %swap3A_808 = arith.constant 3184 : index
    %swap3A_809 = tpu.vector_load %arg10[%swap3A_808] {strides = array<i32>} : memref<4096xf32, #tpu.memory_space<vmem>>, vector<16xf32>,
    %swap3A_810 = vector.shape_cast %swap3A_809 : vector<16xf32> to vector<16xf32>
    %swap3A_811 = vector.shape_cast %broadcast_in_dim3A_12 : vector<16xf32> to vector<16xf32>
    tpu.vector_store %arg10[%swap3A_808], %swap3A_811 {strides = array<i32>} : memref<4096xf32, #tpu.memory_space<vmem>>, vector<16xf32>,
    %swap3A_812 = arith.constant 3200 : index
    %swap3A_813 = tpu.vector_load %arg10[%swap3A_812] {strides = array<i32>} : memref<4096xf32, #tpu.memory_space<vmem>>, vector<16xf32>,
    %swap3A_814 = vector.shape_cast %swap3A_813 : vector<16xf32> to vector<16xf32>
    %swap3A_815 = vector.shape_cast %broadcast_in_dim3A_12 : vector<16xf32> to vector<16xf32>
    tpu.vector_store %arg10[%swap3A_812], %swap3A_815 {strides = array<i32>} : memref<4096xf32, #tpu.memory_space<vmem>>, vector<16xf32>,
    %swap3A_816 = arith.constant 3216 : index
    %swap3A_817 = tpu.vector_load %arg10[%swap3A_816] {strides = array<i32>} : memref<4096xf32, #tpu.memory_space<vmem>>, vector<16xf32>,
    %swap3A_818 = vector.shape_cast %swap3A_817 : vector<16xf32> to vector<16xf32>
    %swap3A_819 = vector.shape_cast %broadcast_in_dim3A_12 : vector<16xf32> to vector<16xf32>
    tpu.vector_store %arg10[%swap3A_816], %swap3A_819 {strides = array<i32>} : memref<4096xf32, #tpu.memory_space<vmem>>, vector<16xf32>,
    %swap3A_820 = arith.constant 3232 : index
    %swap3A_821 = tpu.vector_load %arg10[%swap3A_820] {strides = array<i32>} : memref<4096xf32, #tpu.memory_space<vmem>>, vector<16xf32>,
    %swap3A_822 = vector.shape_cast %swap3A_821 : vector<16xf32> to vector<16xf32>
    %swap3A_823 = vector.shape_cast %broadcast_in_dim3A_12 : vector<16xf32> to vector<16xf32>
    tpu.vector_store %arg10[%swap3A_820], %swap3A_823 {strides = array<i32>} : memref<4096xf32, #tpu.memory_space<vmem>>, vector<16xf32>,
    %swap3A_824 = arith.constant 3248 : index
    %swap3A_825 = tpu.vector_load %arg10[%swap3A_824] {strides = array<i32>} : memref<4096xf32, #tpu.memory_space<vmem>>, vector<16xf32>,
    %swap3A_826 = vector.shape_cast %swap3A_825 : vector<16xf32> to vector<16xf32>
    %swap3A_827 = vector.shape_cast %broadcast_in_dim3A_12 : vector<16xf32> to vector<16xf32>
    tpu.vector_store %arg10[%swap3A_824], %swap3A_827 {strides = array<i32>} : memref<4096xf32, #tpu.memory_space<vmem>>, vector<16xf32>,
    %swap3A_828 = arith.constant 3264 : index
    %swap3A_829 = tpu.vector_load %arg10[%swap3A_828] {strides = array<i32>} : memref<4096xf32, #tpu.memory_space<vmem>>, vector<16xf32>,
    %swap3A_830 = vector.shape_cast %swap3A_829 : vector<16xf32> to vector<16xf32>
    %swap3A_831 = vector.shape_cast %broadcast_in_dim3A_12 : vector<16xf32> to vector<16xf32>
    tpu.vector_store %arg10[%swap3A_828], %swap3A_831 {strides = array<i32>} : memref<4096xf32, #tpu.memory_space<vmem>>, vector<16xf32>,
    %swap3A_832 = arith.constant 3280 : index
    %swap3A_833 = tpu.vector_load %arg10[%swap3A_832] {strides = array<i32>} : memref<4096xf32, #tpu.memory_space<vmem>>, vector<16xf32>,
    %swap3A_834 = vector.shape_cast %swap3A_833 : vector<16xf32> to vector<16xf32>
    %swap3A_835 = vector.shape_cast %broadcast_in_dim3A_12 : vector<16xf32> to vector<16xf32>
    tpu.vector_store %arg10[%swap3A_832], %swap3A_835 {strides = array<i32>} : memref<4096xf32, #tpu.memory_space<vmem>>, vector<16xf32>,
    %swap3A_836 = arith.constant 3296 : index
    %swap3A_837 = tpu.vector_load %arg10[%swap3A_836] {strides = array<i32>} : memref<4096xf32, #tpu.memory_space<vmem>>, vector<16xf32>,
    %swap3A_838 = vector.shape_cast %swap3A_837 : vector<16xf32> to vector<16xf32>
    %swap3A_839 = vector.shape_cast %broadcast_in_dim3A_12 : vector<16xf32> to vector<16xf32>
    tpu.vector_store %arg10[%swap3A_836], %swap3A_839 {strides = array<i32>} : memref<4096xf32, #tpu.memory_space<vmem>>, vector<16xf32>,
    %swap3A_840 = arith.constant 3312 : index
    %swap3A_841 = tpu.vector_load %arg10[%swap3A_840] {strides = array<i32>} : memref<4096xf32, #tpu.memory_space<vmem>>, vector<16xf32>,
    %swap3A_842 = vector.shape_cast %swap3A_841 : vector<16xf32> to vector<16xf32>
    %swap3A_843 = vector.shape_cast %broadcast_in_dim3A_12 : vector<16xf32> to vector<16xf32>
    tpu.vector_store %arg10[%swap3A_840], %swap3A_843 {strides = array<i32>} : memref<4096xf32, #tpu.memory_space<vmem>>, vector<16xf32>,
    %swap3A_844 = arith.constant 3328 : index
    %swap3A_845 = tpu.vector_load %arg10[%swap3A_844] {strides = array<i32>} : memref<4096xf32, #tpu.memory_space<vmem>>, vector<16xf32>,
    %swap3A_846 = vector.shape_cast %swap3A_845 : vector<16xf32> to vector<16xf32>
    %swap3A_847 = vector.shape_cast %broadcast_in_dim3A_12 : vector<16xf32> to vector<16xf32>
    tpu.vector_store %arg10[%swap3A_844], %swap3A_847 {strides = array<i32>} : memref<4096xf32, #tpu.memory_space<vmem>>, vector<16xf32>,
    %swap3A_848 = arith.constant 3344 : index
    %swap3A_849 = tpu.vector_load %arg10[%swap3A_848] {strides = array<i32>} : memref<4096xf32, #tpu.memory_space<vmem>>, vector<16xf32>,
    %swap3A_850 = vector.shape_cast %swap3A_849 : vector<16xf32> to vector<16xf32>
    %swap3A_851 = vector.shape_cast %broadcast_in_dim3A_12 : vector<16xf32> to vector<16xf32>
    tpu.vector_store %arg10[%swap3A_848], %swap3A_851 {strides = array<i32>} : memref<4096xf32, #tpu.memory_space<vmem>>, vector<16xf32>,
    %swap3A_852 = arith.constant 3360 : index
    %swap3A_853 = tpu.vector_load %arg10[%swap3A_852] {strides = array<i32>} : memref<4096xf32, #tpu.memory_space<vmem>>, vector<16xf32>,
    %swap3A_854 = vector.shape_cast %swap3A_853 : vector<16xf32> to vector<16xf32>
    %swap3A_855 = vector.shape_cast %broadcast_in_dim3A_12 : vector<16xf32> to vector<16xf32>
    tpu.vector_store %arg10[%swap3A_852], %swap3A_855 {strides = array<i32>} : memref<4096xf32, #tpu.memory_space<vmem>>, vector<16xf32>,
    %swap3A_856 = arith.constant 3376 : index
    %swap3A_857 = tpu.vector_load %arg10[%swap3A_856] {strides = array<i32>} : memref<4096xf32, #tpu.memory_space<vmem>>, vector<16xf32>,
    %swap3A_858 = vector.shape_cast %swap3A_857 : vector<16xf32> to vector<16xf32>
    %swap3A_859 = vector.shape_cast %broadcast_in_dim3A_12 : vector<16xf32> to vector<16xf32>
    tpu.vector_store %arg10[%swap3A_856], %swap3A_859 {strides = array<i32>} : memref<4096xf32, #tpu.memory_space<vmem>>, vector<16xf32>,
    %swap3A_860 = arith.constant 3392 : index
    %swap3A_861 = tpu.vector_load %arg10[%swap3A_860] {strides = array<i32>} : memref<4096xf32, #tpu.memory_space<vmem>>, vector<16xf32>,
    %swap3A_862 = vector.shape_cast %swap3A_861 : vector<16xf32> to vector<16xf32>
    %swap3A_863 = vector.shape_cast %broadcast_in_dim3A_12 : vector<16xf32> to vector<16xf32>
    tpu.vector_store %arg10[%swap3A_860], %swap3A_863 {strides = array<i32>} : memref<4096xf32, #tpu.memory_space<vmem>>, vector<16xf32>,
    %swap3A_864 = arith.constant 3408 : index
    %swap3A_865 = tpu.vector_load %arg10[%swap3A_864] {strides = array<i32>} : memref<4096xf32, #tpu.memory_space<vmem>>, vector<16xf32>,
    %swap3A_866 = vector.shape_cast %swap3A_865 : vector<16xf32> to vector<16xf32>
    %swap3A_867 = vector.shape_cast %broadcast_in_dim3A_12 : vector<16xf32> to vector<16xf32>
    tpu.vector_store %arg10[%swap3A_864], %swap3A_867 {strides = array<i32>} : memref<4096xf32, #tpu.memory_space<vmem>>, vector<16xf32>,
    %swap3A_868 = arith.constant 3424 : index
    %swap3A_869 = tpu.vector_load %arg10[%swap3A_868] {strides = array<i32>} : memref<4096xf32, #tpu.memory_space<vmem>>, vector<16xf32>,
    %swap3A_870 = vector.shape_cast %swap3A_869 : vector<16xf32> to vector<16xf32>
    %swap3A_871 = vector.shape_cast %broadcast_in_dim3A_12 : vector<16xf32> to vector<16xf32>
    tpu.vector_store %arg10[%swap3A_868], %swap3A_871 {strides = array<i32>} : memref<4096xf32, #tpu.memory_space<vmem>>, vector<16xf32>,
    %swap3A_872 = arith.constant 3440 : index
    %swap3A_873 = tpu.vector_load %arg10[%swap3A_872] {strides = array<i32>} : memref<4096xf32, #tpu.memory_space<vmem>>, vector<16xf32>,
    %swap3A_874 = vector.shape_cast %swap3A_873 : vector<16xf32> to vector<16xf32>
    %swap3A_875 = vector.shape_cast %broadcast_in_dim3A_12 : vector<16xf32> to vector<16xf32>
    tpu.vector_store %arg10[%swap3A_872], %swap3A_875 {strides = array<i32>} : memref<4096xf32, #tpu.memory_space<vmem>>, vector<16xf32>,
    %swap3A_876 = arith.constant 3456 : index
    %swap3A_877 = tpu.vector_load %arg10[%swap3A_876] {strides = array<i32>} : memref<4096xf32, #tpu.memory_space<vmem>>, vector<16xf32>,
    %swap3A_878 = vector.shape_cast %swap3A_877 : vector<16xf32> to vector<16xf32>
    %swap3A_879 = vector.shape_cast %broadcast_in_dim3A_12 : vector<16xf32> to vector<16xf32>
    tpu.vector_store %arg10[%swap3A_876], %swap3A_879 {strides = array<i32>} : memref<4096xf32, #tpu.memory_space<vmem>>, vector<16xf32>,
    %swap3A_880 = arith.constant 3472 : index
    %swap3A_881 = tpu.vector_load %arg10[%swap3A_880] {strides = array<i32>} : memref<4096xf32, #tpu.memory_space<vmem>>, vector<16xf32>,
    %swap3A_882 = vector.shape_cast %swap3A_881 : vector<16xf32> to vector<16xf32>
    %swap3A_883 = vector.shape_cast %broadcast_in_dim3A_12 : vector<16xf32> to vector<16xf32>
    tpu.vector_store %arg10[%swap3A_880], %swap3A_883 {strides = array<i32>} : memref<4096xf32, #tpu.memory_space<vmem>>, vector<16xf32>,
    %swap3A_884 = arith.constant 3488 : index
    %swap3A_885 = tpu.vector_load %arg10[%swap3A_884] {strides = array<i32>} : memref<4096xf32, #tpu.memory_space<vmem>>, vector<16xf32>,
    %swap3A_886 = vector.shape_cast %swap3A_885 : vector<16xf32> to vector<16xf32>
    %swap3A_887 = vector.shape_cast %broadcast_in_dim3A_12 : vector<16xf32> to vector<16xf32>
    tpu.vector_store %arg10[%swap3A_884], %swap3A_887 {strides = array<i32>} : memref<4096xf32, #tpu.memory_space<vmem>>, vector<16xf32>,
    %swap3A_888 = arith.constant 3504 : index
    %swap3A_889 = tpu.vector_load %arg10[%swap3A_888] {strides = array<i32>} : memref<4096xf32, #tpu.memory_space<vmem>>, vector<16xf32>,
    %swap3A_890 = vector.shape_cast %swap3A_889 : vector<16xf32> to vector<16xf32>
    %swap3A_891 = vector.shape_cast %broadcast_in_dim3A_12 : vector<16xf32> to vector<16xf32>
    tpu.vector_store %arg10[%swap3A_888], %swap3A_891 {strides = array<i32>} : memref<4096xf32, #tpu.memory_space<vmem>>, vector<16xf32>,
    %swap3A_892 = arith.constant 3520 : index
    %swap3A_893 = tpu.vector_load %arg10[%swap3A_892] {strides = array<i32>} : memref<4096xf32, #tpu.memory_space<vmem>>, vector<16xf32>,
    %swap3A_894 = vector.shape_cast %swap3A_893 : vector<16xf32> to vector<16xf32>
    %swap3A_895 = vector.shape_cast %broadcast_in_dim3A_12 : vector<16xf32> to vector<16xf32>
    tpu.vector_store %arg10[%swap3A_892], %swap3A_895 {strides = array<i32>} : memref<4096xf32, #tpu.memory_space<vmem>>, vector<16xf32>,
    %swap3A_896 = arith.constant 3536 : index
    %swap3A_897 = tpu.vector_load %arg10[%swap3A_896] {strides = array<i32>} : memref<4096xf32, #tpu.memory_space<vmem>>, vector<16xf32>,
    %swap3A_898 = vector.shape_cast %swap3A_897 : vector<16xf32> to vector<16xf32>
    %swap3A_899 = vector.shape_cast %broadcast_in_dim3A_12 : vector<16xf32> to vector<16xf32>
    tpu.vector_store %arg10[%swap3A_896], %swap3A_899 {strides = array<i32>} : memref<4096xf32, #tpu.memory_space<vmem>>, vector<16xf32>,
    %swap3A_900 = arith.constant 3552 : index
    %swap3A_901 = tpu.vector_load %arg10[%swap3A_900] {strides = array<i32>} : memref<4096xf32, #tpu.memory_space<vmem>>, vector<16xf32>,
    %swap3A_902 = vector.shape_cast %swap3A_901 : vector<16xf32> to vector<16xf32>
    %swap3A_903 = vector.shape_cast %broadcast_in_dim3A_12 : vector<16xf32> to vector<16xf32>
    tpu.vector_store %arg10[%swap3A_900], %swap3A_903 {strides = array<i32>} : memref<4096xf32, #tpu.memory_space<vmem>>, vector<16xf32>,
    %swap3A_904 = arith.constant 3568 : index
    %swap3A_905 = tpu.vector_load %arg10[%swap3A_904] {strides = array<i32>} : memref<4096xf32, #tpu.memory_space<vmem>>, vector<16xf32>,
    %swap3A_906 = vector.shape_cast %swap3A_905 : vector<16xf32> to vector<16xf32>
    %swap3A_907 = vector.shape_cast %broadcast_in_dim3A_12 : vector<16xf32> to vector<16xf32>
    tpu.vector_store %arg10[%swap3A_904], %swap3A_907 {strides = array<i32>} : memref<4096xf32, #tpu.memory_space<vmem>>, vector<16xf32>,
    %swap3A_908 = arith.constant 3584 : index
    %swap3A_909 = tpu.vector_load %arg10[%swap3A_908] {strides = array<i32>} : memref<4096xf32, #tpu.memory_space<vmem>>, vector<16xf32>,
    %swap3A_910 = vector.shape_cast %swap3A_909 : vector<16xf32> to vector<16xf32>
    %swap3A_911 = vector.shape_cast %broadcast_in_dim3A_12 : vector<16xf32> to vector<16xf32>
    tpu.vector_store %arg10[%swap3A_908], %swap3A_911 {strides = array<i32>} : memref<4096xf32, #tpu.memory_space<vmem>>, vector<16xf32>,
    %swap3A_912 = arith.constant 3600 : index
    %swap3A_913 = tpu.vector_load %arg10[%swap3A_912] {strides = array<i32>} : memref<4096xf32, #tpu.memory_space<vmem>>, vector<16xf32>,
    %swap3A_914 = vector.shape_cast %swap3A_913 : vector<16xf32> to vector<16xf32>
    %swap3A_915 = vector.shape_cast %broadcast_in_dim3A_12 : vector<16xf32> to vector<16xf32>
    tpu.vector_store %arg10[%swap3A_912], %swap3A_915 {strides = array<i32>} : memref<4096xf32, #tpu.memory_space<vmem>>, vector<16xf32>,
    %swap3A_916 = arith.constant 3616 : index
    %swap3A_917 = tpu.vector_load %arg10[%swap3A_916] {strides = array<i32>} : memref<4096xf32, #tpu.memory_space<vmem>>, vector<16xf32>,
    %swap3A_918 = vector.shape_cast %swap3A_917 : vector<16xf32> to vector<16xf32>
    %swap3A_919 = vector.shape_cast %broadcast_in_dim3A_12 : vector<16xf32> to vector<16xf32>
    tpu.vector_store %arg10[%swap3A_916], %swap3A_919 {strides = array<i32>} : memref<4096xf32, #tpu.memory_space<vmem>>, vector<16xf32>,
    %swap3A_920 = arith.constant 3632 : index
    %swap3A_921 = tpu.vector_load %arg10[%swap3A_920] {strides = array<i32>} : memref<4096xf32, #tpu.memory_space<vmem>>, vector<16xf32>,
    %swap3A_922 = vector.shape_cast %swap3A_921 : vector<16xf32> to vector<16xf32>
    %swap3A_923 = vector.shape_cast %broadcast_in_dim3A_12 : vector<16xf32> to vector<16xf32>
    tpu.vector_store %arg10[%swap3A_920], %swap3A_923 {strides = array<i32>} : memref<4096xf32, #tpu.memory_space<vmem>>, vector<16xf32>,
    %swap3A_924 = arith.constant 3648 : index
    %swap3A_925 = tpu.vector_load %arg10[%swap3A_924] {strides = array<i32>} : memref<4096xf32, #tpu.memory_space<vmem>>, vector<16xf32>,
    %swap3A_926 = vector.shape_cast %swap3A_925 : vector<16xf32> to vector<16xf32>
    %swap3A_927 = vector.shape_cast %broadcast_in_dim3A_12 : vector<16xf32> to vector<16xf32>
    tpu.vector_store %arg10[%swap3A_924], %swap3A_927 {strides = array<i32>} : memref<4096xf32, #tpu.memory_space<vmem>>, vector<16xf32>,
    %swap3A_928 = arith.constant 3664 : index
    %swap3A_929 = tpu.vector_load %arg10[%swap3A_928] {strides = array<i32>} : memref<4096xf32, #tpu.memory_space<vmem>>, vector<16xf32>,
    %swap3A_930 = vector.shape_cast %swap3A_929 : vector<16xf32> to vector<16xf32>
    %swap3A_931 = vector.shape_cast %broadcast_in_dim3A_12 : vector<16xf32> to vector<16xf32>
    tpu.vector_store %arg10[%swap3A_928], %swap3A_931 {strides = array<i32>} : memref<4096xf32, #tpu.memory_space<vmem>>, vector<16xf32>,
    %swap3A_932 = arith.constant 3680 : index
    %swap3A_933 = tpu.vector_load %arg10[%swap3A_932] {strides = array<i32>} : memref<4096xf32, #tpu.memory_space<vmem>>, vector<16xf32>,
    %swap3A_934 = vector.shape_cast %swap3A_933 : vector<16xf32> to vector<16xf32>
    %swap3A_935 = vector.shape_cast %broadcast_in_dim3A_12 : vector<16xf32> to vector<16xf32>
    tpu.vector_store %arg10[%swap3A_932], %swap3A_935 {strides = array<i32>} : memref<4096xf32, #tpu.memory_space<vmem>>, vector<16xf32>,
    %swap3A_936 = arith.constant 3696 : index
    %swap3A_937 = tpu.vector_load %arg10[%swap3A_936] {strides = array<i32>} : memref<4096xf32, #tpu.memory_space<vmem>>, vector<16xf32>,
    %swap3A_938 = vector.shape_cast %swap3A_937 : vector<16xf32> to vector<16xf32>
    %swap3A_939 = vector.shape_cast %broadcast_in_dim3A_12 : vector<16xf32> to vector<16xf32>
    tpu.vector_store %arg10[%swap3A_936], %swap3A_939 {strides = array<i32>} : memref<4096xf32, #tpu.memory_space<vmem>>, vector<16xf32>,
    %swap3A_940 = arith.constant 3712 : index
    %swap3A_941 = tpu.vector_load %arg10[%swap3A_940] {strides = array<i32>} : memref<4096xf32, #tpu.memory_space<vmem>>, vector<16xf32>,
    %swap3A_942 = vector.shape_cast %swap3A_941 : vector<16xf32> to vector<16xf32>
    %swap3A_943 = vector.shape_cast %broadcast_in_dim3A_12 : vector<16xf32> to vector<16xf32>
    tpu.vector_store %arg10[%swap3A_940], %swap3A_943 {strides = array<i32>} : memref<4096xf32, #tpu.memory_space<vmem>>, vector<16xf32>,
    %swap3A_944 = arith.constant 3728 : index
    %swap3A_945 = tpu.vector_load %arg10[%swap3A_944] {strides = array<i32>} : memref<4096xf32, #tpu.memory_space<vmem>>, vector<16xf32>,
    %swap3A_946 = vector.shape_cast %swap3A_945 : vector<16xf32> to vector<16xf32>
    %swap3A_947 = vector.shape_cast %broadcast_in_dim3A_12 : vector<16xf32> to vector<16xf32>
    tpu.vector_store %arg10[%swap3A_944], %swap3A_947 {strides = array<i32>} : memref<4096xf32, #tpu.memory_space<vmem>>, vector<16xf32>,
    %swap3A_948 = arith.constant 3744 : index
    %swap3A_949 = tpu.vector_load %arg10[%swap3A_948] {strides = array<i32>} : memref<4096xf32, #tpu.memory_space<vmem>>, vector<16xf32>,
    %swap3A_950 = vector.shape_cast %swap3A_949 : vector<16xf32> to vector<16xf32>
    %swap3A_951 = vector.shape_cast %broadcast_in_dim3A_12 : vector<16xf32> to vector<16xf32>
    tpu.vector_store %arg10[%swap3A_948], %swap3A_951 {strides = array<i32>} : memref<4096xf32, #tpu.memory_space<vmem>>, vector<16xf32>,
    %swap3A_952 = arith.constant 3760 : index
    %swap3A_953 = tpu.vector_load %arg10[%swap3A_952] {strides = array<i32>} : memref<4096xf32, #tpu.memory_space<vmem>>, vector<16xf32>,
    %swap3A_954 = vector.shape_cast %swap3A_953 : vector<16xf32> to vector<16xf32>
    %swap3A_955 = vector.shape_cast %broadcast_in_dim3A_12 : vector<16xf32> to vector<16xf32>
    tpu.vector_store %arg10[%swap3A_952], %swap3A_955 {strides = array<i32>} : memref<4096xf32, #tpu.memory_space<vmem>>, vector<16xf32>,
    %swap3A_956 = arith.constant 3776 : index
    %swap3A_957 = tpu.vector_load %arg10[%swap3A_956] {strides = array<i32>} : memref<4096xf32, #tpu.memory_space<vmem>>, vector<16xf32>,
    %swap3A_958 = vector.shape_cast %swap3A_957 : vector<16xf32> to vector<16xf32>
    %swap3A_959 = vector.shape_cast %broadcast_in_dim3A_12 : vector<16xf32> to vector<16xf32>
    tpu.vector_store %arg10[%swap3A_956], %swap3A_959 {strides = array<i32>} : memref<4096xf32, #tpu.memory_space<vmem>>, vector<16xf32>,
    %swap3A_960 = arith.constant 3792 : index
    %swap3A_961 = tpu.vector_load %arg10[%swap3A_960] {strides = array<i32>} : memref<4096xf32, #tpu.memory_space<vmem>>, vector<16xf32>,
    %swap3A_962 = vector.shape_cast %swap3A_961 : vector<16xf32> to vector<16xf32>
    %swap3A_963 = vector.shape_cast %broadcast_in_dim3A_12 : vector<16xf32> to vector<16xf32>
    tpu.vector_store %arg10[%swap3A_960], %swap3A_963 {strides = array<i32>} : memref<4096xf32, #tpu.memory_space<vmem>>, vector<16xf32>,
    %swap3A_964 = arith.constant 3808 : index
    %swap3A_965 = tpu.vector_load %arg10[%swap3A_964] {strides = array<i32>} : memref<4096xf32, #tpu.memory_space<vmem>>, vector<16xf32>,
    %swap3A_966 = vector.shape_cast %swap3A_965 : vector<16xf32> to vector<16xf32>
    %swap3A_967 = vector.shape_cast %broadcast_in_dim3A_12 : vector<16xf32> to vector<16xf32>
    tpu.vector_store %arg10[%swap3A_964], %swap3A_967 {strides = array<i32>} : memref<4096xf32, #tpu.memory_space<vmem>>, vector<16xf32>,
    %swap3A_968 = arith.constant 3824 : index
    %swap3A_969 = tpu.vector_load %arg10[%swap3A_968] {strides = array<i32>} : memref<4096xf32, #tpu.memory_space<vmem>>, vector<16xf32>,
    %swap3A_970 = vector.shape_cast %swap3A_969 : vector<16xf32> to vector<16xf32>
    %swap3A_971 = vector.shape_cast %broadcast_in_dim3A_12 : vector<16xf32> to vector<16xf32>
    tpu.vector_store %arg10[%swap3A_968], %swap3A_971 {strides = array<i32>} : memref<4096xf32, #tpu.memory_space<vmem>>, vector<16xf32>,
    %swap3A_972 = arith.constant 3840 : index
    %swap3A_973 = tpu.vector_load %arg10[%swap3A_972] {strides = array<i32>} : memref<4096xf32, #tpu.memory_space<vmem>>, vector<16xf32>,
    %swap3A_974 = vector.shape_cast %swap3A_973 : vector<16xf32> to vector<16xf32>
    %swap3A_975 = vector.shape_cast %broadcast_in_dim3A_12 : vector<16xf32> to vector<16xf32>
    tpu.vector_store %arg10[%swap3A_972], %swap3A_975 {strides = array<i32>} : memref<4096xf32, #tpu.memory_space<vmem>>, vector<16xf32>,
    %swap3A_976 = arith.constant 3856 : index
    %swap3A_977 = tpu.vector_load %arg10[%swap3A_976] {strides = array<i32>} : memref<4096xf32, #tpu.memory_space<vmem>>, vector<16xf32>,
    %swap3A_978 = vector.shape_cast %swap3A_977 : vector<16xf32> to vector<16xf32>
    %swap3A_979 = vector.shape_cast %broadcast_in_dim3A_12 : vector<16xf32> to vector<16xf32>
    tpu.vector_store %arg10[%swap3A_976], %swap3A_979 {strides = array<i32>} : memref<4096xf32, #tpu.memory_space<vmem>>, vector<16xf32>,
    %swap3A_980 = arith.constant 3872 : index
    %swap3A_981 = tpu.vector_load %arg10[%swap3A_980] {strides = array<i32>} : memref<4096xf32, #tpu.memory_space<vmem>>, vector<16xf32>,
    %swap3A_982 = vector.shape_cast %swap3A_981 : vector<16xf32> to vector<16xf32>
    %swap3A_983 = vector.shape_cast %broadcast_in_dim3A_12 : vector<16xf32> to vector<16xf32>
    tpu.vector_store %arg10[%swap3A_980], %swap3A_983 {strides = array<i32>} : memref<4096xf32, #tpu.memory_space<vmem>>, vector<16xf32>,
    %swap3A_984 = arith.constant 3888 : index
    %swap3A_985 = tpu.vector_load %arg10[%swap3A_984] {strides = array<i32>} : memref<4096xf32, #tpu.memory_space<vmem>>, vector<16xf32>,
    %swap3A_986 = vector.shape_cast %swap3A_985 : vector<16xf32> to vector<16xf32>
    %swap3A_987 = vector.shape_cast %broadcast_in_dim3A_12 : vector<16xf32> to vector<16xf32>
    tpu.vector_store %arg10[%swap3A_984], %swap3A_987 {strides = array<i32>} : memref<4096xf32, #tpu.memory_space<vmem>>, vector<16xf32>,
    %swap3A_988 = arith.constant 3904 : index
    %swap3A_989 = tpu.vector_load %arg10[%swap3A_988] {strides = array<i32>} : memref<4096xf32, #tpu.memory_space<vmem>>, vector<16xf32>,
    %swap3A_990 = vector.shape_cast %swap3A_989 : vector<16xf32> to vector<16xf32>
    %swap3A_991 = vector.shape_cast %broadcast_in_dim3A_12 : vector<16xf32> to vector<16xf32>
    tpu.vector_store %arg10[%swap3A_988], %swap3A_991 {strides = array<i32>} : memref<4096xf32, #tpu.memory_space<vmem>>, vector<16xf32>,
    %swap3A_992 = arith.constant 3920 : index
    %swap3A_993 = tpu.vector_load %arg10[%swap3A_992] {strides = array<i32>} : memref<4096xf32, #tpu.memory_space<vmem>>, vector<16xf32>,
    %swap3A_994 = vector.shape_cast %swap3A_993 : vector<16xf32> to vector<16xf32>
    %swap3A_995 = vector.shape_cast %broadcast_in_dim3A_12 : vector<16xf32> to vector<16xf32>
    tpu.vector_store %arg10[%swap3A_992], %swap3A_995 {strides = array<i32>} : memref<4096xf32, #tpu.memory_space<vmem>>, vector<16xf32>,
    %swap3A_996 = arith.constant 3936 : index
    %swap3A_997 = tpu.vector_load %arg10[%swap3A_996] {strides = array<i32>} : memref<4096xf32, #tpu.memory_space<vmem>>, vector<16xf32>,
    %swap3A_998 = vector.shape_cast %swap3A_997 : vector<16xf32> to vector<16xf32>
    %swap3A_999 = vector.shape_cast %broadcast_in_dim3A_12 : vector<16xf32> to vector<16xf32>
    tpu.vector_store %arg10[%swap3A_996], %swap3A_999 {strides = array<i32>} : memref<4096xf32, #tpu.memory_space<vmem>>, vector<16xf32>,
    %swap3A_1000 = arith.constant 3952 : index
    %swap3A_1001 = tpu.vector_load %arg10[%swap3A_1000] {strides = array<i32>} : memref<4096xf32, #tpu.memory_space<vmem>>, vector<16xf32>,
    %swap3A_1002 = vector.shape_cast %swap3A_1001 : vector<16xf32> to vector<16xf32>
    %swap3A_1003 = vector.shape_cast %broadcast_in_dim3A_12 : vector<16xf32> to vector<16xf32>
    tpu.vector_store %arg10[%swap3A_1000], %swap3A_1003 {strides = array<i32>} : memref<4096xf32, #tpu.memory_space<vmem>>, vector<16xf32>,
    %swap3A_1004 = arith.constant 3968 : index
    %swap3A_1005 = tpu.vector_load %arg10[%swap3A_1004] {strides = array<i32>} : memref<4096xf32, #tpu.memory_space<vmem>>, vector<16xf32>,
    %swap3A_1006 = vector.shape_cast %swap3A_1005 : vector<16xf32> to vector<16xf32>
    %swap3A_1007 = vector.shape_cast %broadcast_in_dim3A_12 : vector<16xf32> to vector<16xf32>
    tpu.vector_store %arg10[%swap3A_1004], %swap3A_1007 {strides = array<i32>} : memref<4096xf32, #tpu.memory_space<vmem>>, vector<16xf32>,
    %swap3A_1008 = arith.constant 3984 : index
    %swap3A_1009 = tpu.vector_load %arg10[%swap3A_1008] {strides = array<i32>} : memref<4096xf32, #tpu.memory_space<vmem>>, vector<16xf32>,
    %swap3A_1010 = vector.shape_cast %swap3A_1009 : vector<16xf32> to vector<16xf32>
    %swap3A_1011 = vector.shape_cast %broadcast_in_dim3A_12 : vector<16xf32> to vector<16xf32>
    tpu.vector_store %arg10[%swap3A_1008], %swap3A_1011 {strides = array<i32>} : memref<4096xf32, #tpu.memory_space<vmem>>, vector<16xf32>,
    %swap3A_1012 = arith.constant 4000 : index
    %swap3A_1013 = tpu.vector_load %arg10[%swap3A_1012] {strides = array<i32>} : memref<4096xf32, #tpu.memory_space<vmem>>, vector<16xf32>,
    %swap3A_1014 = vector.shape_cast %swap3A_1013 : vector<16xf32> to vector<16xf32>
    %swap3A_1015 = vector.shape_cast %broadcast_in_dim3A_12 : vector<16xf32> to vector<16xf32>
    tpu.vector_store %arg10[%swap3A_1012], %swap3A_1015 {strides = array<i32>} : memref<4096xf32, #tpu.memory_space<vmem>>, vector<16xf32>,
    %swap3A_1016 = arith.constant 4016 : index
    %swap3A_1017 = tpu.vector_load %arg10[%swap3A_1016] {strides = array<i32>} : memref<4096xf32, #tpu.memory_space<vmem>>, vector<16xf32>,
    %swap3A_1018 = vector.shape_cast %swap3A_1017 : vector<16xf32> to vector<16xf32>
    %swap3A_1019 = vector.shape_cast %broadcast_in_dim3A_12 : vector<16xf32> to vector<16xf32>
    tpu.vector_store %arg10[%swap3A_1016], %swap3A_1019 {strides = array<i32>} : memref<4096xf32, #tpu.memory_space<vmem>>, vector<16xf32>,
    %swap3A_1020 = arith.constant 4032 : index
    %swap3A_1021 = tpu.vector_load %arg10[%swap3A_1020] {strides = array<i32>} : memref<4096xf32, #tpu.memory_space<vmem>>, vector<16xf32>,
    %swap3A_1022 = vector.shape_cast %swap3A_1021 : vector<16xf32> to vector<16xf32>
    %swap3A_1023 = vector.shape_cast %broadcast_in_dim3A_12 : vector<16xf32> to vector<16xf32>
    tpu.vector_store %arg10[%swap3A_1020], %swap3A_1023 {strides = array<i32>} : memref<4096xf32, #tpu.memory_space<vmem>>, vector<16xf32>,
    %swap3A_1024 = arith.constant 4048 : index
    %swap3A_1025 = tpu.vector_load %arg10[%swap3A_1024] {strides = array<i32>} : memref<4096xf32, #tpu.memory_space<vmem>>, vector<16xf32>,
    %swap3A_1026 = vector.shape_cast %swap3A_1025 : vector<16xf32> to vector<16xf32>
    %swap3A_1027 = vector.shape_cast %broadcast_in_dim3A_12 : vector<16xf32> to vector<16xf32>
    tpu.vector_store %arg10[%swap3A_1024], %swap3A_1027 {strides = array<i32>} : memref<4096xf32, #tpu.memory_space<vmem>>, vector<16xf32>,
    %swap3A_1028 = arith.constant 4064 : index
    %swap3A_1029 = tpu.vector_load %arg10[%swap3A_1028] {strides = array<i32>} : memref<4096xf32, #tpu.memory_space<vmem>>, vector<16xf32>,
    %swap3A_1030 = vector.shape_cast %swap3A_1029 : vector<16xf32> to vector<16xf32>
    %swap3A_1031 = vector.shape_cast %broadcast_in_dim3A_12 : vector<16xf32> to vector<16xf32>
    tpu.vector_store %arg10[%swap3A_1028], %swap3A_1031 {strides = array<i32>} : memref<4096xf32, #tpu.memory_space<vmem>>, vector<16xf32>,
    %swap3A_1032 = arith.constant 4080 : index
    %swap3A_1033 = tpu.vector_load %arg10[%swap3A_1032] {strides = array<i32>} : memref<4096xf32, #tpu.memory_space<vmem>>, vector<16xf32>,
    %swap3A_1034 = vector.shape_cast %swap3A_1033 : vector<16xf32> to vector<16xf32>
    %swap3A_1035 = vector.shape_cast %broadcast_in_dim3A_12 : vector<16xf32> to vector<16xf32>
    tpu.vector_store %arg10[%swap3A_1032], %swap3A_1035 {strides = array<i32>} : memref<4096xf32, #tpu.memory_space<vmem>>, vector<16xf32>,
    %mul3A_1036 = arith.constant 16384 : i32
    %mul3A_1037 = arith.muli %arg1, %mul3A_1036 : i32
    %add3A = arith.constant 0 : i32
    %add3A_1038 = arith.addi %mul3A_1037, %add3A : i32
    %dma_start3A_1039 = tpu.memref_slice %arg5[%add3A_1038] : memref<262144xf32, #tpu.memory_space<hbm>> -> memref<4096xf32, #tpu.memory_space<hbm>>
    %dma_start3A_1040 = tpu.memref_slice %arg5[%add3A_1038] : memref<262144xf32, #tpu.memory_space<hbm>> -> memref<4096xf32, #tpu.memory_space<hbm>>
    tpu.enqueue_dma source(%arg10 : memref<4096xf32, #tpu.memory_space<vmem>>) target(%dma_start3A_1040 : memref<4096xf32, #tpu.memory_space<hbm>>) target_semaphore(%arg12 : memref<!tpu.dma_semaphore, #tpu.memory_space<semaphore_mem>>)
    %add3A_1041 = arith.constant 4096 : i32
    %add3A_1042 = arith.addi %mul3A_1037, %add3A_1041 : i32
    %dma_start3A_1043 = tpu.memref_slice %arg5[%add3A_1042] : memref<262144xf32, #tpu.memory_space<hbm>> -> memref<4096xf32, #tpu.memory_space<hbm>>
    %dma_start3A_1044 = tpu.memref_slice %arg5[%add3A_1042] : memref<262144xf32, #tpu.memory_space<hbm>> -> memref<4096xf32, #tpu.memory_space<hbm>>
    tpu.enqueue_dma source(%arg10 : memref<4096xf32, #tpu.memory_space<vmem>>) target(%dma_start3A_1044 : memref<4096xf32, #tpu.memory_space<hbm>>) target_semaphore(%arg12 : memref<!tpu.dma_semaphore, #tpu.memory_space<semaphore_mem>>)
    %add3A_1045 = arith.constant 8192 : i32
    %add3A_1046 = arith.addi %mul3A_1037, %add3A_1045 : i32
    %dma_start3A_1047 = tpu.memref_slice %arg5[%add3A_1046] : memref<262144xf32, #tpu.memory_space<hbm>> -> memref<4096xf32, #tpu.memory_space<hbm>>
    %dma_start3A_1048 = tpu.memref_slice %arg5[%add3A_1046] : memref<262144xf32, #tpu.memory_space<hbm>> -> memref<4096xf32, #tpu.memory_space<hbm>>
    tpu.enqueue_dma source(%arg10 : memref<4096xf32, #tpu.memory_space<vmem>>) target(%dma_start3A_1048 : memref<4096xf32, #tpu.memory_space<hbm>>) target_semaphore(%arg12 : memref<!tpu.dma_semaphore, #tpu.memory_space<semaphore_mem>>)
    %add3A_1049 = arith.constant 12288 : i32
    %add3A_1050 = arith.addi %mul3A_1037, %add3A_1049 : i32
    %dma_start3A_1051 = tpu.memref_slice %arg5[%add3A_1050] : memref<262144xf32, #tpu.memory_space<hbm>> -> memref<4096xf32, #tpu.memory_space<hbm>>
    %dma_start3A_1052 = tpu.memref_slice %arg5[%add3A_1050] : memref<262144xf32, #tpu.memory_space<hbm>> -> memref<4096xf32, #tpu.memory_space<hbm>>
    tpu.enqueue_dma source(%arg10 : memref<4096xf32, #tpu.memory_space<vmem>>) target(%dma_start3A_1052 : memref<4096xf32, #tpu.memory_space<hbm>>) target_semaphore(%arg12 : memref<!tpu.dma_semaphore, #tpu.memory_space<semaphore_mem>>)
    %dma_wait3A = arith.constant 0 : i32
    %dma_wait3A_1053 = tpu.memref_slice %arg3[%mul3A_0, %dma_wait3A] : memref<128x128xi32, #tpu.memory_space<hbm>> -> memref<8x128xi32, #tpu.memory_space<hbm>>
    %dma_wait3A_1054 = arith.constant 0 : i32
    %dma_wait3A_1055 = tpu.memref_slice %arg3[%mul3A_0, %dma_wait3A_1054] : memref<128x128xi32, #tpu.memory_space<hbm>> -> memref<8x128xi32, #tpu.memory_space<hbm>>
    tpu.wait_dma2 semaphore(%arg11 : memref<!tpu.dma_semaphore, #tpu.memory_space<semaphore_mem>>) src(%dma_wait3A_1055 : memref<8x128xi32, #tpu.memory_space<hbm>>) dst(%arg6 : memref<8x128xi32, #tpu.memory_space<vmem>>)
    %dma_wait3A_1056 = arith.constant 0 : i32
    %dma_wait3A_1057 = tpu.memref_slice %arg4[%mul3A_0, %dma_wait3A_1056] : memref<128x128xi32, #tpu.memory_space<hbm>> -> memref<8x128xi32, #tpu.memory_space<hbm>>
    %dma_wait3A_1058 = arith.constant 0 : i32
    %dma_wait3A_1059 = tpu.memref_slice %arg4[%mul3A_0, %dma_wait3A_1058] : memref<128x128xi32, #tpu.memory_space<hbm>> -> memref<8x128xi32, #tpu.memory_space<hbm>>
    tpu.wait_dma2 semaphore(%arg11 : memref<!tpu.dma_semaphore, #tpu.memory_space<semaphore_mem>>) src(%dma_wait3A_1059 : memref<8x128xi32, #tpu.memory_space<hbm>>) dst(%arg7 : memref<8x128xi32, #tpu.memory_space<vmem>>)
    %dma_wait3A_1060 = arith.constant 0 : i32
    %dma_wait3A_1061 = tpu.memref_slice %arg2[%mul3A_0, %dma_wait3A_1060] : memref<128x128xf32, #tpu.memory_space<hbm>> -> memref<8x128xf32, #tpu.memory_space<hbm>>
    %dma_wait3A_1062 = arith.constant 0 : i32
    %dma_wait3A_1063 = tpu.memref_slice %arg2[%mul3A_0, %dma_wait3A_1062] : memref<128x128xf32, #tpu.memory_space<hbm>> -> memref<8x128xf32, #tpu.memory_space<hbm>>
    tpu.wait_dma2 semaphore(%arg11 : memref<!tpu.dma_semaphore, #tpu.memory_space<semaphore_mem>>) src(%dma_wait3A_1063 : memref<8x128xf32, #tpu.memory_space<hbm>>) dst(%arg9 : memref<8x128xf32, #tpu.memory_space<vmem>>)
    %get3A = arith.constant 0 : i32
    %get3A_1064 = arith.index_cast %get3A : i32 to index
    %get3A_1065 = arith.constant 0 : index
    %get3A_1066 = tpu.vector_load %arg6[%get3A_1064, %get3A_1065] {strides = array<i32>} : memref<8x128xi32, #tpu.memory_space<vmem>>, vector<1x16xi32>,
    %get3A_1067 = vector.shape_cast %get3A_1066 : vector<1x16xi32> to vector<16xi32>
    %mul3A_1068 = arith.constant 512 : i32
    %mul3A_1069 = vector.broadcast %mul3A_1068 : i32 to vector<16xi32>
    %mul3A_1070 = arith.muli %get3A_1067, %mul3A_1069 : vector<16xi32>
    %get3A_1071 = arith.constant 0 : i32
    %get3A_1072 = arith.index_cast %get3A_1071 : i32 to index
    %get3A_1073 = arith.constant 0 : index
    %get3A_1074 = tpu.vector_load %arg7[%get3A_1072, %get3A_1073] {strides = array<i32>} : memref<8x128xi32, #tpu.memory_space<vmem>>, vector<1x16xi32>,
    %get3A_1075 = vector.shape_cast %get3A_1074 : vector<1x16xi32> to vector<16xi32>
    %add3A_1076 = arith.addi %mul3A_1070, %get3A_1075 : vector<16xi32>
    %swap3A_1077 = arith.constant 0 : i32
    %swap3A_1078 = arith.index_cast %swap3A_1077 : i32 to index
    %swap3A_1079 = arith.constant 0 : index
    %swap3A_1080 = tpu.vector_load %arg8[%swap3A_1078, %swap3A_1079] {strides = array<i32>} : memref<8x128xi32, #tpu.memory_space<vmem>>, vector<1x16xi32>,
    %swap3A_1081 = vector.shape_cast %swap3A_1080 : vector<1x16xi32> to vector<16xi32>
    %swap3A_1082 = vector.shape_cast %add3A_1076 : vector<16xi32> to vector<1x16xi32>
    tpu.vector_store %arg8[%swap3A_1078, %swap3A_1079], %swap3A_1082 {strides = array<i32>} : memref<8x128xi32, #tpu.memory_space<vmem>>, vector<1x16xi32>,
    %get3A_1083 = arith.constant 0 : i32
    %get3A_1084 = arith.index_cast %get3A_1083 : i32 to index
    %get3A_1085 = arith.constant 16 : index
    %get3A_1086 = tpu.vector_load %arg6[%get3A_1084, %get3A_1085] {strides = array<i32>} : memref<8x128xi32, #tpu.memory_space<vmem>>, vector<1x16xi32>,
    %get3A_1087 = vector.shape_cast %get3A_1086 : vector<1x16xi32> to vector<16xi32>
    %mul3A_1088 = arith.constant 512 : i32
    %mul3A_1089 = vector.broadcast %mul3A_1088 : i32 to vector<16xi32>
    %mul3A_1090 = arith.muli %get3A_1087, %mul3A_1089 : vector<16xi32>
    %get3A_1091 = arith.constant 0 : i32
    %get3A_1092 = arith.index_cast %get3A_1091 : i32 to index
    %get3A_1093 = arith.constant 16 : index
    %get3A_1094 = tpu.vector_load %arg7[%get3A_1092, %get3A_1093] {strides = array<i32>} : memref<8x128xi32, #tpu.memory_space<vmem>>, vector<1x16xi32>,
    %get3A_1095 = vector.shape_cast %get3A_1094 : vector<1x16xi32> to vector<16xi32>
    %add3A_1096 = arith.addi %mul3A_1090, %get3A_1095 : vector<16xi32>
    %swap3A_1097 = arith.constant 0 : i32
    %swap3A_1098 = arith.index_cast %swap3A_1097 : i32 to index
    %swap3A_1099 = arith.constant 16 : index
    %swap3A_1100 = tpu.vector_load %arg8[%swap3A_1098, %swap3A_1099] {strides = array<i32>} : memref<8x128xi32, #tpu.memory_space<vmem>>, vector<1x16xi32>,
    %swap3A_1101 = vector.shape_cast %swap3A_1100 : vector<1x16xi32> to vector<16xi32>
    %swap3A_1102 = vector.shape_cast %add3A_1096 : vector<16xi32> to vector<1x16xi32>
    tpu.vector_store %arg8[%swap3A_1098, %swap3A_1099], %swap3A_1102 {strides = array<i32>} : memref<8x128xi32, #tpu.memory_space<vmem>>, vector<1x16xi32>,
    %get3A_1103 = arith.constant 0 : i32
    %get3A_1104 = arith.index_cast %get3A_1103 : i32 to index
    %get3A_1105 = arith.constant 32 : index
    %get3A_1106 = tpu.vector_load %arg6[%get3A_1104, %get3A_1105] {strides = array<i32>} : memref<8x128xi32, #tpu.memory_space<vmem>>, vector<1x16xi32>,
    %get3A_1107 = vector.shape_cast %get3A_1106 : vector<1x16xi32> to vector<16xi32>
    %mul3A_1108 = arith.constant 512 : i32
    %mul3A_1109 = vector.broadcast %mul3A_1108 : i32 to vector<16xi32>
    %mul3A_1110 = arith.muli %get3A_1107, %mul3A_1109 : vector<16xi32>
    %get3A_1111 = arith.constant 0 : i32
    %get3A_1112 = arith.index_cast %get3A_1111 : i32 to index
    %get3A_1113 = arith.constant 32 : index
    %get3A_1114 = tpu.vector_load %arg7[%get3A_1112, %get3A_1113] {strides = array<i32>} : memref<8x128xi32, #tpu.memory_space<vmem>>, vector<1x16xi32>,
    %get3A_1115 = vector.shape_cast %get3A_1114 : vector<1x16xi32> to vector<16xi32>
    %add3A_1116 = arith.addi %mul3A_1110, %get3A_1115 : vector<16xi32>
    %swap3A_1117 = arith.constant 0 : i32
    %swap3A_1118 = arith.index_cast %swap3A_1117 : i32 to index
    %swap3A_1119 = arith.constant 32 : index
    %swap3A_1120 = tpu.vector_load %arg8[%swap3A_1118, %swap3A_1119] {strides = array<i32>} : memref<8x128xi32, #tpu.memory_space<vmem>>, vector<1x16xi32>,
    %swap3A_1121 = vector.shape_cast %swap3A_1120 : vector<1x16xi32> to vector<16xi32>
    %swap3A_1122 = vector.shape_cast %add3A_1116 : vector<16xi32> to vector<1x16xi32>
    tpu.vector_store %arg8[%swap3A_1118, %swap3A_1119], %swap3A_1122 {strides = array<i32>} : memref<8x128xi32, #tpu.memory_space<vmem>>, vector<1x16xi32>,
    %get3A_1123 = arith.constant 0 : i32
    %get3A_1124 = arith.index_cast %get3A_1123 : i32 to index
    %get3A_1125 = arith.constant 48 : index
    %get3A_1126 = tpu.vector_load %arg6[%get3A_1124, %get3A_1125] {strides = array<i32>} : memref<8x128xi32, #tpu.memory_space<vmem>>, vector<1x16xi32>,
    %get3A_1127 = vector.shape_cast %get3A_1126 : vector<1x16xi32> to vector<16xi32>
    %mul3A_1128 = arith.constant 512 : i32
    %mul3A_1129 = vector.broadcast %mul3A_1128 : i32 to vector<16xi32>
    %mul3A_1130 = arith.muli %get3A_1127, %mul3A_1129 : vector<16xi32>
    %get3A_1131 = arith.constant 0 : i32
    %get3A_1132 = arith.index_cast %get3A_1131 : i32 to index
    %get3A_1133 = arith.constant 48 : index
    %get3A_1134 = tpu.vector_load %arg7[%get3A_1132, %get3A_1133] {strides = array<i32>} : memref<8x128xi32, #tpu.memory_space<vmem>>, vector<1x16xi32>,
    %get3A_1135 = vector.shape_cast %get3A_1134 : vector<1x16xi32> to vector<16xi32>
    %add3A_1136 = arith.addi %mul3A_1130, %get3A_1135 : vector<16xi32>
    %swap3A_1137 = arith.constant 0 : i32
    %swap3A_1138 = arith.index_cast %swap3A_1137 : i32 to index
    %swap3A_1139 = arith.constant 48 : index
    %swap3A_1140 = tpu.vector_load %arg8[%swap3A_1138, %swap3A_1139] {strides = array<i32>} : memref<8x128xi32, #tpu.memory_space<vmem>>, vector<1x16xi32>,
    %swap3A_1141 = vector.shape_cast %swap3A_1140 : vector<1x16xi32> to vector<16xi32>
    %swap3A_1142 = vector.shape_cast %add3A_1136 : vector<16xi32> to vector<1x16xi32>
    tpu.vector_store %arg8[%swap3A_1138, %swap3A_1139], %swap3A_1142 {strides = array<i32>} : memref<8x128xi32, #tpu.memory_space<vmem>>, vector<1x16xi32>,
    %get3A_1143 = arith.constant 0 : i32
    %get3A_1144 = arith.index_cast %get3A_1143 : i32 to index
    %get3A_1145 = arith.constant 64 : index
    %get3A_1146 = tpu.vector_load %arg6[%get3A_1144, %get3A_1145] {strides = array<i32>} : memref<8x128xi32, #tpu.memory_space<vmem>>, vector<1x16xi32>,
    %get3A_1147 = vector.shape_cast %get3A_1146 : vector<1x16xi32> to vector<16xi32>
    %mul3A_1148 = arith.constant 512 : i32
    %mul3A_1149 = vector.broadcast %mul3A_1148 : i32 to vector<16xi32>
    %mul3A_1150 = arith.muli %get3A_1147, %mul3A_1149 : vector<16xi32>
    %get3A_1151 = arith.constant 0 : i32
    %get3A_1152 = arith.index_cast %get3A_1151 : i32 to index
    %get3A_1153 = arith.constant 64 : index
    %get3A_1154 = tpu.vector_load %arg7[%get3A_1152, %get3A_1153] {strides = array<i32>} : memref<8x128xi32, #tpu.memory_space<vmem>>, vector<1x16xi32>,
    %get3A_1155 = vector.shape_cast %get3A_1154 : vector<1x16xi32> to vector<16xi32>
    %add3A_1156 = arith.addi %mul3A_1150, %get3A_1155 : vector<16xi32>
    %swap3A_1157 = arith.constant 0 : i32
    %swap3A_1158 = arith.index_cast %swap3A_1157 : i32 to index
    %swap3A_1159 = arith.constant 64 : index
    %swap3A_1160 = tpu.vector_load %arg8[%swap3A_1158, %swap3A_1159] {strides = array<i32>} : memref<8x128xi32, #tpu.memory_space<vmem>>, vector<1x16xi32>,
    %swap3A_1161 = vector.shape_cast %swap3A_1160 : vector<1x16xi32> to vector<16xi32>
    %swap3A_1162 = vector.shape_cast %add3A_1156 : vector<16xi32> to vector<1x16xi32>
    tpu.vector_store %arg8[%swap3A_1158, %swap3A_1159], %swap3A_1162 {strides = array<i32>} : memref<8x128xi32, #tpu.memory_space<vmem>>, vector<1x16xi32>,
    %get3A_1163 = arith.constant 0 : i32
    %get3A_1164 = arith.index_cast %get3A_1163 : i32 to index
    %get3A_1165 = arith.constant 80 : index
    %get3A_1166 = tpu.vector_load %arg6[%get3A_1164, %get3A_1165] {strides = array<i32>} : memref<8x128xi32, #tpu.memory_space<vmem>>, vector<1x16xi32>,
    %get3A_1167 = vector.shape_cast %get3A_1166 : vector<1x16xi32> to vector<16xi32>
    %mul3A_1168 = arith.constant 512 : i32
    %mul3A_1169 = vector.broadcast %mul3A_1168 : i32 to vector<16xi32>
    %mul3A_1170 = arith.muli %get3A_1167, %mul3A_1169 : vector<16xi32>
    %get3A_1171 = arith.constant 0 : i32
    %get3A_1172 = arith.index_cast %get3A_1171 : i32 to index
    %get3A_1173 = arith.constant 80 : index
    %get3A_1174 = tpu.vector_load %arg7[%get3A_1172, %get3A_1173] {strides = array<i32>} : memref<8x128xi32, #tpu.memory_space<vmem>>, vector<1x16xi32>,
    %get3A_1175 = vector.shape_cast %get3A_1174 : vector<1x16xi32> to vector<16xi32>
    %add3A_1176 = arith.addi %mul3A_1170, %get3A_1175 : vector<16xi32>
    %swap3A_1177 = arith.constant 0 : i32
    %swap3A_1178 = arith.index_cast %swap3A_1177 : i32 to index
    %swap3A_1179 = arith.constant 80 : index
    %swap3A_1180 = tpu.vector_load %arg8[%swap3A_1178, %swap3A_1179] {strides = array<i32>} : memref<8x128xi32, #tpu.memory_space<vmem>>, vector<1x16xi32>,
    %swap3A_1181 = vector.shape_cast %swap3A_1180 : vector<1x16xi32> to vector<16xi32>
    %swap3A_1182 = vector.shape_cast %add3A_1176 : vector<16xi32> to vector<1x16xi32>
    tpu.vector_store %arg8[%swap3A_1178, %swap3A_1179], %swap3A_1182 {strides = array<i32>} : memref<8x128xi32, #tpu.memory_space<vmem>>, vector<1x16xi32>,
    %get3A_1183 = arith.constant 0 : i32
    %get3A_1184 = arith.index_cast %get3A_1183 : i32 to index
    %get3A_1185 = arith.constant 96 : index
    %get3A_1186 = tpu.vector_load %arg6[%get3A_1184, %get3A_1185] {strides = array<i32>} : memref<8x128xi32, #tpu.memory_space<vmem>>, vector<1x16xi32>,
    %get3A_1187 = vector.shape_cast %get3A_1186 : vector<1x16xi32> to vector<16xi32>
    %mul3A_1188 = arith.constant 512 : i32
    %mul3A_1189 = vector.broadcast %mul3A_1188 : i32 to vector<16xi32>
    %mul3A_1190 = arith.muli %get3A_1187, %mul3A_1189 : vector<16xi32>
    %get3A_1191 = arith.constant 0 : i32
    %get3A_1192 = arith.index_cast %get3A_1191 : i32 to index
    %get3A_1193 = arith.constant 96 : index
    %get3A_1194 = tpu.vector_load %arg7[%get3A_1192, %get3A_1193] {strides = array<i32>} : memref<8x128xi32, #tpu.memory_space<vmem>>, vector<1x16xi32>,
    %get3A_1195 = vector.shape_cast %get3A_1194 : vector<1x16xi32> to vector<16xi32>
    %add3A_1196 = arith.addi %mul3A_1190, %get3A_1195 : vector<16xi32>
    %swap3A_1197 = arith.constant 0 : i32
    %swap3A_1198 = arith.index_cast %swap3A_1197 : i32 to index
    %swap3A_1199 = arith.constant 96 : index
    %swap3A_1200 = tpu.vector_load %arg8[%swap3A_1198, %swap3A_1199] {strides = array<i32>} : memref<8x128xi32, #tpu.memory_space<vmem>>, vector<1x16xi32>,
    %swap3A_1201 = vector.shape_cast %swap3A_1200 : vector<1x16xi32> to vector<16xi32>
    %swap3A_1202 = vector.shape_cast %add3A_1196 : vector<16xi32> to vector<1x16xi32>
    tpu.vector_store %arg8[%swap3A_1198, %swap3A_1199], %swap3A_1202 {strides = array<i32>} : memref<8x128xi32, #tpu.memory_space<vmem>>, vector<1x16xi32>,
    %get3A_1203 = arith.constant 0 : i32
    %get3A_1204 = arith.index_cast %get3A_1203 : i32 to index
    %get3A_1205 = arith.constant 112 : index
    %get3A_1206 = tpu.vector_load %arg6[%get3A_1204, %get3A_1205] {strides = array<i32>} : memref<8x128xi32, #tpu.memory_space<vmem>>, vector<1x16xi32>,
    %get3A_1207 = vector.shape_cast %get3A_1206 : vector<1x16xi32> to vector<16xi32>
    %mul3A_1208 = arith.constant 512 : i32
    %mul3A_1209 = vector.broadcast %mul3A_1208 : i32 to vector<16xi32>
    %mul3A_1210 = arith.muli %get3A_1207, %mul3A_1209 : vector<16xi32>
    %get3A_1211 = arith.constant 0 : i32
    %get3A_1212 = arith.index_cast %get3A_1211 : i32 to index
    %get3A_1213 = arith.constant 112 : index
    %get3A_1214 = tpu.vector_load %arg7[%get3A_1212, %get3A_1213] {strides = array<i32>} : memref<8x128xi32, #tpu.memory_space<vmem>>, vector<1x16xi32>,
    %get3A_1215 = vector.shape_cast %get3A_1214 : vector<1x16xi32> to vector<16xi32>
    %add3A_1216 = arith.addi %mul3A_1210, %get3A_1215 : vector<16xi32>
    %swap3A_1217 = arith.constant 0 : i32
    %swap3A_1218 = arith.index_cast %swap3A_1217 : i32 to index
    %swap3A_1219 = arith.constant 112 : index
    %swap3A_1220 = tpu.vector_load %arg8[%swap3A_1218, %swap3A_1219] {strides = array<i32>} : memref<8x128xi32, #tpu.memory_space<vmem>>, vector<1x16xi32>,
    %swap3A_1221 = vector.shape_cast %swap3A_1220 : vector<1x16xi32> to vector<16xi32>
    %swap3A_1222 = vector.shape_cast %add3A_1216 : vector<16xi32> to vector<1x16xi32>
    tpu.vector_store %arg8[%swap3A_1218, %swap3A_1219], %swap3A_1222 {strides = array<i32>} : memref<8x128xi32, #tpu.memory_space<vmem>>, vector<1x16xi32>,
    %get3A_1223 = arith.constant 1 : i32
    %get3A_1224 = arith.index_cast %get3A_1223 : i32 to index
    %get3A_1225 = arith.constant 0 : index
    %get3A_1226 = tpu.vector_load %arg6[%get3A_1224, %get3A_1225] {strides = array<i32>} : memref<8x128xi32, #tpu.memory_space<vmem>>, vector<1x16xi32>,
    %get3A_1227 = vector.shape_cast %get3A_1226 : vector<1x16xi32> to vector<16xi32>
    %mul3A_1228 = arith.constant 512 : i32
    %mul3A_1229 = vector.broadcast %mul3A_1228 : i32 to vector<16xi32>
    %mul3A_1230 = arith.muli %get3A_1227, %mul3A_1229 : vector<16xi32>
    %get3A_1231 = arith.constant 1 : i32
    %get3A_1232 = arith.index_cast %get3A_1231 : i32 to index
    %get3A_1233 = arith.constant 0 : index
    %get3A_1234 = tpu.vector_load %arg7[%get3A_1232, %get3A_1233] {strides = array<i32>} : memref<8x128xi32, #tpu.memory_space<vmem>>, vector<1x16xi32>,
    %get3A_1235 = vector.shape_cast %get3A_1234 : vector<1x16xi32> to vector<16xi32>
    %add3A_1236 = arith.addi %mul3A_1230, %get3A_1235 : vector<16xi32>
    %swap3A_1237 = arith.constant 1 : i32
    %swap3A_1238 = arith.index_cast %swap3A_1237 : i32 to index
    %swap3A_1239 = arith.constant 0 : index
    %swap3A_1240 = tpu.vector_load %arg8[%swap3A_1238, %swap3A_1239] {strides = array<i32>} : memref<8x128xi32, #tpu.memory_space<vmem>>, vector<1x16xi32>,
    %swap3A_1241 = vector.shape_cast %swap3A_1240 : vector<1x16xi32> to vector<16xi32>
    %swap3A_1242 = vector.shape_cast %add3A_1236 : vector<16xi32> to vector<1x16xi32>
    tpu.vector_store %arg8[%swap3A_1238, %swap3A_1239], %swap3A_1242 {strides = array<i32>} : memref<8x128xi32, #tpu.memory_space<vmem>>, vector<1x16xi32>,
    %get3A_1243 = arith.constant 1 : i32
    %get3A_1244 = arith.index_cast %get3A_1243 : i32 to index
    %get3A_1245 = arith.constant 16 : index
    %get3A_1246 = tpu.vector_load %arg6[%get3A_1244, %get3A_1245] {strides = array<i32>} : memref<8x128xi32, #tpu.memory_space<vmem>>, vector<1x16xi32>,
    %get3A_1247 = vector.shape_cast %get3A_1246 : vector<1x16xi32> to vector<16xi32>
    %mul3A_1248 = arith.constant 512 : i32
    %mul3A_1249 = vector.broadcast %mul3A_1248 : i32 to vector<16xi32>
    %mul3A_1250 = arith.muli %get3A_1247, %mul3A_1249 : vector<16xi32>
    %get3A_1251 = arith.constant 1 : i32
    %get3A_1252 = arith.index_cast %get3A_1251 : i32 to index
    %get3A_1253 = arith.constant 16 : index
    %get3A_1254 = tpu.vector_load %arg7[%get3A_1252, %get3A_1253] {strides = array<i32>} : memref<8x128xi32, #tpu.memory_space<vmem>>, vector<1x16xi32>,
    %get3A_1255 = vector.shape_cast %get3A_1254 : vector<1x16xi32> to vector<16xi32>
    %add3A_1256 = arith.addi %mul3A_1250, %get3A_1255 : vector<16xi32>
    %swap3A_1257 = arith.constant 1 : i32
    %swap3A_1258 = arith.index_cast %swap3A_1257 : i32 to index
    %swap3A_1259 = arith.constant 16 : index
    %swap3A_1260 = tpu.vector_load %arg8[%swap3A_1258, %swap3A_1259] {strides = array<i32>} : memref<8x128xi32, #tpu.memory_space<vmem>>, vector<1x16xi32>,
    %swap3A_1261 = vector.shape_cast %swap3A_1260 : vector<1x16xi32> to vector<16xi32>
    %swap3A_1262 = vector.shape_cast %add3A_1256 : vector<16xi32> to vector<1x16xi32>
    tpu.vector_store %arg8[%swap3A_1258, %swap3A_1259], %swap3A_1262 {strides = array<i32>} : memref<8x128xi32, #tpu.memory_space<vmem>>, vector<1x16xi32>,
    %get3A_1263 = arith.constant 1 : i32
    %get3A_1264 = arith.index_cast %get3A_1263 : i32 to index
    %get3A_1265 = arith.constant 32 : index
    %get3A_1266 = tpu.vector_load %arg6[%get3A_1264, %get3A_1265] {strides = array<i32>} : memref<8x128xi32, #tpu.memory_space<vmem>>, vector<1x16xi32>,
    %get3A_1267 = vector.shape_cast %get3A_1266 : vector<1x16xi32> to vector<16xi32>
    %mul3A_1268 = arith.constant 512 : i32
    %mul3A_1269 = vector.broadcast %mul3A_1268 : i32 to vector<16xi32>
    %mul3A_1270 = arith.muli %get3A_1267, %mul3A_1269 : vector<16xi32>
    %get3A_1271 = arith.constant 1 : i32
    %get3A_1272 = arith.index_cast %get3A_1271 : i32 to index
    %get3A_1273 = arith.constant 32 : index
    %get3A_1274 = tpu.vector_load %arg7[%get3A_1272, %get3A_1273] {strides = array<i32>} : memref<8x128xi32, #tpu.memory_space<vmem>>, vector<1x16xi32>,
    %get3A_1275 = vector.shape_cast %get3A_1274 : vector<1x16xi32> to vector<16xi32>
    %add3A_1276 = arith.addi %mul3A_1270, %get3A_1275 : vector<16xi32>
    %swap3A_1277 = arith.constant 1 : i32
    %swap3A_1278 = arith.index_cast %swap3A_1277 : i32 to index
    %swap3A_1279 = arith.constant 32 : index
    %swap3A_1280 = tpu.vector_load %arg8[%swap3A_1278, %swap3A_1279] {strides = array<i32>} : memref<8x128xi32, #tpu.memory_space<vmem>>, vector<1x16xi32>,
    %swap3A_1281 = vector.shape_cast %swap3A_1280 : vector<1x16xi32> to vector<16xi32>
    %swap3A_1282 = vector.shape_cast %add3A_1276 : vector<16xi32> to vector<1x16xi32>
    tpu.vector_store %arg8[%swap3A_1278, %swap3A_1279], %swap3A_1282 {strides = array<i32>} : memref<8x128xi32, #tpu.memory_space<vmem>>, vector<1x16xi32>,
    %get3A_1283 = arith.constant 1 : i32
    %get3A_1284 = arith.index_cast %get3A_1283 : i32 to index
    %get3A_1285 = arith.constant 48 : index
    %get3A_1286 = tpu.vector_load %arg6[%get3A_1284, %get3A_1285] {strides = array<i32>} : memref<8x128xi32, #tpu.memory_space<vmem>>, vector<1x16xi32>,
    %get3A_1287 = vector.shape_cast %get3A_1286 : vector<1x16xi32> to vector<16xi32>
    %mul3A_1288 = arith.constant 512 : i32
    %mul3A_1289 = vector.broadcast %mul3A_1288 : i32 to vector<16xi32>
    %mul3A_1290 = arith.muli %get3A_1287, %mul3A_1289 : vector<16xi32>
    %get3A_1291 = arith.constant 1 : i32
    %get3A_1292 = arith.index_cast %get3A_1291 : i32 to index
    %get3A_1293 = arith.constant 48 : index
    %get3A_1294 = tpu.vector_load %arg7[%get3A_1292, %get3A_1293] {strides = array<i32>} : memref<8x128xi32, #tpu.memory_space<vmem>>, vector<1x16xi32>,
    %get3A_1295 = vector.shape_cast %get3A_1294 : vector<1x16xi32> to vector<16xi32>
    %add3A_1296 = arith.addi %mul3A_1290, %get3A_1295 : vector<16xi32>
    %swap3A_1297 = arith.constant 1 : i32
    %swap3A_1298 = arith.index_cast %swap3A_1297 : i32 to index
    %swap3A_1299 = arith.constant 48 : index
    %swap3A_1300 = tpu.vector_load %arg8[%swap3A_1298, %swap3A_1299] {strides = array<i32>} : memref<8x128xi32, #tpu.memory_space<vmem>>, vector<1x16xi32>,
    %swap3A_1301 = vector.shape_cast %swap3A_1300 : vector<1x16xi32> to vector<16xi32>
    %swap3A_1302 = vector.shape_cast %add3A_1296 : vector<16xi32> to vector<1x16xi32>
    tpu.vector_store %arg8[%swap3A_1298, %swap3A_1299], %swap3A_1302 {strides = array<i32>} : memref<8x128xi32, #tpu.memory_space<vmem>>, vector<1x16xi32>,
    %get3A_1303 = arith.constant 1 : i32
    %get3A_1304 = arith.index_cast %get3A_1303 : i32 to index
    %get3A_1305 = arith.constant 64 : index
    %get3A_1306 = tpu.vector_load %arg6[%get3A_1304, %get3A_1305] {strides = array<i32>} : memref<8x128xi32, #tpu.memory_space<vmem>>, vector<1x16xi32>,
    %get3A_1307 = vector.shape_cast %get3A_1306 : vector<1x16xi32> to vector<16xi32>
    %mul3A_1308 = arith.constant 512 : i32
    %mul3A_1309 = vector.broadcast %mul3A_1308 : i32 to vector<16xi32>
    %mul3A_1310 = arith.muli %get3A_1307, %mul3A_1309 : vector<16xi32>
    %get3A_1311 = arith.constant 1 : i32
    %get3A_1312 = arith.index_cast %get3A_1311 : i32 to index
    %get3A_1313 = arith.constant 64 : index
    %get3A_1314 = tpu.vector_load %arg7[%get3A_1312, %get3A_1313] {strides = array<i32>} : memref<8x128xi32, #tpu.memory_space<vmem>>, vector<1x16xi32>,
    %get3A_1315 = vector.shape_cast %get3A_1314 : vector<1x16xi32> to vector<16xi32>
    %add3A_1316 = arith.addi %mul3A_1310, %get3A_1315 : vector<16xi32>
    %swap3A_1317 = arith.constant 1 : i32
    %swap3A_1318 = arith.index_cast %swap3A_1317 : i32 to index
    %swap3A_1319 = arith.constant 64 : index
    %swap3A_1320 = tpu.vector_load %arg8[%swap3A_1318, %swap3A_1319] {strides = array<i32>} : memref<8x128xi32, #tpu.memory_space<vmem>>, vector<1x16xi32>,
    %swap3A_1321 = vector.shape_cast %swap3A_1320 : vector<1x16xi32> to vector<16xi32>
    %swap3A_1322 = vector.shape_cast %add3A_1316 : vector<16xi32> to vector<1x16xi32>
    tpu.vector_store %arg8[%swap3A_1318, %swap3A_1319], %swap3A_1322 {strides = array<i32>} : memref<8x128xi32, #tpu.memory_space<vmem>>, vector<1x16xi32>,
    %get3A_1323 = arith.constant 1 : i32
    %get3A_1324 = arith.index_cast %get3A_1323 : i32 to index
    %get3A_1325 = arith.constant 80 : index
    %get3A_1326 = tpu.vector_load %arg6[%get3A_1324, %get3A_1325] {strides = array<i32>} : memref<8x128xi32, #tpu.memory_space<vmem>>, vector<1x16xi32>,
    %get3A_1327 = vector.shape_cast %get3A_1326 : vector<1x16xi32> to vector<16xi32>
    %mul3A_1328 = arith.constant 512 : i32
    %mul3A_1329 = vector.broadcast %mul3A_1328 : i32 to vector<16xi32>
    %mul3A_1330 = arith.muli %get3A_1327, %mul3A_1329 : vector<16xi32>
    %get3A_1331 = arith.constant 1 : i32
    %get3A_1332 = arith.index_cast %get3A_1331 : i32 to index
    %get3A_1333 = arith.constant 80 : index
    %get3A_1334 = tpu.vector_load %arg7[%get3A_1332, %get3A_1333] {strides = array<i32>} : memref<8x128xi32, #tpu.memory_space<vmem>>, vector<1x16xi32>,
    %get3A_1335 = vector.shape_cast %get3A_1334 : vector<1x16xi32> to vector<16xi32>
    %add3A_1336 = arith.addi %mul3A_1330, %get3A_1335 : vector<16xi32>
    %swap3A_1337 = arith.constant 1 : i32
    %swap3A_1338 = arith.index_cast %swap3A_1337 : i32 to index
    %swap3A_1339 = arith.constant 80 : index
    %swap3A_1340 = tpu.vector_load %arg8[%swap3A_1338, %swap3A_1339] {strides = array<i32>} : memref<8x128xi32, #tpu.memory_space<vmem>>, vector<1x16xi32>,
    %swap3A_1341 = vector.shape_cast %swap3A_1340 : vector<1x16xi32> to vector<16xi32>
    %swap3A_1342 = vector.shape_cast %add3A_1336 : vector<16xi32> to vector<1x16xi32>
    tpu.vector_store %arg8[%swap3A_1338, %swap3A_1339], %swap3A_1342 {strides = array<i32>} : memref<8x128xi32, #tpu.memory_space<vmem>>, vector<1x16xi32>,
    %get3A_1343 = arith.constant 1 : i32
    %get3A_1344 = arith.index_cast %get3A_1343 : i32 to index
    %get3A_1345 = arith.constant 96 : index
    %get3A_1346 = tpu.vector_load %arg6[%get3A_1344, %get3A_1345] {strides = array<i32>} : memref<8x128xi32, #tpu.memory_space<vmem>>, vector<1x16xi32>,
    %get3A_1347 = vector.shape_cast %get3A_1346 : vector<1x16xi32> to vector<16xi32>
    %mul3A_1348 = arith.constant 512 : i32
    %mul3A_1349 = vector.broadcast %mul3A_1348 : i32 to vector<16xi32>
    %mul3A_1350 = arith.muli %get3A_1347, %mul3A_1349 : vector<16xi32>
    %get3A_1351 = arith.constant 1 : i32
    %get3A_1352 = arith.index_cast %get3A_1351 : i32 to index
    %get3A_1353 = arith.constant 96 : index
    %get3A_1354 = tpu.vector_load %arg7[%get3A_1352, %get3A_1353] {strides = array<i32>} : memref<8x128xi32, #tpu.memory_space<vmem>>, vector<1x16xi32>,
    %get3A_1355 = vector.shape_cast %get3A_1354 : vector<1x16xi32> to vector<16xi32>
    %add3A_1356 = arith.addi %mul3A_1350, %get3A_1355 : vector<16xi32>
    %swap3A_1357 = arith.constant 1 : i32
    %swap3A_1358 = arith.index_cast %swap3A_1357 : i32 to index
    %swap3A_1359 = arith.constant 96 : index
    %swap3A_1360 = tpu.vector_load %arg8[%swap3A_1358, %swap3A_1359] {strides = array<i32>} : memref<8x128xi32, #tpu.memory_space<vmem>>, vector<1x16xi32>,
    %swap3A_1361 = vector.shape_cast %swap3A_1360 : vector<1x16xi32> to vector<16xi32>
    %swap3A_1362 = vector.shape_cast %add3A_1356 : vector<16xi32> to vector<1x16xi32>
    tpu.vector_store %arg8[%swap3A_1358, %swap3A_1359], %swap3A_1362 {strides = array<i32>} : memref<8x128xi32, #tpu.memory_space<vmem>>, vector<1x16xi32>,
    %get3A_1363 = arith.constant 1 : i32
    %get3A_1364 = arith.index_cast %get3A_1363 : i32 to index
    %get3A_1365 = arith.constant 112 : index
    %get3A_1366 = tpu.vector_load %arg6[%get3A_1364, %get3A_1365] {strides = array<i32>} : memref<8x128xi32, #tpu.memory_space<vmem>>, vector<1x16xi32>,
    %get3A_1367 = vector.shape_cast %get3A_1366 : vector<1x16xi32> to vector<16xi32>
    %mul3A_1368 = arith.constant 512 : i32
    %mul3A_1369 = vector.broadcast %mul3A_1368 : i32 to vector<16xi32>
    %mul3A_1370 = arith.muli %get3A_1367, %mul3A_1369 : vector<16xi32>
    %get3A_1371 = arith.constant 1 : i32
    %get3A_1372 = arith.index_cast %get3A_1371 : i32 to index
    %get3A_1373 = arith.constant 112 : index
    %get3A_1374 = tpu.vector_load %arg7[%get3A_1372, %get3A_1373] {strides = array<i32>} : memref<8x128xi32, #tpu.memory_space<vmem>>, vector<1x16xi32>,
    %get3A_1375 = vector.shape_cast %get3A_1374 : vector<1x16xi32> to vector<16xi32>
    %add3A_1376 = arith.addi %mul3A_1370, %get3A_1375 : vector<16xi32>
    %swap3A_1377 = arith.constant 1 : i32
    %swap3A_1378 = arith.index_cast %swap3A_1377 : i32 to index
    %swap3A_1379 = arith.constant 112 : index
    %swap3A_1380 = tpu.vector_load %arg8[%swap3A_1378, %swap3A_1379] {strides = array<i32>} : memref<8x128xi32, #tpu.memory_space<vmem>>, vector<1x16xi32>,
    %swap3A_1381 = vector.shape_cast %swap3A_1380 : vector<1x16xi32> to vector<16xi32>
    %swap3A_1382 = vector.shape_cast %add3A_1376 : vector<16xi32> to vector<1x16xi32>
    tpu.vector_store %arg8[%swap3A_1378, %swap3A_1379], %swap3A_1382 {strides = array<i32>} : memref<8x128xi32, #tpu.memory_space<vmem>>, vector<1x16xi32>,
    %get3A_1383 = arith.constant 2 : i32
    %get3A_1384 = arith.index_cast %get3A_1383 : i32 to index
    %get3A_1385 = arith.constant 0 : index
    %get3A_1386 = tpu.vector_load %arg6[%get3A_1384, %get3A_1385] {strides = array<i32>} : memref<8x128xi32, #tpu.memory_space<vmem>>, vector<1x16xi32>,
    %get3A_1387 = vector.shape_cast %get3A_1386 : vector<1x16xi32> to vector<16xi32>
    %mul3A_1388 = arith.constant 512 : i32
    %mul3A_1389 = vector.broadcast %mul3A_1388 : i32 to vector<16xi32>
    %mul3A_1390 = arith.muli %get3A_1387, %mul3A_1389 : vector<16xi32>
    %get3A_1391 = arith.constant 2 : i32
    %get3A_1392 = arith.index_cast %get3A_1391 : i32 to index
    %get3A_1393 = arith.constant 0 : index
    %get3A_1394 = tpu.vector_load %arg7[%get3A_1392, %get3A_1393] {strides = array<i32>} : memref<8x128xi32, #tpu.memory_space<vmem>>, vector<1x16xi32>,
    %get3A_1395 = vector.shape_cast %get3A_1394 : vector<1x16xi32> to vector<16xi32>
    %add3A_1396 = arith.addi %mul3A_1390, %get3A_1395 : vector<16xi32>
    %swap3A_1397 = arith.constant 2 : i32
    %swap3A_1398 = arith.index_cast %swap3A_1397 : i32 to index
    %swap3A_1399 = arith.constant 0 : index
    %swap3A_1400 = tpu.vector_load %arg8[%swap3A_1398, %swap3A_1399] {strides = array<i32>} : memref<8x128xi32, #tpu.memory_space<vmem>>, vector<1x16xi32>,
    %swap3A_1401 = vector.shape_cast %swap3A_1400 : vector<1x16xi32> to vector<16xi32>
    %swap3A_1402 = vector.shape_cast %add3A_1396 : vector<16xi32> to vector<1x16xi32>
    tpu.vector_store %arg8[%swap3A_1398, %swap3A_1399], %swap3A_1402 {strides = array<i32>} : memref<8x128xi32, #tpu.memory_space<vmem>>, vector<1x16xi32>,
    %get3A_1403 = arith.constant 2 : i32
    %get3A_1404 = arith.index_cast %get3A_1403 : i32 to index
    %get3A_1405 = arith.constant 16 : index
    %get3A_1406 = tpu.vector_load %arg6[%get3A_1404, %get3A_1405] {strides = array<i32>} : memref<8x128xi32, #tpu.memory_space<vmem>>, vector<1x16xi32>,
    %get3A_1407 = vector.shape_cast %get3A_1406 : vector<1x16xi32> to vector<16xi32>
    %mul3A_1408 = arith.constant 512 : i32
    %mul3A_1409 = vector.broadcast %mul3A_1408 : i32 to vector<16xi32>
    %mul3A_1410 = arith.muli %get3A_1407, %mul3A_1409 : vector<16xi32>
    %get3A_1411 = arith.constant 2 : i32
    %get3A_1412 = arith.index_cast %get3A_1411 : i32 to index
    %get3A_1413 = arith.constant 16 : index
    %get3A_1414 = tpu.vector_load %arg7[%get3A_1412, %get3A_1413] {strides = array<i32>} : memref<8x128xi32, #tpu.memory_space<vmem>>, vector<1x16xi32>,
    %get3A_1415 = vector.shape_cast %get3A_1414 : vector<1x16xi32> to vector<16xi32>
    %add3A_1416 = arith.addi %mul3A_1410, %get3A_1415 : vector<16xi32>
    %swap3A_1417 = arith.constant 2 : i32
    %swap3A_1418 = arith.index_cast %swap3A_1417 : i32 to index
    %swap3A_1419 = arith.constant 16 : index
    %swap3A_1420 = tpu.vector_load %arg8[%swap3A_1418, %swap3A_1419] {strides = array<i32>} : memref<8x128xi32, #tpu.memory_space<vmem>>, vector<1x16xi32>,
    %swap3A_1421 = vector.shape_cast %swap3A_1420 : vector<1x16xi32> to vector<16xi32>
    %swap3A_1422 = vector.shape_cast %add3A_1416 : vector<16xi32> to vector<1x16xi32>
    tpu.vector_store %arg8[%swap3A_1418, %swap3A_1419], %swap3A_1422 {strides = array<i32>} : memref<8x128xi32, #tpu.memory_space<vmem>>, vector<1x16xi32>,
    %get3A_1423 = arith.constant 2 : i32
    %get3A_1424 = arith.index_cast %get3A_1423 : i32 to index
    %get3A_1425 = arith.constant 32 : index
    %get3A_1426 = tpu.vector_load %arg6[%get3A_1424, %get3A_1425] {strides = array<i32>} : memref<8x128xi32, #tpu.memory_space<vmem>>, vector<1x16xi32>,
    %get3A_1427 = vector.shape_cast %get3A_1426 : vector<1x16xi32> to vector<16xi32>
    %mul3A_1428 = arith.constant 512 : i32
    %mul3A_1429 = vector.broadcast %mul3A_1428 : i32 to vector<16xi32>
    %mul3A_1430 = arith.muli %get3A_1427, %mul3A_1429 : vector<16xi32>
    %get3A_1431 = arith.constant 2 : i32
    %get3A_1432 = arith.index_cast %get3A_1431 : i32 to index
    %get3A_1433 = arith.constant 32 : index
    %get3A_1434 = tpu.vector_load %arg7[%get3A_1432, %get3A_1433] {strides = array<i32>} : memref<8x128xi32, #tpu.memory_space<vmem>>, vector<1x16xi32>,
    %get3A_1435 = vector.shape_cast %get3A_1434 : vector<1x16xi32> to vector<16xi32>
    %add3A_1436 = arith.addi %mul3A_1430, %get3A_1435 : vector<16xi32>
    %swap3A_1437 = arith.constant 2 : i32
    %swap3A_1438 = arith.index_cast %swap3A_1437 : i32 to index
    %swap3A_1439 = arith.constant 32 : index
    %swap3A_1440 = tpu.vector_load %arg8[%swap3A_1438, %swap3A_1439] {strides = array<i32>} : memref<8x128xi32, #tpu.memory_space<vmem>>, vector<1x16xi32>,
    %swap3A_1441 = vector.shape_cast %swap3A_1440 : vector<1x16xi32> to vector<16xi32>
    %swap3A_1442 = vector.shape_cast %add3A_1436 : vector<16xi32> to vector<1x16xi32>
    tpu.vector_store %arg8[%swap3A_1438, %swap3A_1439], %swap3A_1442 {strides = array<i32>} : memref<8x128xi32, #tpu.memory_space<vmem>>, vector<1x16xi32>,
    %get3A_1443 = arith.constant 2 : i32
    %get3A_1444 = arith.index_cast %get3A_1443 : i32 to index
    %get3A_1445 = arith.constant 48 : index
    %get3A_1446 = tpu.vector_load %arg6[%get3A_1444, %get3A_1445] {strides = array<i32>} : memref<8x128xi32, #tpu.memory_space<vmem>>, vector<1x16xi32>,
    %get3A_1447 = vector.shape_cast %get3A_1446 : vector<1x16xi32> to vector<16xi32>
    %mul3A_1448 = arith.constant 512 : i32
    %mul3A_1449 = vector.broadcast %mul3A_1448 : i32 to vector<16xi32>
    %mul3A_1450 = arith.muli %get3A_1447, %mul3A_1449 : vector<16xi32>
    %get3A_1451 = arith.constant 2 : i32
    %get3A_1452 = arith.index_cast %get3A_1451 : i32 to index
    %get3A_1453 = arith.constant 48 : index
    %get3A_1454 = tpu.vector_load %arg7[%get3A_1452, %get3A_1453] {strides = array<i32>} : memref<8x128xi32, #tpu.memory_space<vmem>>, vector<1x16xi32>,
    %get3A_1455 = vector.shape_cast %get3A_1454 : vector<1x16xi32> to vector<16xi32>
    %add3A_1456 = arith.addi %mul3A_1450, %get3A_1455 : vector<16xi32>
    %swap3A_1457 = arith.constant 2 : i32
    %swap3A_1458 = arith.index_cast %swap3A_1457 : i32 to index
    %swap3A_1459 = arith.constant 48 : index
    %swap3A_1460 = tpu.vector_load %arg8[%swap3A_1458, %swap3A_1459] {strides = array<i32>} : memref<8x128xi32, #tpu.memory_space<vmem>>, vector<1x16xi32>,
    %swap3A_1461 = vector.shape_cast %swap3A_1460 : vector<1x16xi32> to vector<16xi32>
    %swap3A_1462 = vector.shape_cast %add3A_1456 : vector<16xi32> to vector<1x16xi32>
    tpu.vector_store %arg8[%swap3A_1458, %swap3A_1459], %swap3A_1462 {strides = array<i32>} : memref<8x128xi32, #tpu.memory_space<vmem>>, vector<1x16xi32>,
    %get3A_1463 = arith.constant 2 : i32
    %get3A_1464 = arith.index_cast %get3A_1463 : i32 to index
    %get3A_1465 = arith.constant 64 : index
    %get3A_1466 = tpu.vector_load %arg6[%get3A_1464, %get3A_1465] {strides = array<i32>} : memref<8x128xi32, #tpu.memory_space<vmem>>, vector<1x16xi32>,
    %get3A_1467 = vector.shape_cast %get3A_1466 : vector<1x16xi32> to vector<16xi32>
    %mul3A_1468 = arith.constant 512 : i32
    %mul3A_1469 = vector.broadcast %mul3A_1468 : i32 to vector<16xi32>
    %mul3A_1470 = arith.muli %get3A_1467, %mul3A_1469 : vector<16xi32>
    %get3A_1471 = arith.constant 2 : i32
    %get3A_1472 = arith.index_cast %get3A_1471 : i32 to index
    %get3A_1473 = arith.constant 64 : index
    %get3A_1474 = tpu.vector_load %arg7[%get3A_1472, %get3A_1473] {strides = array<i32>} : memref<8x128xi32, #tpu.memory_space<vmem>>, vector<1x16xi32>,
    %get3A_1475 = vector.shape_cast %get3A_1474 : vector<1x16xi32> to vector<16xi32>
    %add3A_1476 = arith.addi %mul3A_1470, %get3A_1475 : vector<16xi32>
    %swap3A_1477 = arith.constant 2 : i32
    %swap3A_1478 = arith.index_cast %swap3A_1477 : i32 to index
    %swap3A_1479 = arith.constant 64 : index
    %swap3A_1480 = tpu.vector_load %arg8[%swap3A_1478, %swap3A_1479] {strides = array<i32>} : memref<8x128xi32, #tpu.memory_space<vmem>>, vector<1x16xi32>,
    %swap3A_1481 = vector.shape_cast %swap3A_1480 : vector<1x16xi32> to vector<16xi32>
    %swap3A_1482 = vector.shape_cast %add3A_1476 : vector<16xi32> to vector<1x16xi32>
    tpu.vector_store %arg8[%swap3A_1478, %swap3A_1479], %swap3A_1482 {strides = array<i32>} : memref<8x128xi32, #tpu.memory_space<vmem>>, vector<1x16xi32>,
    %get3A_1483 = arith.constant 2 : i32
    %get3A_1484 = arith.index_cast %get3A_1483 : i32 to index
    %get3A_1485 = arith.constant 80 : index
    %get3A_1486 = tpu.vector_load %arg6[%get3A_1484, %get3A_1485] {strides = array<i32>} : memref<8x128xi32, #tpu.memory_space<vmem>>, vector<1x16xi32>,
    %get3A_1487 = vector.shape_cast %get3A_1486 : vector<1x16xi32> to vector<16xi32>
    %mul3A_1488 = arith.constant 512 : i32
    %mul3A_1489 = vector.broadcast %mul3A_1488 : i32 to vector<16xi32>
    %mul3A_1490 = arith.muli %get3A_1487, %mul3A_1489 : vector<16xi32>
    %get3A_1491 = arith.constant 2 : i32
    %get3A_1492 = arith.index_cast %get3A_1491 : i32 to index
    %get3A_1493 = arith.constant 80 : index
    %get3A_1494 = tpu.vector_load %arg7[%get3A_1492, %get3A_1493] {strides = array<i32>} : memref<8x128xi32, #tpu.memory_space<vmem>>, vector<1x16xi32>,
    %get3A_1495 = vector.shape_cast %get3A_1494 : vector<1x16xi32> to vector<16xi32>
    %add3A_1496 = arith.addi %mul3A_1490, %get3A_1495 : vector<16xi32>
    %swap3A_1497 = arith.constant 2 : i32
    %swap3A_1498 = arith.index_cast %swap3A_1497 : i32 to index
    %swap3A_1499 = arith.constant 80 : index
    %swap3A_1500 = tpu.vector_load %arg8[%swap3A_1498, %swap3A_1499] {strides = array<i32>} : memref<8x128xi32, #tpu.memory_space<vmem>>, vector<1x16xi32>,
    %swap3A_1501 = vector.shape_cast %swap3A_1500 : vector<1x16xi32> to vector<16xi32>
    %swap3A_1502 = vector.shape_cast %add3A_1496 : vector<16xi32> to vector<1x16xi32>
    tpu.vector_store %arg8[%swap3A_1498, %swap3A_1499], %swap3A_1502 {strides = array<i32>} : memref<8x128xi32, #tpu.memory_space<vmem>>, vector<1x16xi32>,
    %get3A_1503 = arith.constant 2 : i32
    %get3A_1504 = arith.index_cast %get3A_1503 : i32 to index
    %get3A_1505 = arith.constant 96 : index
    %get3A_1506 = tpu.vector_load %arg6[%get3A_1504, %get3A_1505] {strides = array<i32>} : memref<8x128xi32, #tpu.memory_space<vmem>>, vector<1x16xi32>,
    %get3A_1507 = vector.shape_cast %get3A_1506 : vector<1x16xi32> to vector<16xi32>
    %mul3A_1508 = arith.constant 512 : i32
    %mul3A_1509 = vector.broadcast %mul3A_1508 : i32 to vector<16xi32>
    %mul3A_1510 = arith.muli %get3A_1507, %mul3A_1509 : vector<16xi32>
    %get3A_1511 = arith.constant 2 : i32
    %get3A_1512 = arith.index_cast %get3A_1511 : i32 to index
    %get3A_1513 = arith.constant 96 : index
    %get3A_1514 = tpu.vector_load %arg7[%get3A_1512, %get3A_1513] {strides = array<i32>} : memref<8x128xi32, #tpu.memory_space<vmem>>, vector<1x16xi32>,
    %get3A_1515 = vector.shape_cast %get3A_1514 : vector<1x16xi32> to vector<16xi32>
    %add3A_1516 = arith.addi %mul3A_1510, %get3A_1515 : vector<16xi32>
    %swap3A_1517 = arith.constant 2 : i32
    %swap3A_1518 = arith.index_cast %swap3A_1517 : i32 to index
    %swap3A_1519 = arith.constant 96 : index
    %swap3A_1520 = tpu.vector_load %arg8[%swap3A_1518, %swap3A_1519] {strides = array<i32>} : memref<8x128xi32, #tpu.memory_space<vmem>>, vector<1x16xi32>,
    %swap3A_1521 = vector.shape_cast %swap3A_1520 : vector<1x16xi32> to vector<16xi32>
    %swap3A_1522 = vector.shape_cast %add3A_1516 : vector<16xi32> to vector<1x16xi32>
    tpu.vector_store %arg8[%swap3A_1518, %swap3A_1519], %swap3A_1522 {strides = array<i32>} : memref<8x128xi32, #tpu.memory_space<vmem>>, vector<1x16xi32>,
    %get3A_1523 = arith.constant 2 : i32
    %get3A_1524 = arith.index_cast %get3A_1523 : i32 to index
    %get3A_1525 = arith.constant 112 : index
    %get3A_1526 = tpu.vector_load %arg6[%get3A_1524, %get3A_1525] {strides = array<i32>} : memref<8x128xi32, #tpu.memory_space<vmem>>, vector<1x16xi32>,
    %get3A_1527 = vector.shape_cast %get3A_1526 : vector<1x16xi32> to vector<16xi32>
    %mul3A_1528 = arith.constant 512 : i32
    %mul3A_1529 = vector.broadcast %mul3A_1528 : i32 to vector<16xi32>
    %mul3A_1530 = arith.muli %get3A_1527, %mul3A_1529 : vector<16xi32>
    %get3A_1531 = arith.constant 2 : i32
    %get3A_1532 = arith.index_cast %get3A_1531 : i32 to index
    %get3A_1533 = arith.constant 112 : index
    %get3A_1534 = tpu.vector_load %arg7[%get3A_1532, %get3A_1533] {strides = array<i32>} : memref<8x128xi32, #tpu.memory_space<vmem>>, vector<1x16xi32>,
    %get3A_1535 = vector.shape_cast %get3A_1534 : vector<1x16xi32> to vector<16xi32>
    %add3A_1536 = arith.addi %mul3A_1530, %get3A_1535 : vector<16xi32>
    %swap3A_1537 = arith.constant 2 : i32
    %swap3A_1538 = arith.index_cast %swap3A_1537 : i32 to index
    %swap3A_1539 = arith.constant 112 : index
    %swap3A_1540 = tpu.vector_load %arg8[%swap3A_1538, %swap3A_1539] {strides = array<i32>} : memref<8x128xi32, #tpu.memory_space<vmem>>, vector<1x16xi32>,
    %swap3A_1541 = vector.shape_cast %swap3A_1540 : vector<1x16xi32> to vector<16xi32>
    %swap3A_1542 = vector.shape_cast %add3A_1536 : vector<16xi32> to vector<1x16xi32>
    tpu.vector_store %arg8[%swap3A_1538, %swap3A_1539], %swap3A_1542 {strides = array<i32>} : memref<8x128xi32, #tpu.memory_space<vmem>>, vector<1x16xi32>,
    %get3A_1543 = arith.constant 3 : i32
    %get3A_1544 = arith.index_cast %get3A_1543 : i32 to index
    %get3A_1545 = arith.constant 0 : index
    %get3A_1546 = tpu.vector_load %arg6[%get3A_1544, %get3A_1545] {strides = array<i32>} : memref<8x128xi32, #tpu.memory_space<vmem>>, vector<1x16xi32>,
    %get3A_1547 = vector.shape_cast %get3A_1546 : vector<1x16xi32> to vector<16xi32>
    %mul3A_1548 = arith.constant 512 : i32
    %mul3A_1549 = vector.broadcast %mul3A_1548 : i32 to vector<16xi32>
    %mul3A_1550 = arith.muli %get3A_1547, %mul3A_1549 : vector<16xi32>
    %get3A_1551 = arith.constant 3 : i32
    %get3A_1552 = arith.index_cast %get3A_1551 : i32 to index
    %get3A_1553 = arith.constant 0 : index
    %get3A_1554 = tpu.vector_load %arg7[%get3A_1552, %get3A_1553] {strides = array<i32>} : memref<8x128xi32, #tpu.memory_space<vmem>>, vector<1x16xi32>,
    %get3A_1555 = vector.shape_cast %get3A_1554 : vector<1x16xi32> to vector<16xi32>
    %add3A_1556 = arith.addi %mul3A_1550, %get3A_1555 : vector<16xi32>
    %swap3A_1557 = arith.constant 3 : i32
    %swap3A_1558 = arith.index_cast %swap3A_1557 : i32 to index
    %swap3A_1559 = arith.constant 0 : index
    %swap3A_1560 = tpu.vector_load %arg8[%swap3A_1558, %swap3A_1559] {strides = array<i32>} : memref<8x128xi32, #tpu.memory_space<vmem>>, vector<1x16xi32>,
    %swap3A_1561 = vector.shape_cast %swap3A_1560 : vector<1x16xi32> to vector<16xi32>
    %swap3A_1562 = vector.shape_cast %add3A_1556 : vector<16xi32> to vector<1x16xi32>
    tpu.vector_store %arg8[%swap3A_1558, %swap3A_1559], %swap3A_1562 {strides = array<i32>} : memref<8x128xi32, #tpu.memory_space<vmem>>, vector<1x16xi32>,
    %get3A_1563 = arith.constant 3 : i32
    %get3A_1564 = arith.index_cast %get3A_1563 : i32 to index
    %get3A_1565 = arith.constant 16 : index
    %get3A_1566 = tpu.vector_load %arg6[%get3A_1564, %get3A_1565] {strides = array<i32>} : memref<8x128xi32, #tpu.memory_space<vmem>>, vector<1x16xi32>,
    %get3A_1567 = vector.shape_cast %get3A_1566 : vector<1x16xi32> to vector<16xi32>
    %mul3A_1568 = arith.constant 512 : i32
    %mul3A_1569 = vector.broadcast %mul3A_1568 : i32 to vector<16xi32>
    %mul3A_1570 = arith.muli %get3A_1567, %mul3A_1569 : vector<16xi32>
    %get3A_1571 = arith.constant 3 : i32
    %get3A_1572 = arith.index_cast %get3A_1571 : i32 to index
    %get3A_1573 = arith.constant 16 : index
    %get3A_1574 = tpu.vector_load %arg7[%get3A_1572, %get3A_1573] {strides = array<i32>} : memref<8x128xi32, #tpu.memory_space<vmem>>, vector<1x16xi32>,
    %get3A_1575 = vector.shape_cast %get3A_1574 : vector<1x16xi32> to vector<16xi32>
    %add3A_1576 = arith.addi %mul3A_1570, %get3A_1575 : vector<16xi32>
    %swap3A_1577 = arith.constant 3 : i32
    %swap3A_1578 = arith.index_cast %swap3A_1577 : i32 to index
    %swap3A_1579 = arith.constant 16 : index
    %swap3A_1580 = tpu.vector_load %arg8[%swap3A_1578, %swap3A_1579] {strides = array<i32>} : memref<8x128xi32, #tpu.memory_space<vmem>>, vector<1x16xi32>,
    %swap3A_1581 = vector.shape_cast %swap3A_1580 : vector<1x16xi32> to vector<16xi32>
    %swap3A_1582 = vector.shape_cast %add3A_1576 : vector<16xi32> to vector<1x16xi32>
    tpu.vector_store %arg8[%swap3A_1578, %swap3A_1579], %swap3A_1582 {strides = array<i32>} : memref<8x128xi32, #tpu.memory_space<vmem>>, vector<1x16xi32>,
    %get3A_1583 = arith.constant 3 : i32
    %get3A_1584 = arith.index_cast %get3A_1583 : i32 to index
    %get3A_1585 = arith.constant 32 : index
    %get3A_1586 = tpu.vector_load %arg6[%get3A_1584, %get3A_1585] {strides = array<i32>} : memref<8x128xi32, #tpu.memory_space<vmem>>, vector<1x16xi32>,
    %get3A_1587 = vector.shape_cast %get3A_1586 : vector<1x16xi32> to vector<16xi32>
    %mul3A_1588 = arith.constant 512 : i32
    %mul3A_1589 = vector.broadcast %mul3A_1588 : i32 to vector<16xi32>
    %mul3A_1590 = arith.muli %get3A_1587, %mul3A_1589 : vector<16xi32>
    %get3A_1591 = arith.constant 3 : i32
    %get3A_1592 = arith.index_cast %get3A_1591 : i32 to index
    %get3A_1593 = arith.constant 32 : index
    %get3A_1594 = tpu.vector_load %arg7[%get3A_1592, %get3A_1593] {strides = array<i32>} : memref<8x128xi32, #tpu.memory_space<vmem>>, vector<1x16xi32>,
    %get3A_1595 = vector.shape_cast %get3A_1594 : vector<1x16xi32> to vector<16xi32>
    %add3A_1596 = arith.addi %mul3A_1590, %get3A_1595 : vector<16xi32>
    %swap3A_1597 = arith.constant 3 : i32
    %swap3A_1598 = arith.index_cast %swap3A_1597 : i32 to index
    %swap3A_1599 = arith.constant 32 : index
    %swap3A_1600 = tpu.vector_load %arg8[%swap3A_1598, %swap3A_1599] {strides = array<i32>} : memref<8x128xi32, #tpu.memory_space<vmem>>, vector<1x16xi32>,
    %swap3A_1601 = vector.shape_cast %swap3A_1600 : vector<1x16xi32> to vector<16xi32>
    %swap3A_1602 = vector.shape_cast %add3A_1596 : vector<16xi32> to vector<1x16xi32>
    tpu.vector_store %arg8[%swap3A_1598, %swap3A_1599], %swap3A_1602 {strides = array<i32>} : memref<8x128xi32, #tpu.memory_space<vmem>>, vector<1x16xi32>,
    %get3A_1603 = arith.constant 3 : i32
    %get3A_1604 = arith.index_cast %get3A_1603 : i32 to index
    %get3A_1605 = arith.constant 48 : index
    %get3A_1606 = tpu.vector_load %arg6[%get3A_1604, %get3A_1605] {strides = array<i32>} : memref<8x128xi32, #tpu.memory_space<vmem>>, vector<1x16xi32>,
    %get3A_1607 = vector.shape_cast %get3A_1606 : vector<1x16xi32> to vector<16xi32>
    %mul3A_1608 = arith.constant 512 : i32
    %mul3A_1609 = vector.broadcast %mul3A_1608 : i32 to vector<16xi32>
    %mul3A_1610 = arith.muli %get3A_1607, %mul3A_1609 : vector<16xi32>
    %get3A_1611 = arith.constant 3 : i32
    %get3A_1612 = arith.index_cast %get3A_1611 : i32 to index
    %get3A_1613 = arith.constant 48 : index
    %get3A_1614 = tpu.vector_load %arg7[%get3A_1612, %get3A_1613] {strides = array<i32>} : memref<8x128xi32, #tpu.memory_space<vmem>>, vector<1x16xi32>,
    %get3A_1615 = vector.shape_cast %get3A_1614 : vector<1x16xi32> to vector<16xi32>
    %add3A_1616 = arith.addi %mul3A_1610, %get3A_1615 : vector<16xi32>
    %swap3A_1617 = arith.constant 3 : i32
    %swap3A_1618 = arith.index_cast %swap3A_1617 : i32 to index
    %swap3A_1619 = arith.constant 48 : index
    %swap3A_1620 = tpu.vector_load %arg8[%swap3A_1618, %swap3A_1619] {strides = array<i32>} : memref<8x128xi32, #tpu.memory_space<vmem>>, vector<1x16xi32>,
    %swap3A_1621 = vector.shape_cast %swap3A_1620 : vector<1x16xi32> to vector<16xi32>
    %swap3A_1622 = vector.shape_cast %add3A_1616 : vector<16xi32> to vector<1x16xi32>
    tpu.vector_store %arg8[%swap3A_1618, %swap3A_1619], %swap3A_1622 {strides = array<i32>} : memref<8x128xi32, #tpu.memory_space<vmem>>, vector<1x16xi32>,
    %get3A_1623 = arith.constant 3 : i32
    %get3A_1624 = arith.index_cast %get3A_1623 : i32 to index
    %get3A_1625 = arith.constant 64 : index
    %get3A_1626 = tpu.vector_load %arg6[%get3A_1624, %get3A_1625] {strides = array<i32>} : memref<8x128xi32, #tpu.memory_space<vmem>>, vector<1x16xi32>,
    %get3A_1627 = vector.shape_cast %get3A_1626 : vector<1x16xi32> to vector<16xi32>
    %mul3A_1628 = arith.constant 512 : i32
    %mul3A_1629 = vector.broadcast %mul3A_1628 : i32 to vector<16xi32>
    %mul3A_1630 = arith.muli %get3A_1627, %mul3A_1629 : vector<16xi32>
    %get3A_1631 = arith.constant 3 : i32
    %get3A_1632 = arith.index_cast %get3A_1631 : i32 to index
    %get3A_1633 = arith.constant 64 : index
    %get3A_1634 = tpu.vector_load %arg7[%get3A_1632, %get3A_1633] {strides = array<i32>} : memref<8x128xi32, #tpu.memory_space<vmem>>, vector<1x16xi32>,
    %get3A_1635 = vector.shape_cast %get3A_1634 : vector<1x16xi32> to vector<16xi32>
    %add3A_1636 = arith.addi %mul3A_1630, %get3A_1635 : vector<16xi32>
    %swap3A_1637 = arith.constant 3 : i32
    %swap3A_1638 = arith.index_cast %swap3A_1637 : i32 to index
    %swap3A_1639 = arith.constant 64 : index
    %swap3A_1640 = tpu.vector_load %arg8[%swap3A_1638, %swap3A_1639] {strides = array<i32>} : memref<8x128xi32, #tpu.memory_space<vmem>>, vector<1x16xi32>,
    %swap3A_1641 = vector.shape_cast %swap3A_1640 : vector<1x16xi32> to vector<16xi32>
    %swap3A_1642 = vector.shape_cast %add3A_1636 : vector<16xi32> to vector<1x16xi32>
    tpu.vector_store %arg8[%swap3A_1638, %swap3A_1639], %swap3A_1642 {strides = array<i32>} : memref<8x128xi32, #tpu.memory_space<vmem>>, vector<1x16xi32>,
    %get3A_1643 = arith.constant 3 : i32
    %get3A_1644 = arith.index_cast %get3A_1643 : i32 to index
    %get3A_1645 = arith.constant 80 : index
    %get3A_1646 = tpu.vector_load %arg6[%get3A_1644, %get3A_1645] {strides = array<i32>} : memref<8x128xi32, #tpu.memory_space<vmem>>, vector<1x16xi32>,
    %get3A_1647 = vector.shape_cast %get3A_1646 : vector<1x16xi32> to vector<16xi32>
    %mul3A_1648 = arith.constant 512 : i32
    %mul3A_1649 = vector.broadcast %mul3A_1648 : i32 to vector<16xi32>
    %mul3A_1650 = arith.muli %get3A_1647, %mul3A_1649 : vector<16xi32>
    %get3A_1651 = arith.constant 3 : i32
    %get3A_1652 = arith.index_cast %get3A_1651 : i32 to index
    %get3A_1653 = arith.constant 80 : index
    %get3A_1654 = tpu.vector_load %arg7[%get3A_1652, %get3A_1653] {strides = array<i32>} : memref<8x128xi32, #tpu.memory_space<vmem>>, vector<1x16xi32>,
    %get3A_1655 = vector.shape_cast %get3A_1654 : vector<1x16xi32> to vector<16xi32>
    %add3A_1656 = arith.addi %mul3A_1650, %get3A_1655 : vector<16xi32>
    %swap3A_1657 = arith.constant 3 : i32
    %swap3A_1658 = arith.index_cast %swap3A_1657 : i32 to index
    %swap3A_1659 = arith.constant 80 : index
    %swap3A_1660 = tpu.vector_load %arg8[%swap3A_1658, %swap3A_1659] {strides = array<i32>} : memref<8x128xi32, #tpu.memory_space<vmem>>, vector<1x16xi32>,
    %swap3A_1661 = vector.shape_cast %swap3A_1660 : vector<1x16xi32> to vector<16xi32>
    %swap3A_1662 = vector.shape_cast %add3A_1656 : vector<16xi32> to vector<1x16xi32>
    tpu.vector_store %arg8[%swap3A_1658, %swap3A_1659], %swap3A_1662 {strides = array<i32>} : memref<8x128xi32, #tpu.memory_space<vmem>>, vector<1x16xi32>,
    %get3A_1663 = arith.constant 3 : i32
    %get3A_1664 = arith.index_cast %get3A_1663 : i32 to index
    %get3A_1665 = arith.constant 96 : index
    %get3A_1666 = tpu.vector_load %arg6[%get3A_1664, %get3A_1665] {strides = array<i32>} : memref<8x128xi32, #tpu.memory_space<vmem>>, vector<1x16xi32>,
    %get3A_1667 = vector.shape_cast %get3A_1666 : vector<1x16xi32> to vector<16xi32>
    %mul3A_1668 = arith.constant 512 : i32
    %mul3A_1669 = vector.broadcast %mul3A_1668 : i32 to vector<16xi32>
    %mul3A_1670 = arith.muli %get3A_1667, %mul3A_1669 : vector<16xi32>
    %get3A_1671 = arith.constant 3 : i32
    %get3A_1672 = arith.index_cast %get3A_1671 : i32 to index
    %get3A_1673 = arith.constant 96 : index
    %get3A_1674 = tpu.vector_load %arg7[%get3A_1672, %get3A_1673] {strides = array<i32>} : memref<8x128xi32, #tpu.memory_space<vmem>>, vector<1x16xi32>,
    %get3A_1675 = vector.shape_cast %get3A_1674 : vector<1x16xi32> to vector<16xi32>
    %add3A_1676 = arith.addi %mul3A_1670, %get3A_1675 : vector<16xi32>
    %swap3A_1677 = arith.constant 3 : i32
    %swap3A_1678 = arith.index_cast %swap3A_1677 : i32 to index
    %swap3A_1679 = arith.constant 96 : index
    %swap3A_1680 = tpu.vector_load %arg8[%swap3A_1678, %swap3A_1679] {strides = array<i32>} : memref<8x128xi32, #tpu.memory_space<vmem>>, vector<1x16xi32>,
    %swap3A_1681 = vector.shape_cast %swap3A_1680 : vector<1x16xi32> to vector<16xi32>
    %swap3A_1682 = vector.shape_cast %add3A_1676 : vector<16xi32> to vector<1x16xi32>
    tpu.vector_store %arg8[%swap3A_1678, %swap3A_1679], %swap3A_1682 {strides = array<i32>} : memref<8x128xi32, #tpu.memory_space<vmem>>, vector<1x16xi32>,
    %get3A_1683 = arith.constant 3 : i32
    %get3A_1684 = arith.index_cast %get3A_1683 : i32 to index
    %get3A_1685 = arith.constant 112 : index
    %get3A_1686 = tpu.vector_load %arg6[%get3A_1684, %get3A_1685] {strides = array<i32>} : memref<8x128xi32, #tpu.memory_space<vmem>>, vector<1x16xi32>,
    %get3A_1687 = vector.shape_cast %get3A_1686 : vector<1x16xi32> to vector<16xi32>
    %mul3A_1688 = arith.constant 512 : i32
    %mul3A_1689 = vector.broadcast %mul3A_1688 : i32 to vector<16xi32>
    %mul3A_1690 = arith.muli %get3A_1687, %mul3A_1689 : vector<16xi32>
    %get3A_1691 = arith.constant 3 : i32
    %get3A_1692 = arith.index_cast %get3A_1691 : i32 to index
    %get3A_1693 = arith.constant 112 : index
    %get3A_1694 = tpu.vector_load %arg7[%get3A_1692, %get3A_1693] {strides = array<i32>} : memref<8x128xi32, #tpu.memory_space<vmem>>, vector<1x16xi32>,
    %get3A_1695 = vector.shape_cast %get3A_1694 : vector<1x16xi32> to vector<16xi32>
    %add3A_1696 = arith.addi %mul3A_1690, %get3A_1695 : vector<16xi32>
    %swap3A_1697 = arith.constant 3 : i32
    %swap3A_1698 = arith.index_cast %swap3A_1697 : i32 to index
    %swap3A_1699 = arith.constant 112 : index
    %swap3A_1700 = tpu.vector_load %arg8[%swap3A_1698, %swap3A_1699] {strides = array<i32>} : memref<8x128xi32, #tpu.memory_space<vmem>>, vector<1x16xi32>,
    %swap3A_1701 = vector.shape_cast %swap3A_1700 : vector<1x16xi32> to vector<16xi32>
    %swap3A_1702 = vector.shape_cast %add3A_1696 : vector<16xi32> to vector<1x16xi32>
    tpu.vector_store %arg8[%swap3A_1698, %swap3A_1699], %swap3A_1702 {strides = array<i32>} : memref<8x128xi32, #tpu.memory_space<vmem>>, vector<1x16xi32>,
    %get3A_1703 = arith.constant 4 : i32
    %get3A_1704 = arith.index_cast %get3A_1703 : i32 to index
    %get3A_1705 = arith.constant 0 : index
    %get3A_1706 = tpu.vector_load %arg6[%get3A_1704, %get3A_1705] {strides = array<i32>} : memref<8x128xi32, #tpu.memory_space<vmem>>, vector<1x16xi32>,
    %get3A_1707 = vector.shape_cast %get3A_1706 : vector<1x16xi32> to vector<16xi32>
    %mul3A_1708 = arith.constant 512 : i32
    %mul3A_1709 = vector.broadcast %mul3A_1708 : i32 to vector<16xi32>
    %mul3A_1710 = arith.muli %get3A_1707, %mul3A_1709 : vector<16xi32>
    %get3A_1711 = arith.constant 4 : i32
    %get3A_1712 = arith.index_cast %get3A_1711 : i32 to index
    %get3A_1713 = arith.constant 0 : index
    %get3A_1714 = tpu.vector_load %arg7[%get3A_1712, %get3A_1713] {strides = array<i32>} : memref<8x128xi32, #tpu.memory_space<vmem>>, vector<1x16xi32>,
    %get3A_1715 = vector.shape_cast %get3A_1714 : vector<1x16xi32> to vector<16xi32>
    %add3A_1716 = arith.addi %mul3A_1710, %get3A_1715 : vector<16xi32>
    %swap3A_1717 = arith.constant 4 : i32
    %swap3A_1718 = arith.index_cast %swap3A_1717 : i32 to index
    %swap3A_1719 = arith.constant 0 : index
    %swap3A_1720 = tpu.vector_load %arg8[%swap3A_1718, %swap3A_1719] {strides = array<i32>} : memref<8x128xi32, #tpu.memory_space<vmem>>, vector<1x16xi32>,
    %swap3A_1721 = vector.shape_cast %swap3A_1720 : vector<1x16xi32> to vector<16xi32>
    %swap3A_1722 = vector.shape_cast %add3A_1716 : vector<16xi32> to vector<1x16xi32>
    tpu.vector_store %arg8[%swap3A_1718, %swap3A_1719], %swap3A_1722 {strides = array<i32>} : memref<8x128xi32, #tpu.memory_space<vmem>>, vector<1x16xi32>,
    %get3A_1723 = arith.constant 4 : i32
    %get3A_1724 = arith.index_cast %get3A_1723 : i32 to index
    %get3A_1725 = arith.constant 16 : index
    %get3A_1726 = tpu.vector_load %arg6[%get3A_1724, %get3A_1725] {strides = array<i32>} : memref<8x128xi32, #tpu.memory_space<vmem>>, vector<1x16xi32>,
    %get3A_1727 = vector.shape_cast %get3A_1726 : vector<1x16xi32> to vector<16xi32>
    %mul3A_1728 = arith.constant 512 : i32
    %mul3A_1729 = vector.broadcast %mul3A_1728 : i32 to vector<16xi32>
    %mul3A_1730 = arith.muli %get3A_1727, %mul3A_1729 : vector<16xi32>
    %get3A_1731 = arith.constant 4 : i32
    %get3A_1732 = arith.index_cast %get3A_1731 : i32 to index
    %get3A_1733 = arith.constant 16 : index
    %get3A_1734 = tpu.vector_load %arg7[%get3A_1732, %get3A_1733] {strides = array<i32>} : memref<8x128xi32, #tpu.memory_space<vmem>>, vector<1x16xi32>,
    %get3A_1735 = vector.shape_cast %get3A_1734 : vector<1x16xi32> to vector<16xi32>
    %add3A_1736 = arith.addi %mul3A_1730, %get3A_1735 : vector<16xi32>
    %swap3A_1737 = arith.constant 4 : i32
    %swap3A_1738 = arith.index_cast %swap3A_1737 : i32 to index
    %swap3A_1739 = arith.constant 16 : index
    %swap3A_1740 = tpu.vector_load %arg8[%swap3A_1738, %swap3A_1739] {strides = array<i32>} : memref<8x128xi32, #tpu.memory_space<vmem>>, vector<1x16xi32>,
    %swap3A_1741 = vector.shape_cast %swap3A_1740 : vector<1x16xi32> to vector<16xi32>
    %swap3A_1742 = vector.shape_cast %add3A_1736 : vector<16xi32> to vector<1x16xi32>
    tpu.vector_store %arg8[%swap3A_1738, %swap3A_1739], %swap3A_1742 {strides = array<i32>} : memref<8x128xi32, #tpu.memory_space<vmem>>, vector<1x16xi32>,
    %get3A_1743 = arith.constant 4 : i32
    %get3A_1744 = arith.index_cast %get3A_1743 : i32 to index
    %get3A_1745 = arith.constant 32 : index
    %get3A_1746 = tpu.vector_load %arg6[%get3A_1744, %get3A_1745] {strides = array<i32>} : memref<8x128xi32, #tpu.memory_space<vmem>>, vector<1x16xi32>,
    %get3A_1747 = vector.shape_cast %get3A_1746 : vector<1x16xi32> to vector<16xi32>
    %mul3A_1748 = arith.constant 512 : i32
    %mul3A_1749 = vector.broadcast %mul3A_1748 : i32 to vector<16xi32>
    %mul3A_1750 = arith.muli %get3A_1747, %mul3A_1749 : vector<16xi32>
    %get3A_1751 = arith.constant 4 : i32
    %get3A_1752 = arith.index_cast %get3A_1751 : i32 to index
    %get3A_1753 = arith.constant 32 : index
    %get3A_1754 = tpu.vector_load %arg7[%get3A_1752, %get3A_1753] {strides = array<i32>} : memref<8x128xi32, #tpu.memory_space<vmem>>, vector<1x16xi32>,
    %get3A_1755 = vector.shape_cast %get3A_1754 : vector<1x16xi32> to vector<16xi32>
    %add3A_1756 = arith.addi %mul3A_1750, %get3A_1755 : vector<16xi32>
    %swap3A_1757 = arith.constant 4 : i32
    %swap3A_1758 = arith.index_cast %swap3A_1757 : i32 to index
    %swap3A_1759 = arith.constant 32 : index
    %swap3A_1760 = tpu.vector_load %arg8[%swap3A_1758, %swap3A_1759] {strides = array<i32>} : memref<8x128xi32, #tpu.memory_space<vmem>>, vector<1x16xi32>,
    %swap3A_1761 = vector.shape_cast %swap3A_1760 : vector<1x16xi32> to vector<16xi32>
    %swap3A_1762 = vector.shape_cast %add3A_1756 : vector<16xi32> to vector<1x16xi32>
    tpu.vector_store %arg8[%swap3A_1758, %swap3A_1759], %swap3A_1762 {strides = array<i32>} : memref<8x128xi32, #tpu.memory_space<vmem>>, vector<1x16xi32>,
    %get3A_1763 = arith.constant 4 : i32
    %get3A_1764 = arith.index_cast %get3A_1763 : i32 to index
    %get3A_1765 = arith.constant 48 : index
    %get3A_1766 = tpu.vector_load %arg6[%get3A_1764, %get3A_1765] {strides = array<i32>} : memref<8x128xi32, #tpu.memory_space<vmem>>, vector<1x16xi32>,
    %get3A_1767 = vector.shape_cast %get3A_1766 : vector<1x16xi32> to vector<16xi32>
    %mul3A_1768 = arith.constant 512 : i32
    %mul3A_1769 = vector.broadcast %mul3A_1768 : i32 to vector<16xi32>
    %mul3A_1770 = arith.muli %get3A_1767, %mul3A_1769 : vector<16xi32>
    %get3A_1771 = arith.constant 4 : i32
    %get3A_1772 = arith.index_cast %get3A_1771 : i32 to index
    %get3A_1773 = arith.constant 48 : index
    %get3A_1774 = tpu.vector_load %arg7[%get3A_1772, %get3A_1773] {strides = array<i32>} : memref<8x128xi32, #tpu.memory_space<vmem>>, vector<1x16xi32>,
    %get3A_1775 = vector.shape_cast %get3A_1774 : vector<1x16xi32> to vector<16xi32>
    %add3A_1776 = arith.addi %mul3A_1770, %get3A_1775 : vector<16xi32>
    %swap3A_1777 = arith.constant 4 : i32
    %swap3A_1778 = arith.index_cast %swap3A_1777 : i32 to index
    %swap3A_1779 = arith.constant 48 : index
    %swap3A_1780 = tpu.vector_load %arg8[%swap3A_1778, %swap3A_1779] {strides = array<i32>} : memref<8x128xi32, #tpu.memory_space<vmem>>, vector<1x16xi32>,
    %swap3A_1781 = vector.shape_cast %swap3A_1780 : vector<1x16xi32> to vector<16xi32>
    %swap3A_1782 = vector.shape_cast %add3A_1776 : vector<16xi32> to vector<1x16xi32>
    tpu.vector_store %arg8[%swap3A_1778, %swap3A_1779], %swap3A_1782 {strides = array<i32>} : memref<8x128xi32, #tpu.memory_space<vmem>>, vector<1x16xi32>,
    %get3A_1783 = arith.constant 4 : i32
    %get3A_1784 = arith.index_cast %get3A_1783 : i32 to index
    %get3A_1785 = arith.constant 64 : index
    %get3A_1786 = tpu.vector_load %arg6[%get3A_1784, %get3A_1785] {strides = array<i32>} : memref<8x128xi32, #tpu.memory_space<vmem>>, vector<1x16xi32>,
    %get3A_1787 = vector.shape_cast %get3A_1786 : vector<1x16xi32> to vector<16xi32>
    %mul3A_1788 = arith.constant 512 : i32
    %mul3A_1789 = vector.broadcast %mul3A_1788 : i32 to vector<16xi32>
    %mul3A_1790 = arith.muli %get3A_1787, %mul3A_1789 : vector<16xi32>
    %get3A_1791 = arith.constant 4 : i32
    %get3A_1792 = arith.index_cast %get3A_1791 : i32 to index
    %get3A_1793 = arith.constant 64 : index
    %get3A_1794 = tpu.vector_load %arg7[%get3A_1792, %get3A_1793] {strides = array<i32>} : memref<8x128xi32, #tpu.memory_space<vmem>>, vector<1x16xi32>,
    %get3A_1795 = vector.shape_cast %get3A_1794 : vector<1x16xi32> to vector<16xi32>
    %add3A_1796 = arith.addi %mul3A_1790, %get3A_1795 : vector<16xi32>
    %swap3A_1797 = arith.constant 4 : i32
    %swap3A_1798 = arith.index_cast %swap3A_1797 : i32 to index
    %swap3A_1799 = arith.constant 64 : index
    %swap3A_1800 = tpu.vector_load %arg8[%swap3A_1798, %swap3A_1799] {strides = array<i32>} : memref<8x128xi32, #tpu.memory_space<vmem>>, vector<1x16xi32>,
    %swap3A_1801 = vector.shape_cast %swap3A_1800 : vector<1x16xi32> to vector<16xi32>
    %swap3A_1802 = vector.shape_cast %add3A_1796 : vector<16xi32> to vector<1x16xi32>
    tpu.vector_store %arg8[%swap3A_1798, %swap3A_1799], %swap3A_1802 {strides = array<i32>} : memref<8x128xi32, #tpu.memory_space<vmem>>, vector<1x16xi32>,
    %get3A_1803 = arith.constant 4 : i32
    %get3A_1804 = arith.index_cast %get3A_1803 : i32 to index
    %get3A_1805 = arith.constant 80 : index
    %get3A_1806 = tpu.vector_load %arg6[%get3A_1804, %get3A_1805] {strides = array<i32>} : memref<8x128xi32, #tpu.memory_space<vmem>>, vector<1x16xi32>,
    %get3A_1807 = vector.shape_cast %get3A_1806 : vector<1x16xi32> to vector<16xi32>
    %mul3A_1808 = arith.constant 512 : i32
    %mul3A_1809 = vector.broadcast %mul3A_1808 : i32 to vector<16xi32>
    %mul3A_1810 = arith.muli %get3A_1807, %mul3A_1809 : vector<16xi32>
    %get3A_1811 = arith.constant 4 : i32
    %get3A_1812 = arith.index_cast %get3A_1811 : i32 to index
    %get3A_1813 = arith.constant 80 : index
    %get3A_1814 = tpu.vector_load %arg7[%get3A_1812, %get3A_1813] {strides = array<i32>} : memref<8x128xi32, #tpu.memory_space<vmem>>, vector<1x16xi32>,
    %get3A_1815 = vector.shape_cast %get3A_1814 : vector<1x16xi32> to vector<16xi32>
    %add3A_1816 = arith.addi %mul3A_1810, %get3A_1815 : vector<16xi32>
    %swap3A_1817 = arith.constant 4 : i32
    %swap3A_1818 = arith.index_cast %swap3A_1817 : i32 to index
    %swap3A_1819 = arith.constant 80 : index
    %swap3A_1820 = tpu.vector_load %arg8[%swap3A_1818, %swap3A_1819] {strides = array<i32>} : memref<8x128xi32, #tpu.memory_space<vmem>>, vector<1x16xi32>,
    %swap3A_1821 = vector.shape_cast %swap3A_1820 : vector<1x16xi32> to vector<16xi32>
    %swap3A_1822 = vector.shape_cast %add3A_1816 : vector<16xi32> to vector<1x16xi32>
    tpu.vector_store %arg8[%swap3A_1818, %swap3A_1819], %swap3A_1822 {strides = array<i32>} : memref<8x128xi32, #tpu.memory_space<vmem>>, vector<1x16xi32>,
    %get3A_1823 = arith.constant 4 : i32
    %get3A_1824 = arith.index_cast %get3A_1823 : i32 to index
    %get3A_1825 = arith.constant 96 : index
    %get3A_1826 = tpu.vector_load %arg6[%get3A_1824, %get3A_1825] {strides = array<i32>} : memref<8x128xi32, #tpu.memory_space<vmem>>, vector<1x16xi32>,
    %get3A_1827 = vector.shape_cast %get3A_1826 : vector<1x16xi32> to vector<16xi32>
    %mul3A_1828 = arith.constant 512 : i32
    %mul3A_1829 = vector.broadcast %mul3A_1828 : i32 to vector<16xi32>
    %mul3A_1830 = arith.muli %get3A_1827, %mul3A_1829 : vector<16xi32>
    %get3A_1831 = arith.constant 4 : i32
    %get3A_1832 = arith.index_cast %get3A_1831 : i32 to index
    %get3A_1833 = arith.constant 96 : index
    %get3A_1834 = tpu.vector_load %arg7[%get3A_1832, %get3A_1833] {strides = array<i32>} : memref<8x128xi32, #tpu.memory_space<vmem>>, vector<1x16xi32>,
    %get3A_1835 = vector.shape_cast %get3A_1834 : vector<1x16xi32> to vector<16xi32>
    %add3A_1836 = arith.addi %mul3A_1830, %get3A_1835 : vector<16xi32>
    %swap3A_1837 = arith.constant 4 : i32
    %swap3A_1838 = arith.index_cast %swap3A_1837 : i32 to index
    %swap3A_1839 = arith.constant 96 : index
    %swap3A_1840 = tpu.vector_load %arg8[%swap3A_1838, %swap3A_1839] {strides = array<i32>} : memref<8x128xi32, #tpu.memory_space<vmem>>, vector<1x16xi32>,
    %swap3A_1841 = vector.shape_cast %swap3A_1840 : vector<1x16xi32> to vector<16xi32>
    %swap3A_1842 = vector.shape_cast %add3A_1836 : vector<16xi32> to vector<1x16xi32>
    tpu.vector_store %arg8[%swap3A_1838, %swap3A_1839], %swap3A_1842 {strides = array<i32>} : memref<8x128xi32, #tpu.memory_space<vmem>>, vector<1x16xi32>,
    %get3A_1843 = arith.constant 4 : i32
    %get3A_1844 = arith.index_cast %get3A_1843 : i32 to index
    %get3A_1845 = arith.constant 112 : index
    %get3A_1846 = tpu.vector_load %arg6[%get3A_1844, %get3A_1845] {strides = array<i32>} : memref<8x128xi32, #tpu.memory_space<vmem>>, vector<1x16xi32>,
    %get3A_1847 = vector.shape_cast %get3A_1846 : vector<1x16xi32> to vector<16xi32>
    %mul3A_1848 = arith.constant 512 : i32
    %mul3A_1849 = vector.broadcast %mul3A_1848 : i32 to vector<16xi32>
    %mul3A_1850 = arith.muli %get3A_1847, %mul3A_1849 : vector<16xi32>
    %get3A_1851 = arith.constant 4 : i32
    %get3A_1852 = arith.index_cast %get3A_1851 : i32 to index
    %get3A_1853 = arith.constant 112 : index
    %get3A_1854 = tpu.vector_load %arg7[%get3A_1852, %get3A_1853] {strides = array<i32>} : memref<8x128xi32, #tpu.memory_space<vmem>>, vector<1x16xi32>,
    %get3A_1855 = vector.shape_cast %get3A_1854 : vector<1x16xi32> to vector<16xi32>
    %add3A_1856 = arith.addi %mul3A_1850, %get3A_1855 : vector<16xi32>
    %swap3A_1857 = arith.constant 4 : i32
    %swap3A_1858 = arith.index_cast %swap3A_1857 : i32 to index
    %swap3A_1859 = arith.constant 112 : index
    %swap3A_1860 = tpu.vector_load %arg8[%swap3A_1858, %swap3A_1859] {strides = array<i32>} : memref<8x128xi32, #tpu.memory_space<vmem>>, vector<1x16xi32>,
    %swap3A_1861 = vector.shape_cast %swap3A_1860 : vector<1x16xi32> to vector<16xi32>
    %swap3A_1862 = vector.shape_cast %add3A_1856 : vector<16xi32> to vector<1x16xi32>
    tpu.vector_store %arg8[%swap3A_1858, %swap3A_1859], %swap3A_1862 {strides = array<i32>} : memref<8x128xi32, #tpu.memory_space<vmem>>, vector<1x16xi32>,
    %get3A_1863 = arith.constant 5 : i32
    %get3A_1864 = arith.index_cast %get3A_1863 : i32 to index
    %get3A_1865 = arith.constant 0 : index
    %get3A_1866 = tpu.vector_load %arg6[%get3A_1864, %get3A_1865] {strides = array<i32>} : memref<8x128xi32, #tpu.memory_space<vmem>>, vector<1x16xi32>,
    %get3A_1867 = vector.shape_cast %get3A_1866 : vector<1x16xi32> to vector<16xi32>
    %mul3A_1868 = arith.constant 512 : i32
    %mul3A_1869 = vector.broadcast %mul3A_1868 : i32 to vector<16xi32>
    %mul3A_1870 = arith.muli %get3A_1867, %mul3A_1869 : vector<16xi32>
    %get3A_1871 = arith.constant 5 : i32
    %get3A_1872 = arith.index_cast %get3A_1871 : i32 to index
    %get3A_1873 = arith.constant 0 : index
    %get3A_1874 = tpu.vector_load %arg7[%get3A_1872, %get3A_1873] {strides = array<i32>} : memref<8x128xi32, #tpu.memory_space<vmem>>, vector<1x16xi32>,
    %get3A_1875 = vector.shape_cast %get3A_1874 : vector<1x16xi32> to vector<16xi32>
    %add3A_1876 = arith.addi %mul3A_1870, %get3A_1875 : vector<16xi32>
    %swap3A_1877 = arith.constant 5 : i32
    %swap3A_1878 = arith.index_cast %swap3A_1877 : i32 to index
    %swap3A_1879 = arith.constant 0 : index
    %swap3A_1880 = tpu.vector_load %arg8[%swap3A_1878, %swap3A_1879] {strides = array<i32>} : memref<8x128xi32, #tpu.memory_space<vmem>>, vector<1x16xi32>,
    %swap3A_1881 = vector.shape_cast %swap3A_1880 : vector<1x16xi32> to vector<16xi32>
    %swap3A_1882 = vector.shape_cast %add3A_1876 : vector<16xi32> to vector<1x16xi32>
    tpu.vector_store %arg8[%swap3A_1878, %swap3A_1879], %swap3A_1882 {strides = array<i32>} : memref<8x128xi32, #tpu.memory_space<vmem>>, vector<1x16xi32>,
    %get3A_1883 = arith.constant 5 : i32
    %get3A_1884 = arith.index_cast %get3A_1883 : i32 to index
    %get3A_1885 = arith.constant 16 : index
    %get3A_1886 = tpu.vector_load %arg6[%get3A_1884, %get3A_1885] {strides = array<i32>} : memref<8x128xi32, #tpu.memory_space<vmem>>, vector<1x16xi32>,
    %get3A_1887 = vector.shape_cast %get3A_1886 : vector<1x16xi32> to vector<16xi32>
    %mul3A_1888 = arith.constant 512 : i32
    %mul3A_1889 = vector.broadcast %mul3A_1888 : i32 to vector<16xi32>
    %mul3A_1890 = arith.muli %get3A_1887, %mul3A_1889 : vector<16xi32>
    %get3A_1891 = arith.constant 5 : i32
    %get3A_1892 = arith.index_cast %get3A_1891 : i32 to index
    %get3A_1893 = arith.constant 16 : index
    %get3A_1894 = tpu.vector_load %arg7[%get3A_1892, %get3A_1893] {strides = array<i32>} : memref<8x128xi32, #tpu.memory_space<vmem>>, vector<1x16xi32>,
    %get3A_1895 = vector.shape_cast %get3A_1894 : vector<1x16xi32> to vector<16xi32>
    %add3A_1896 = arith.addi %mul3A_1890, %get3A_1895 : vector<16xi32>
    %swap3A_1897 = arith.constant 5 : i32
    %swap3A_1898 = arith.index_cast %swap3A_1897 : i32 to index
    %swap3A_1899 = arith.constant 16 : index
    %swap3A_1900 = tpu.vector_load %arg8[%swap3A_1898, %swap3A_1899] {strides = array<i32>} : memref<8x128xi32, #tpu.memory_space<vmem>>, vector<1x16xi32>,
    %swap3A_1901 = vector.shape_cast %swap3A_1900 : vector<1x16xi32> to vector<16xi32>
    %swap3A_1902 = vector.shape_cast %add3A_1896 : vector<16xi32> to vector<1x16xi32>
    tpu.vector_store %arg8[%swap3A_1898, %swap3A_1899], %swap3A_1902 {strides = array<i32>} : memref<8x128xi32, #tpu.memory_space<vmem>>, vector<1x16xi32>,
    %get3A_1903 = arith.constant 5 : i32
    %get3A_1904 = arith.index_cast %get3A_1903 : i32 to index
    %get3A_1905 = arith.constant 32 : index
    %get3A_1906 = tpu.vector_load %arg6[%get3A_1904, %get3A_1905] {strides = array<i32>} : memref<8x128xi32, #tpu.memory_space<vmem>>, vector<1x16xi32>,
    %get3A_1907 = vector.shape_cast %get3A_1906 : vector<1x16xi32> to vector<16xi32>
    %mul3A_1908 = arith.constant 512 : i32
    %mul3A_1909 = vector.broadcast %mul3A_1908 : i32 to vector<16xi32>
    %mul3A_1910 = arith.muli %get3A_1907, %mul3A_1909 : vector<16xi32>
    %get3A_1911 = arith.constant 5 : i32
    %get3A_1912 = arith.index_cast %get3A_1911 : i32 to index
    %get3A_1913 = arith.constant 32 : index
    %get3A_1914 = tpu.vector_load %arg7[%get3A_1912, %get3A_1913] {strides = array<i32>} : memref<8x128xi32, #tpu.memory_space<vmem>>, vector<1x16xi32>,
    %get3A_1915 = vector.shape_cast %get3A_1914 : vector<1x16xi32> to vector<16xi32>
    %add3A_1916 = arith.addi %mul3A_1910, %get3A_1915 : vector<16xi32>
    %swap3A_1917 = arith.constant 5 : i32
    %swap3A_1918 = arith.index_cast %swap3A_1917 : i32 to index
    %swap3A_1919 = arith.constant 32 : index
    %swap3A_1920 = tpu.vector_load %arg8[%swap3A_1918, %swap3A_1919] {strides = array<i32>} : memref<8x128xi32, #tpu.memory_space<vmem>>, vector<1x16xi32>,
    %swap3A_1921 = vector.shape_cast %swap3A_1920 : vector<1x16xi32> to vector<16xi32>
    %swap3A_1922 = vector.shape_cast %add3A_1916 : vector<16xi32> to vector<1x16xi32>
    tpu.vector_store %arg8[%swap3A_1918, %swap3A_1919], %swap3A_1922 {strides = array<i32>} : memref<8x128xi32, #tpu.memory_space<vmem>>, vector<1x16xi32>,
    %get3A_1923 = arith.constant 5 : i32
    %get3A_1924 = arith.index_cast %get3A_1923 : i32 to index
    %get3A_1925 = arith.constant 48 : index
    %get3A_1926 = tpu.vector_load %arg6[%get3A_1924, %get3A_1925] {strides = array<i32>} : memref<8x128xi32, #tpu.memory_space<vmem>>, vector<1x16xi32>,
    %get3A_1927 = vector.shape_cast %get3A_1926 : vector<1x16xi32> to vector<16xi32>
    %mul3A_1928 = arith.constant 512 : i32
    %mul3A_1929 = vector.broadcast %mul3A_1928 : i32 to vector<16xi32>
    %mul3A_1930 = arith.muli %get3A_1927, %mul3A_1929 : vector<16xi32>
    %get3A_1931 = arith.constant 5 : i32
    %get3A_1932 = arith.index_cast %get3A_1931 : i32 to index
    %get3A_1933 = arith.constant 48 : index
    %get3A_1934 = tpu.vector_load %arg7[%get3A_1932, %get3A_1933] {strides = array<i32>} : memref<8x128xi32, #tpu.memory_space<vmem>>, vector<1x16xi32>,
    %get3A_1935 = vector.shape_cast %get3A_1934 : vector<1x16xi32> to vector<16xi32>
    %add3A_1936 = arith.addi %mul3A_1930, %get3A_1935 : vector<16xi32>
    %swap3A_1937 = arith.constant 5 : i32
    %swap3A_1938 = arith.index_cast %swap3A_1937 : i32 to index
    %swap3A_1939 = arith.constant 48 : index
    %swap3A_1940 = tpu.vector_load %arg8[%swap3A_1938, %swap3A_1939] {strides = array<i32>} : memref<8x128xi32, #tpu.memory_space<vmem>>, vector<1x16xi32>,
    %swap3A_1941 = vector.shape_cast %swap3A_1940 : vector<1x16xi32> to vector<16xi32>
    %swap3A_1942 = vector.shape_cast %add3A_1936 : vector<16xi32> to vector<1x16xi32>
    tpu.vector_store %arg8[%swap3A_1938, %swap3A_1939], %swap3A_1942 {strides = array<i32>} : memref<8x128xi32, #tpu.memory_space<vmem>>, vector<1x16xi32>,
    %get3A_1943 = arith.constant 5 : i32
    %get3A_1944 = arith.index_cast %get3A_1943 : i32 to index
    %get3A_1945 = arith.constant 64 : index
    %get3A_1946 = tpu.vector_load %arg6[%get3A_1944, %get3A_1945] {strides = array<i32>} : memref<8x128xi32, #tpu.memory_space<vmem>>, vector<1x16xi32>,
    %get3A_1947 = vector.shape_cast %get3A_1946 : vector<1x16xi32> to vector<16xi32>
    %mul3A_1948 = arith.constant 512 : i32
    %mul3A_1949 = vector.broadcast %mul3A_1948 : i32 to vector<16xi32>
    %mul3A_1950 = arith.muli %get3A_1947, %mul3A_1949 : vector<16xi32>
    %get3A_1951 = arith.constant 5 : i32
    %get3A_1952 = arith.index_cast %get3A_1951 : i32 to index
    %get3A_1953 = arith.constant 64 : index
    %get3A_1954 = tpu.vector_load %arg7[%get3A_1952, %get3A_1953] {strides = array<i32>} : memref<8x128xi32, #tpu.memory_space<vmem>>, vector<1x16xi32>,
    %get3A_1955 = vector.shape_cast %get3A_1954 : vector<1x16xi32> to vector<16xi32>
    %add3A_1956 = arith.addi %mul3A_1950, %get3A_1955 : vector<16xi32>
    %swap3A_1957 = arith.constant 5 : i32
    %swap3A_1958 = arith.index_cast %swap3A_1957 : i32 to index
    %swap3A_1959 = arith.constant 64 : index
    %swap3A_1960 = tpu.vector_load %arg8[%swap3A_1958, %swap3A_1959] {strides = array<i32>} : memref<8x128xi32, #tpu.memory_space<vmem>>, vector<1x16xi32>,
    %swap3A_1961 = vector.shape_cast %swap3A_1960 : vector<1x16xi32> to vector<16xi32>
    %swap3A_1962 = vector.shape_cast %add3A_1956 : vector<16xi32> to vector<1x16xi32>
    tpu.vector_store %arg8[%swap3A_1958, %swap3A_1959], %swap3A_1962 {strides = array<i32>} : memref<8x128xi32, #tpu.memory_space<vmem>>, vector<1x16xi32>,
    %get3A_1963 = arith.constant 5 : i32
    %get3A_1964 = arith.index_cast %get3A_1963 : i32 to index
    %get3A_1965 = arith.constant 80 : index
    %get3A_1966 = tpu.vector_load %arg6[%get3A_1964, %get3A_1965] {strides = array<i32>} : memref<8x128xi32, #tpu.memory_space<vmem>>, vector<1x16xi32>,
    %get3A_1967 = vector.shape_cast %get3A_1966 : vector<1x16xi32> to vector<16xi32>
    %mul3A_1968 = arith.constant 512 : i32
    %mul3A_1969 = vector.broadcast %mul3A_1968 : i32 to vector<16xi32>
    %mul3A_1970 = arith.muli %get3A_1967, %mul3A_1969 : vector<16xi32>
    %get3A_1971 = arith.constant 5 : i32
    %get3A_1972 = arith.index_cast %get3A_1971 : i32 to index
    %get3A_1973 = arith.constant 80 : index
    %get3A_1974 = tpu.vector_load %arg7[%get3A_1972, %get3A_1973] {strides = array<i32>} : memref<8x128xi32, #tpu.memory_space<vmem>>, vector<1x16xi32>,
    %get3A_1975 = vector.shape_cast %get3A_1974 : vector<1x16xi32> to vector<16xi32>
    %add3A_1976 = arith.addi %mul3A_1970, %get3A_1975 : vector<16xi32>
    %swap3A_1977 = arith.constant 5 : i32
    %swap3A_1978 = arith.index_cast %swap3A_1977 : i32 to index
    %swap3A_1979 = arith.constant 80 : index
    %swap3A_1980 = tpu.vector_load %arg8[%swap3A_1978, %swap3A_1979] {strides = array<i32>} : memref<8x128xi32, #tpu.memory_space<vmem>>, vector<1x16xi32>,
    %swap3A_1981 = vector.shape_cast %swap3A_1980 : vector<1x16xi32> to vector<16xi32>
    %swap3A_1982 = vector.shape_cast %add3A_1976 : vector<16xi32> to vector<1x16xi32>
    tpu.vector_store %arg8[%swap3A_1978, %swap3A_1979], %swap3A_1982 {strides = array<i32>} : memref<8x128xi32, #tpu.memory_space<vmem>>, vector<1x16xi32>,
    %get3A_1983 = arith.constant 5 : i32
    %get3A_1984 = arith.index_cast %get3A_1983 : i32 to index
    %get3A_1985 = arith.constant 96 : index
    %get3A_1986 = tpu.vector_load %arg6[%get3A_1984, %get3A_1985] {strides = array<i32>} : memref<8x128xi32, #tpu.memory_space<vmem>>, vector<1x16xi32>,
    %get3A_1987 = vector.shape_cast %get3A_1986 : vector<1x16xi32> to vector<16xi32>
    %mul3A_1988 = arith.constant 512 : i32
    %mul3A_1989 = vector.broadcast %mul3A_1988 : i32 to vector<16xi32>
    %mul3A_1990 = arith.muli %get3A_1987, %mul3A_1989 : vector<16xi32>
    %get3A_1991 = arith.constant 5 : i32
    %get3A_1992 = arith.index_cast %get3A_1991 : i32 to index
    %get3A_1993 = arith.constant 96 : index
    %get3A_1994 = tpu.vector_load %arg7[%get3A_1992, %get3A_1993] {strides = array<i32>} : memref<8x128xi32, #tpu.memory_space<vmem>>, vector<1x16xi32>,
    %get3A_1995 = vector.shape_cast %get3A_1994 : vector<1x16xi32> to vector<16xi32>
    %add3A_1996 = arith.addi %mul3A_1990, %get3A_1995 : vector<16xi32>
    %swap3A_1997 = arith.constant 5 : i32
    %swap3A_1998 = arith.index_cast %swap3A_1997 : i32 to index
    %swap3A_1999 = arith.constant 96 : index
    %swap3A_2000 = tpu.vector_load %arg8[%swap3A_1998, %swap3A_1999] {strides = array<i32>} : memref<8x128xi32, #tpu.memory_space<vmem>>, vector<1x16xi32>,
    %swap3A_2001 = vector.shape_cast %swap3A_2000 : vector<1x16xi32> to vector<16xi32>
    %swap3A_2002 = vector.shape_cast %add3A_1996 : vector<16xi32> to vector<1x16xi32>
    tpu.vector_store %arg8[%swap3A_1998, %swap3A_1999], %swap3A_2002 {strides = array<i32>} : memref<8x128xi32, #tpu.memory_space<vmem>>, vector<1x16xi32>,
    %get3A_2003 = arith.constant 5 : i32
    %get3A_2004 = arith.index_cast %get3A_2003 : i32 to index
    %get3A_2005 = arith.constant 112 : index
    %get3A_2006 = tpu.vector_load %arg6[%get3A_2004, %get3A_2005] {strides = array<i32>} : memref<8x128xi32, #tpu.memory_space<vmem>>, vector<1x16xi32>,
    %get3A_2007 = vector.shape_cast %get3A_2006 : vector<1x16xi32> to vector<16xi32>
    %mul3A_2008 = arith.constant 512 : i32
    %mul3A_2009 = vector.broadcast %mul3A_2008 : i32 to vector<16xi32>
    %mul3A_2010 = arith.muli %get3A_2007, %mul3A_2009 : vector<16xi32>
    %get3A_2011 = arith.constant 5 : i32
    %get3A_2012 = arith.index_cast %get3A_2011 : i32 to index
    %get3A_2013 = arith.constant 112 : index
    %get3A_2014 = tpu.vector_load %arg7[%get3A_2012, %get3A_2013] {strides = array<i32>} : memref<8x128xi32, #tpu.memory_space<vmem>>, vector<1x16xi32>,
    %get3A_2015 = vector.shape_cast %get3A_2014 : vector<1x16xi32> to vector<16xi32>
    %add3A_2016 = arith.addi %mul3A_2010, %get3A_2015 : vector<16xi32>
    %swap3A_2017 = arith.constant 5 : i32
    %swap3A_2018 = arith.index_cast %swap3A_2017 : i32 to index
    %swap3A_2019 = arith.constant 112 : index
    %swap3A_2020 = tpu.vector_load %arg8[%swap3A_2018, %swap3A_2019] {strides = array<i32>} : memref<8x128xi32, #tpu.memory_space<vmem>>, vector<1x16xi32>,
    %swap3A_2021 = vector.shape_cast %swap3A_2020 : vector<1x16xi32> to vector<16xi32>
    %swap3A_2022 = vector.shape_cast %add3A_2016 : vector<16xi32> to vector<1x16xi32>
    tpu.vector_store %arg8[%swap3A_2018, %swap3A_2019], %swap3A_2022 {strides = array<i32>} : memref<8x128xi32, #tpu.memory_space<vmem>>, vector<1x16xi32>,
    %get3A_2023 = arith.constant 6 : i32
    %get3A_2024 = arith.index_cast %get3A_2023 : i32 to index
    %get3A_2025 = arith.constant 0 : index
    %get3A_2026 = tpu.vector_load %arg6[%get3A_2024, %get3A_2025] {strides = array<i32>} : memref<8x128xi32, #tpu.memory_space<vmem>>, vector<1x16xi32>,
    %get3A_2027 = vector.shape_cast %get3A_2026 : vector<1x16xi32> to vector<16xi32>
    %mul3A_2028 = arith.constant 512 : i32
    %mul3A_2029 = vector.broadcast %mul3A_2028 : i32 to vector<16xi32>
    %mul3A_2030 = arith.muli %get3A_2027, %mul3A_2029 : vector<16xi32>
    %get3A_2031 = arith.constant 6 : i32
    %get3A_2032 = arith.index_cast %get3A_2031 : i32 to index
    %get3A_2033 = arith.constant 0 : index
    %get3A_2034 = tpu.vector_load %arg7[%get3A_2032, %get3A_2033] {strides = array<i32>} : memref<8x128xi32, #tpu.memory_space<vmem>>, vector<1x16xi32>,
    %get3A_2035 = vector.shape_cast %get3A_2034 : vector<1x16xi32> to vector<16xi32>
    %add3A_2036 = arith.addi %mul3A_2030, %get3A_2035 : vector<16xi32>
    %swap3A_2037 = arith.constant 6 : i32
    %swap3A_2038 = arith.index_cast %swap3A_2037 : i32 to index
    %swap3A_2039 = arith.constant 0 : index
    %swap3A_2040 = tpu.vector_load %arg8[%swap3A_2038, %swap3A_2039] {strides = array<i32>} : memref<8x128xi32, #tpu.memory_space<vmem>>, vector<1x16xi32>,
    %swap3A_2041 = vector.shape_cast %swap3A_2040 : vector<1x16xi32> to vector<16xi32>
    %swap3A_2042 = vector.shape_cast %add3A_2036 : vector<16xi32> to vector<1x16xi32>
    tpu.vector_store %arg8[%swap3A_2038, %swap3A_2039], %swap3A_2042 {strides = array<i32>} : memref<8x128xi32, #tpu.memory_space<vmem>>, vector<1x16xi32>,
    %get3A_2043 = arith.constant 6 : i32
    %get3A_2044 = arith.index_cast %get3A_2043 : i32 to index
    %get3A_2045 = arith.constant 16 : index
    %get3A_2046 = tpu.vector_load %arg6[%get3A_2044, %get3A_2045] {strides = array<i32>} : memref<8x128xi32, #tpu.memory_space<vmem>>, vector<1x16xi32>,
    %get3A_2047 = vector.shape_cast %get3A_2046 : vector<1x16xi32> to vector<16xi32>
    %mul3A_2048 = arith.constant 512 : i32
    %mul3A_2049 = vector.broadcast %mul3A_2048 : i32 to vector<16xi32>
    %mul3A_2050 = arith.muli %get3A_2047, %mul3A_2049 : vector<16xi32>
    %get3A_2051 = arith.constant 6 : i32
    %get3A_2052 = arith.index_cast %get3A_2051 : i32 to index
    %get3A_2053 = arith.constant 16 : index
    %get3A_2054 = tpu.vector_load %arg7[%get3A_2052, %get3A_2053] {strides = array<i32>} : memref<8x128xi32, #tpu.memory_space<vmem>>, vector<1x16xi32>,
    %get3A_2055 = vector.shape_cast %get3A_2054 : vector<1x16xi32> to vector<16xi32>
    %add3A_2056 = arith.addi %mul3A_2050, %get3A_2055 : vector<16xi32>
    %swap3A_2057 = arith.constant 6 : i32
    %swap3A_2058 = arith.index_cast %swap3A_2057 : i32 to index
    %swap3A_2059 = arith.constant 16 : index
    %swap3A_2060 = tpu.vector_load %arg8[%swap3A_2058, %swap3A_2059] {strides = array<i32>} : memref<8x128xi32, #tpu.memory_space<vmem>>, vector<1x16xi32>,
    %swap3A_2061 = vector.shape_cast %swap3A_2060 : vector<1x16xi32> to vector<16xi32>
    %swap3A_2062 = vector.shape_cast %add3A_2056 : vector<16xi32> to vector<1x16xi32>
    tpu.vector_store %arg8[%swap3A_2058, %swap3A_2059], %swap3A_2062 {strides = array<i32>} : memref<8x128xi32, #tpu.memory_space<vmem>>, vector<1x16xi32>,
    %get3A_2063 = arith.constant 6 : i32
    %get3A_2064 = arith.index_cast %get3A_2063 : i32 to index
    %get3A_2065 = arith.constant 32 : index
    %get3A_2066 = tpu.vector_load %arg6[%get3A_2064, %get3A_2065] {strides = array<i32>} : memref<8x128xi32, #tpu.memory_space<vmem>>, vector<1x16xi32>,
    %get3A_2067 = vector.shape_cast %get3A_2066 : vector<1x16xi32> to vector<16xi32>
    %mul3A_2068 = arith.constant 512 : i32
    %mul3A_2069 = vector.broadcast %mul3A_2068 : i32 to vector<16xi32>
    %mul3A_2070 = arith.muli %get3A_2067, %mul3A_2069 : vector<16xi32>
    %get3A_2071 = arith.constant 6 : i32
    %get3A_2072 = arith.index_cast %get3A_2071 : i32 to index
    %get3A_2073 = arith.constant 32 : index
    %get3A_2074 = tpu.vector_load %arg7[%get3A_2072, %get3A_2073] {strides = array<i32>} : memref<8x128xi32, #tpu.memory_space<vmem>>, vector<1x16xi32>,
    %get3A_2075 = vector.shape_cast %get3A_2074 : vector<1x16xi32> to vector<16xi32>
    %add3A_2076 = arith.addi %mul3A_2070, %get3A_2075 : vector<16xi32>
    %swap3A_2077 = arith.constant 6 : i32
    %swap3A_2078 = arith.index_cast %swap3A_2077 : i32 to index
    %swap3A_2079 = arith.constant 32 : index
    %swap3A_2080 = tpu.vector_load %arg8[%swap3A_2078, %swap3A_2079] {strides = array<i32>} : memref<8x128xi32, #tpu.memory_space<vmem>>, vector<1x16xi32>,
    %swap3A_2081 = vector.shape_cast %swap3A_2080 : vector<1x16xi32> to vector<16xi32>
    %swap3A_2082 = vector.shape_cast %add3A_2076 : vector<16xi32> to vector<1x16xi32>
    tpu.vector_store %arg8[%swap3A_2078, %swap3A_2079], %swap3A_2082 {strides = array<i32>} : memref<8x128xi32, #tpu.memory_space<vmem>>, vector<1x16xi32>,
    %get3A_2083 = arith.constant 6 : i32
    %get3A_2084 = arith.index_cast %get3A_2083 : i32 to index
    %get3A_2085 = arith.constant 48 : index
    %get3A_2086 = tpu.vector_load %arg6[%get3A_2084, %get3A_2085] {strides = array<i32>} : memref<8x128xi32, #tpu.memory_space<vmem>>, vector<1x16xi32>,
    %get3A_2087 = vector.shape_cast %get3A_2086 : vector<1x16xi32> to vector<16xi32>
    %mul3A_2088 = arith.constant 512 : i32
    %mul3A_2089 = vector.broadcast %mul3A_2088 : i32 to vector<16xi32>
    %mul3A_2090 = arith.muli %get3A_2087, %mul3A_2089 : vector<16xi32>
    %get3A_2091 = arith.constant 6 : i32
    %get3A_2092 = arith.index_cast %get3A_2091 : i32 to index
    %get3A_2093 = arith.constant 48 : index
    %get3A_2094 = tpu.vector_load %arg7[%get3A_2092, %get3A_2093] {strides = array<i32>} : memref<8x128xi32, #tpu.memory_space<vmem>>, vector<1x16xi32>,
    %get3A_2095 = vector.shape_cast %get3A_2094 : vector<1x16xi32> to vector<16xi32>
    %add3A_2096 = arith.addi %mul3A_2090, %get3A_2095 : vector<16xi32>
    %swap3A_2097 = arith.constant 6 : i32
    %swap3A_2098 = arith.index_cast %swap3A_2097 : i32 to index
    %swap3A_2099 = arith.constant 48 : index
    %swap3A_2100 = tpu.vector_load %arg8[%swap3A_2098, %swap3A_2099] {strides = array<i32>} : memref<8x128xi32, #tpu.memory_space<vmem>>, vector<1x16xi32>,
    %swap3A_2101 = vector.shape_cast %swap3A_2100 : vector<1x16xi32> to vector<16xi32>
    %swap3A_2102 = vector.shape_cast %add3A_2096 : vector<16xi32> to vector<1x16xi32>
    tpu.vector_store %arg8[%swap3A_2098, %swap3A_2099], %swap3A_2102 {strides = array<i32>} : memref<8x128xi32, #tpu.memory_space<vmem>>, vector<1x16xi32>,
    %get3A_2103 = arith.constant 6 : i32
    %get3A_2104 = arith.index_cast %get3A_2103 : i32 to index
    %get3A_2105 = arith.constant 64 : index
    %get3A_2106 = tpu.vector_load %arg6[%get3A_2104, %get3A_2105] {strides = array<i32>} : memref<8x128xi32, #tpu.memory_space<vmem>>, vector<1x16xi32>,
    %get3A_2107 = vector.shape_cast %get3A_2106 : vector<1x16xi32> to vector<16xi32>
    %mul3A_2108 = arith.constant 512 : i32
    %mul3A_2109 = vector.broadcast %mul3A_2108 : i32 to vector<16xi32>
    %mul3A_2110 = arith.muli %get3A_2107, %mul3A_2109 : vector<16xi32>
    %get3A_2111 = arith.constant 6 : i32
    %get3A_2112 = arith.index_cast %get3A_2111 : i32 to index
    %get3A_2113 = arith.constant 64 : index
    %get3A_2114 = tpu.vector_load %arg7[%get3A_2112, %get3A_2113] {strides = array<i32>} : memref<8x128xi32, #tpu.memory_space<vmem>>, vector<1x16xi32>,
    %get3A_2115 = vector.shape_cast %get3A_2114 : vector<1x16xi32> to vector<16xi32>
    %add3A_2116 = arith.addi %mul3A_2110, %get3A_2115 : vector<16xi32>
    %swap3A_2117 = arith.constant 6 : i32
    %swap3A_2118 = arith.index_cast %swap3A_2117 : i32 to index
    %swap3A_2119 = arith.constant 64 : index
    %swap3A_2120 = tpu.vector_load %arg8[%swap3A_2118, %swap3A_2119] {strides = array<i32>} : memref<8x128xi32, #tpu.memory_space<vmem>>, vector<1x16xi32>,
    %swap3A_2121 = vector.shape_cast %swap3A_2120 : vector<1x16xi32> to vector<16xi32>
    %swap3A_2122 = vector.shape_cast %add3A_2116 : vector<16xi32> to vector<1x16xi32>
    tpu.vector_store %arg8[%swap3A_2118, %swap3A_2119], %swap3A_2122 {strides = array<i32>} : memref<8x128xi32, #tpu.memory_space<vmem>>, vector<1x16xi32>,
    %get3A_2123 = arith.constant 6 : i32
    %get3A_2124 = arith.index_cast %get3A_2123 : i32 to index
    %get3A_2125 = arith.constant 80 : index
    %get3A_2126 = tpu.vector_load %arg6[%get3A_2124, %get3A_2125] {strides = array<i32>} : memref<8x128xi32, #tpu.memory_space<vmem>>, vector<1x16xi32>,
    %get3A_2127 = vector.shape_cast %get3A_2126 : vector<1x16xi32> to vector<16xi32>
    %mul3A_2128 = arith.constant 512 : i32
    %mul3A_2129 = vector.broadcast %mul3A_2128 : i32 to vector<16xi32>
    %mul3A_2130 = arith.muli %get3A_2127, %mul3A_2129 : vector<16xi32>
    %get3A_2131 = arith.constant 6 : i32
    %get3A_2132 = arith.index_cast %get3A_2131 : i32 to index
    %get3A_2133 = arith.constant 80 : index
    %get3A_2134 = tpu.vector_load %arg7[%get3A_2132, %get3A_2133] {strides = array<i32>} : memref<8x128xi32, #tpu.memory_space<vmem>>, vector<1x16xi32>,
    %get3A_2135 = vector.shape_cast %get3A_2134 : vector<1x16xi32> to vector<16xi32>
    %add3A_2136 = arith.addi %mul3A_2130, %get3A_2135 : vector<16xi32>
    %swap3A_2137 = arith.constant 6 : i32
    %swap3A_2138 = arith.index_cast %swap3A_2137 : i32 to index
    %swap3A_2139 = arith.constant 80 : index
    %swap3A_2140 = tpu.vector_load %arg8[%swap3A_2138, %swap3A_2139] {strides = array<i32>} : memref<8x128xi32, #tpu.memory_space<vmem>>, vector<1x16xi32>,
    %swap3A_2141 = vector.shape_cast %swap3A_2140 : vector<1x16xi32> to vector<16xi32>
    %swap3A_2142 = vector.shape_cast %add3A_2136 : vector<16xi32> to vector<1x16xi32>
    tpu.vector_store %arg8[%swap3A_2138, %swap3A_2139], %swap3A_2142 {strides = array<i32>} : memref<8x128xi32, #tpu.memory_space<vmem>>, vector<1x16xi32>,
    %get3A_2143 = arith.constant 6 : i32
    %get3A_2144 = arith.index_cast %get3A_2143 : i32 to index
    %get3A_2145 = arith.constant 96 : index
    %get3A_2146 = tpu.vector_load %arg6[%get3A_2144, %get3A_2145] {strides = array<i32>} : memref<8x128xi32, #tpu.memory_space<vmem>>, vector<1x16xi32>,
    %get3A_2147 = vector.shape_cast %get3A_2146 : vector<1x16xi32> to vector<16xi32>
    %mul3A_2148 = arith.constant 512 : i32
    %mul3A_2149 = vector.broadcast %mul3A_2148 : i32 to vector<16xi32>
    %mul3A_2150 = arith.muli %get3A_2147, %mul3A_2149 : vector<16xi32>
    %get3A_2151 = arith.constant 6 : i32
    %get3A_2152 = arith.index_cast %get3A_2151 : i32 to index
    %get3A_2153 = arith.constant 96 : index
    %get3A_2154 = tpu.vector_load %arg7[%get3A_2152, %get3A_2153] {strides = array<i32>} : memref<8x128xi32, #tpu.memory_space<vmem>>, vector<1x16xi32>,
    %get3A_2155 = vector.shape_cast %get3A_2154 : vector<1x16xi32> to vector<16xi32>
    %add3A_2156 = arith.addi %mul3A_2150, %get3A_2155 : vector<16xi32>
    %swap3A_2157 = arith.constant 6 : i32
    %swap3A_2158 = arith.index_cast %swap3A_2157 : i32 to index
    %swap3A_2159 = arith.constant 96 : index
    %swap3A_2160 = tpu.vector_load %arg8[%swap3A_2158, %swap3A_2159] {strides = array<i32>} : memref<8x128xi32, #tpu.memory_space<vmem>>, vector<1x16xi32>,
    %swap3A_2161 = vector.shape_cast %swap3A_2160 : vector<1x16xi32> to vector<16xi32>
    %swap3A_2162 = vector.shape_cast %add3A_2156 : vector<16xi32> to vector<1x16xi32>
    tpu.vector_store %arg8[%swap3A_2158, %swap3A_2159], %swap3A_2162 {strides = array<i32>} : memref<8x128xi32, #tpu.memory_space<vmem>>, vector<1x16xi32>,
    %get3A_2163 = arith.constant 6 : i32
    %get3A_2164 = arith.index_cast %get3A_2163 : i32 to index
    %get3A_2165 = arith.constant 112 : index
    %get3A_2166 = tpu.vector_load %arg6[%get3A_2164, %get3A_2165] {strides = array<i32>} : memref<8x128xi32, #tpu.memory_space<vmem>>, vector<1x16xi32>,
    %get3A_2167 = vector.shape_cast %get3A_2166 : vector<1x16xi32> to vector<16xi32>
    %mul3A_2168 = arith.constant 512 : i32
    %mul3A_2169 = vector.broadcast %mul3A_2168 : i32 to vector<16xi32>
    %mul3A_2170 = arith.muli %get3A_2167, %mul3A_2169 : vector<16xi32>
    %get3A_2171 = arith.constant 6 : i32
    %get3A_2172 = arith.index_cast %get3A_2171 : i32 to index
    %get3A_2173 = arith.constant 112 : index
    %get3A_2174 = tpu.vector_load %arg7[%get3A_2172, %get3A_2173] {strides = array<i32>} : memref<8x128xi32, #tpu.memory_space<vmem>>, vector<1x16xi32>,
    %get3A_2175 = vector.shape_cast %get3A_2174 : vector<1x16xi32> to vector<16xi32>
    %add3A_2176 = arith.addi %mul3A_2170, %get3A_2175 : vector<16xi32>
    %swap3A_2177 = arith.constant 6 : i32
    %swap3A_2178 = arith.index_cast %swap3A_2177 : i32 to index
    %swap3A_2179 = arith.constant 112 : index
    %swap3A_2180 = tpu.vector_load %arg8[%swap3A_2178, %swap3A_2179] {strides = array<i32>} : memref<8x128xi32, #tpu.memory_space<vmem>>, vector<1x16xi32>,
    %swap3A_2181 = vector.shape_cast %swap3A_2180 : vector<1x16xi32> to vector<16xi32>
    %swap3A_2182 = vector.shape_cast %add3A_2176 : vector<16xi32> to vector<1x16xi32>
    tpu.vector_store %arg8[%swap3A_2178, %swap3A_2179], %swap3A_2182 {strides = array<i32>} : memref<8x128xi32, #tpu.memory_space<vmem>>, vector<1x16xi32>,
    %get3A_2183 = arith.constant 7 : i32
    %get3A_2184 = arith.index_cast %get3A_2183 : i32 to index
    %get3A_2185 = arith.constant 0 : index
    %get3A_2186 = tpu.vector_load %arg6[%get3A_2184, %get3A_2185] {strides = array<i32>} : memref<8x128xi32, #tpu.memory_space<vmem>>, vector<1x16xi32>,
    %get3A_2187 = vector.shape_cast %get3A_2186 : vector<1x16xi32> to vector<16xi32>
    %mul3A_2188 = arith.constant 512 : i32
    %mul3A_2189 = vector.broadcast %mul3A_2188 : i32 to vector<16xi32>
    %mul3A_2190 = arith.muli %get3A_2187, %mul3A_2189 : vector<16xi32>
    %get3A_2191 = arith.constant 7 : i32
    %get3A_2192 = arith.index_cast %get3A_2191 : i32 to index
    %get3A_2193 = arith.constant 0 : index
    %get3A_2194 = tpu.vector_load %arg7[%get3A_2192, %get3A_2193] {strides = array<i32>} : memref<8x128xi32, #tpu.memory_space<vmem>>, vector<1x16xi32>,
    %get3A_2195 = vector.shape_cast %get3A_2194 : vector<1x16xi32> to vector<16xi32>
    %add3A_2196 = arith.addi %mul3A_2190, %get3A_2195 : vector<16xi32>
    %swap3A_2197 = arith.constant 7 : i32
    %swap3A_2198 = arith.index_cast %swap3A_2197 : i32 to index
    %swap3A_2199 = arith.constant 0 : index
    %swap3A_2200 = tpu.vector_load %arg8[%swap3A_2198, %swap3A_2199] {strides = array<i32>} : memref<8x128xi32, #tpu.memory_space<vmem>>, vector<1x16xi32>,
    %swap3A_2201 = vector.shape_cast %swap3A_2200 : vector<1x16xi32> to vector<16xi32>
    %swap3A_2202 = vector.shape_cast %add3A_2196 : vector<16xi32> to vector<1x16xi32>
    tpu.vector_store %arg8[%swap3A_2198, %swap3A_2199], %swap3A_2202 {strides = array<i32>} : memref<8x128xi32, #tpu.memory_space<vmem>>, vector<1x16xi32>,
    %get3A_2203 = arith.constant 7 : i32
    %get3A_2204 = arith.index_cast %get3A_2203 : i32 to index
    %get3A_2205 = arith.constant 16 : index
    %get3A_2206 = tpu.vector_load %arg6[%get3A_2204, %get3A_2205] {strides = array<i32>} : memref<8x128xi32, #tpu.memory_space<vmem>>, vector<1x16xi32>,
    %get3A_2207 = vector.shape_cast %get3A_2206 : vector<1x16xi32> to vector<16xi32>
    %mul3A_2208 = arith.constant 512 : i32
    %mul3A_2209 = vector.broadcast %mul3A_2208 : i32 to vector<16xi32>
    %mul3A_2210 = arith.muli %get3A_2207, %mul3A_2209 : vector<16xi32>
    %get3A_2211 = arith.constant 7 : i32
    %get3A_2212 = arith.index_cast %get3A_2211 : i32 to index
    %get3A_2213 = arith.constant 16 : index
    %get3A_2214 = tpu.vector_load %arg7[%get3A_2212, %get3A_2213] {strides = array<i32>} : memref<8x128xi32, #tpu.memory_space<vmem>>, vector<1x16xi32>,
    %get3A_2215 = vector.shape_cast %get3A_2214 : vector<1x16xi32> to vector<16xi32>
    %add3A_2216 = arith.addi %mul3A_2210, %get3A_2215 : vector<16xi32>
    %swap3A_2217 = arith.constant 7 : i32
    %swap3A_2218 = arith.index_cast %swap3A_2217 : i32 to index
    %swap3A_2219 = arith.constant 16 : index
    %swap3A_2220 = tpu.vector_load %arg8[%swap3A_2218, %swap3A_2219] {strides = array<i32>} : memref<8x128xi32, #tpu.memory_space<vmem>>, vector<1x16xi32>,
    %swap3A_2221 = vector.shape_cast %swap3A_2220 : vector<1x16xi32> to vector<16xi32>
    %swap3A_2222 = vector.shape_cast %add3A_2216 : vector<16xi32> to vector<1x16xi32>
    tpu.vector_store %arg8[%swap3A_2218, %swap3A_2219], %swap3A_2222 {strides = array<i32>} : memref<8x128xi32, #tpu.memory_space<vmem>>, vector<1x16xi32>,
    %get3A_2223 = arith.constant 7 : i32
    %get3A_2224 = arith.index_cast %get3A_2223 : i32 to index
    %get3A_2225 = arith.constant 32 : index
    %get3A_2226 = tpu.vector_load %arg6[%get3A_2224, %get3A_2225] {strides = array<i32>} : memref<8x128xi32, #tpu.memory_space<vmem>>, vector<1x16xi32>,
    %get3A_2227 = vector.shape_cast %get3A_2226 : vector<1x16xi32> to vector<16xi32>
    %mul3A_2228 = arith.constant 512 : i32
    %mul3A_2229 = vector.broadcast %mul3A_2228 : i32 to vector<16xi32>
    %mul3A_2230 = arith.muli %get3A_2227, %mul3A_2229 : vector<16xi32>
    %get3A_2231 = arith.constant 7 : i32
    %get3A_2232 = arith.index_cast %get3A_2231 : i32 to index
    %get3A_2233 = arith.constant 32 : index
    %get3A_2234 = tpu.vector_load %arg7[%get3A_2232, %get3A_2233] {strides = array<i32>} : memref<8x128xi32, #tpu.memory_space<vmem>>, vector<1x16xi32>,
    %get3A_2235 = vector.shape_cast %get3A_2234 : vector<1x16xi32> to vector<16xi32>
    %add3A_2236 = arith.addi %mul3A_2230, %get3A_2235 : vector<16xi32>
    %swap3A_2237 = arith.constant 7 : i32
    %swap3A_2238 = arith.index_cast %swap3A_2237 : i32 to index
    %swap3A_2239 = arith.constant 32 : index
    %swap3A_2240 = tpu.vector_load %arg8[%swap3A_2238, %swap3A_2239] {strides = array<i32>} : memref<8x128xi32, #tpu.memory_space<vmem>>, vector<1x16xi32>,
    %swap3A_2241 = vector.shape_cast %swap3A_2240 : vector<1x16xi32> to vector<16xi32>
    %swap3A_2242 = vector.shape_cast %add3A_2236 : vector<16xi32> to vector<1x16xi32>
    tpu.vector_store %arg8[%swap3A_2238, %swap3A_2239], %swap3A_2242 {strides = array<i32>} : memref<8x128xi32, #tpu.memory_space<vmem>>, vector<1x16xi32>,
    %get3A_2243 = arith.constant 7 : i32
    %get3A_2244 = arith.index_cast %get3A_2243 : i32 to index
    %get3A_2245 = arith.constant 48 : index
    %get3A_2246 = tpu.vector_load %arg6[%get3A_2244, %get3A_2245] {strides = array<i32>} : memref<8x128xi32, #tpu.memory_space<vmem>>, vector<1x16xi32>,
    %get3A_2247 = vector.shape_cast %get3A_2246 : vector<1x16xi32> to vector<16xi32>
    %mul3A_2248 = arith.constant 512 : i32
    %mul3A_2249 = vector.broadcast %mul3A_2248 : i32 to vector<16xi32>
    %mul3A_2250 = arith.muli %get3A_2247, %mul3A_2249 : vector<16xi32>
    %get3A_2251 = arith.constant 7 : i32
    %get3A_2252 = arith.index_cast %get3A_2251 : i32 to index
    %get3A_2253 = arith.constant 48 : index
    %get3A_2254 = tpu.vector_load %arg7[%get3A_2252, %get3A_2253] {strides = array<i32>} : memref<8x128xi32, #tpu.memory_space<vmem>>, vector<1x16xi32>,
    %get3A_2255 = vector.shape_cast %get3A_2254 : vector<1x16xi32> to vector<16xi32>
    %add3A_2256 = arith.addi %mul3A_2250, %get3A_2255 : vector<16xi32>
    %swap3A_2257 = arith.constant 7 : i32
    %swap3A_2258 = arith.index_cast %swap3A_2257 : i32 to index
    %swap3A_2259 = arith.constant 48 : index
    %swap3A_2260 = tpu.vector_load %arg8[%swap3A_2258, %swap3A_2259] {strides = array<i32>} : memref<8x128xi32, #tpu.memory_space<vmem>>, vector<1x16xi32>,
    %swap3A_2261 = vector.shape_cast %swap3A_2260 : vector<1x16xi32> to vector<16xi32>
    %swap3A_2262 = vector.shape_cast %add3A_2256 : vector<16xi32> to vector<1x16xi32>
    tpu.vector_store %arg8[%swap3A_2258, %swap3A_2259], %swap3A_2262 {strides = array<i32>} : memref<8x128xi32, #tpu.memory_space<vmem>>, vector<1x16xi32>,
    %get3A_2263 = arith.constant 7 : i32
    %get3A_2264 = arith.index_cast %get3A_2263 : i32 to index
    %get3A_2265 = arith.constant 64 : index
    %get3A_2266 = tpu.vector_load %arg6[%get3A_2264, %get3A_2265] {strides = array<i32>} : memref<8x128xi32, #tpu.memory_space<vmem>>, vector<1x16xi32>,
    %get3A_2267 = vector.shape_cast %get3A_2266 : vector<1x16xi32> to vector<16xi32>
    %mul3A_2268 = arith.constant 512 : i32
    %mul3A_2269 = vector.broadcast %mul3A_2268 : i32 to vector<16xi32>
    %mul3A_2270 = arith.muli %get3A_2267, %mul3A_2269 : vector<16xi32>
    %get3A_2271 = arith.constant 7 : i32
    %get3A_2272 = arith.index_cast %get3A_2271 : i32 to index
    %get3A_2273 = arith.constant 64 : index
    %get3A_2274 = tpu.vector_load %arg7[%get3A_2272, %get3A_2273] {strides = array<i32>} : memref<8x128xi32, #tpu.memory_space<vmem>>, vector<1x16xi32>,
    %get3A_2275 = vector.shape_cast %get3A_2274 : vector<1x16xi32> to vector<16xi32>
    %add3A_2276 = arith.addi %mul3A_2270, %get3A_2275 : vector<16xi32>
    %swap3A_2277 = arith.constant 7 : i32
    %swap3A_2278 = arith.index_cast %swap3A_2277 : i32 to index
    %swap3A_2279 = arith.constant 64 : index
    %swap3A_2280 = tpu.vector_load %arg8[%swap3A_2278, %swap3A_2279] {strides = array<i32>} : memref<8x128xi32, #tpu.memory_space<vmem>>, vector<1x16xi32>,
    %swap3A_2281 = vector.shape_cast %swap3A_2280 : vector<1x16xi32> to vector<16xi32>
    %swap3A_2282 = vector.shape_cast %add3A_2276 : vector<16xi32> to vector<1x16xi32>
    tpu.vector_store %arg8[%swap3A_2278, %swap3A_2279], %swap3A_2282 {strides = array<i32>} : memref<8x128xi32, #tpu.memory_space<vmem>>, vector<1x16xi32>,
    %get3A_2283 = arith.constant 7 : i32
    %get3A_2284 = arith.index_cast %get3A_2283 : i32 to index
    %get3A_2285 = arith.constant 80 : index
    %get3A_2286 = tpu.vector_load %arg6[%get3A_2284, %get3A_2285] {strides = array<i32>} : memref<8x128xi32, #tpu.memory_space<vmem>>, vector<1x16xi32>,
    %get3A_2287 = vector.shape_cast %get3A_2286 : vector<1x16xi32> to vector<16xi32>
    %mul3A_2288 = arith.constant 512 : i32
    %mul3A_2289 = vector.broadcast %mul3A_2288 : i32 to vector<16xi32>
    %mul3A_2290 = arith.muli %get3A_2287, %mul3A_2289 : vector<16xi32>
    %get3A_2291 = arith.constant 7 : i32
    %get3A_2292 = arith.index_cast %get3A_2291 : i32 to index
    %get3A_2293 = arith.constant 80 : index
    %get3A_2294 = tpu.vector_load %arg7[%get3A_2292, %get3A_2293] {strides = array<i32>} : memref<8x128xi32, #tpu.memory_space<vmem>>, vector<1x16xi32>,
    %get3A_2295 = vector.shape_cast %get3A_2294 : vector<1x16xi32> to vector<16xi32>
    %add3A_2296 = arith.addi %mul3A_2290, %get3A_2295 : vector<16xi32>
    %swap3A_2297 = arith.constant 7 : i32
    %swap3A_2298 = arith.index_cast %swap3A_2297 : i32 to index
    %swap3A_2299 = arith.constant 80 : index
    %swap3A_2300 = tpu.vector_load %arg8[%swap3A_2298, %swap3A_2299] {strides = array<i32>} : memref<8x128xi32, #tpu.memory_space<vmem>>, vector<1x16xi32>,
    %swap3A_2301 = vector.shape_cast %swap3A_2300 : vector<1x16xi32> to vector<16xi32>
    %swap3A_2302 = vector.shape_cast %add3A_2296 : vector<16xi32> to vector<1x16xi32>
    tpu.vector_store %arg8[%swap3A_2298, %swap3A_2299], %swap3A_2302 {strides = array<i32>} : memref<8x128xi32, #tpu.memory_space<vmem>>, vector<1x16xi32>,
    %get3A_2303 = arith.constant 7 : i32
    %get3A_2304 = arith.index_cast %get3A_2303 : i32 to index
    %get3A_2305 = arith.constant 96 : index
    %get3A_2306 = tpu.vector_load %arg6[%get3A_2304, %get3A_2305] {strides = array<i32>} : memref<8x128xi32, #tpu.memory_space<vmem>>, vector<1x16xi32>,
    %get3A_2307 = vector.shape_cast %get3A_2306 : vector<1x16xi32> to vector<16xi32>
    %mul3A_2308 = arith.constant 512 : i32
    %mul3A_2309 = vector.broadcast %mul3A_2308 : i32 to vector<16xi32>
    %mul3A_2310 = arith.muli %get3A_2307, %mul3A_2309 : vector<16xi32>
    %get3A_2311 = arith.constant 7 : i32
    %get3A_2312 = arith.index_cast %get3A_2311 : i32 to index
    %get3A_2313 = arith.constant 96 : index
    %get3A_2314 = tpu.vector_load %arg7[%get3A_2312, %get3A_2313] {strides = array<i32>} : memref<8x128xi32, #tpu.memory_space<vmem>>, vector<1x16xi32>,
    %get3A_2315 = vector.shape_cast %get3A_2314 : vector<1x16xi32> to vector<16xi32>
    %add3A_2316 = arith.addi %mul3A_2310, %get3A_2315 : vector<16xi32>
    %swap3A_2317 = arith.constant 7 : i32
    %swap3A_2318 = arith.index_cast %swap3A_2317 : i32 to index
    %swap3A_2319 = arith.constant 96 : index
    %swap3A_2320 = tpu.vector_load %arg8[%swap3A_2318, %swap3A_2319] {strides = array<i32>} : memref<8x128xi32, #tpu.memory_space<vmem>>, vector<1x16xi32>,
    %swap3A_2321 = vector.shape_cast %swap3A_2320 : vector<1x16xi32> to vector<16xi32>
    %swap3A_2322 = vector.shape_cast %add3A_2316 : vector<16xi32> to vector<1x16xi32>
    tpu.vector_store %arg8[%swap3A_2318, %swap3A_2319], %swap3A_2322 {strides = array<i32>} : memref<8x128xi32, #tpu.memory_space<vmem>>, vector<1x16xi32>,
    %get3A_2323 = arith.constant 7 : i32
    %get3A_2324 = arith.index_cast %get3A_2323 : i32 to index
    %get3A_2325 = arith.constant 112 : index
    %get3A_2326 = tpu.vector_load %arg6[%get3A_2324, %get3A_2325] {strides = array<i32>} : memref<8x128xi32, #tpu.memory_space<vmem>>, vector<1x16xi32>,
    %get3A_2327 = vector.shape_cast %get3A_2326 : vector<1x16xi32> to vector<16xi32>
    %mul3A_2328 = arith.constant 512 : i32
    %mul3A_2329 = vector.broadcast %mul3A_2328 : i32 to vector<16xi32>
    %mul3A_2330 = arith.muli %get3A_2327, %mul3A_2329 : vector<16xi32>
    %get3A_2331 = arith.constant 7 : i32
    %get3A_2332 = arith.index_cast %get3A_2331 : i32 to index
    %get3A_2333 = arith.constant 112 : index
    %get3A_2334 = tpu.vector_load %arg7[%get3A_2332, %get3A_2333] {strides = array<i32>} : memref<8x128xi32, #tpu.memory_space<vmem>>, vector<1x16xi32>,
    %get3A_2335 = vector.shape_cast %get3A_2334 : vector<1x16xi32> to vector<16xi32>
    %add3A_2336 = arith.addi %mul3A_2330, %get3A_2335 : vector<16xi32>
    %swap3A_2337 = arith.constant 7 : i32
    %swap3A_2338 = arith.index_cast %swap3A_2337 : i32 to index
    %swap3A_2339 = arith.constant 112 : index
    %swap3A_2340 = tpu.vector_load %arg8[%swap3A_2338, %swap3A_2339] {strides = array<i32>} : memref<8x128xi32, #tpu.memory_space<vmem>>, vector<1x16xi32>,
    %swap3A_2341 = vector.shape_cast %swap3A_2340 : vector<1x16xi32> to vector<16xi32>
    %swap3A_2342 = vector.shape_cast %add3A_2336 : vector<16xi32> to vector<1x16xi32>
    tpu.vector_store %arg8[%swap3A_2338, %swap3A_2339], %swap3A_2342 {strides = array<i32>} : memref<8x128xi32, #tpu.memory_space<vmem>>, vector<1x16xi32>,
    %dma_wait3A_2343 = tpu.memref_slice %arg5[%add3A_1038] : memref<262144xf32, #tpu.memory_space<hbm>> -> memref<4096xf32, #tpu.memory_space<hbm>>
    %dma_wait3A_2344 = tpu.memref_slice %arg5[%add3A_1038] : memref<262144xf32, #tpu.memory_space<hbm>> -> memref<4096xf32, #tpu.memory_space<hbm>>
    tpu.wait_dma2 semaphore(%arg12 : memref<!tpu.dma_semaphore, #tpu.memory_space<semaphore_mem>>) src(%arg10 : memref<4096xf32, #tpu.memory_space<vmem>>) dst(%dma_wait3A_2344 : memref<4096xf32, #tpu.memory_space<hbm>>)
    %dma_wait3A_2345 = tpu.memref_slice %arg5[%add3A_1042] : memref<262144xf32, #tpu.memory_space<hbm>> -> memref<4096xf32, #tpu.memory_space<hbm>>
    %dma_wait3A_2346 = tpu.memref_slice %arg5[%add3A_1042] : memref<262144xf32, #tpu.memory_space<hbm>> -> memref<4096xf32, #tpu.memory_space<hbm>>
    tpu.wait_dma2 semaphore(%arg12 : memref<!tpu.dma_semaphore, #tpu.memory_space<semaphore_mem>>) src(%arg10 : memref<4096xf32, #tpu.memory_space<vmem>>) dst(%dma_wait3A_2346 : memref<4096xf32, #tpu.memory_space<hbm>>)
    %dma_wait3A_2347 = tpu.memref_slice %arg5[%add3A_1046] : memref<262144xf32, #tpu.memory_space<hbm>> -> memref<4096xf32, #tpu.memory_space<hbm>>
    %dma_wait3A_2348 = tpu.memref_slice %arg5[%add3A_1046] : memref<262144xf32, #tpu.memory_space<hbm>> -> memref<4096xf32, #tpu.memory_space<hbm>>
    tpu.wait_dma2 semaphore(%arg12 : memref<!tpu.dma_semaphore, #tpu.memory_space<semaphore_mem>>) src(%arg10 : memref<4096xf32, #tpu.memory_space<vmem>>) dst(%dma_wait3A_2348 : memref<4096xf32, #tpu.memory_space<hbm>>)
    %dma_wait3A_2349 = tpu.memref_slice %arg5[%add3A_1050] : memref<262144xf32, #tpu.memory_space<hbm>> -> memref<4096xf32, #tpu.memory_space<hbm>>
    %dma_wait3A_2350 = tpu.memref_slice %arg5[%add3A_1050] : memref<262144xf32, #tpu.memory_space<hbm>> -> memref<4096xf32, #tpu.memory_space<hbm>>
    tpu.wait_dma2 semaphore(%arg12 : memref<!tpu.dma_semaphore, #tpu.memory_space<semaphore_mem>>) src(%arg10 : memref<4096xf32, #tpu.memory_space<vmem>>) dst(%dma_wait3A_2350 : memref<4096xf32, #tpu.memory_space<hbm>>)
    %barrier3A = arith.constant 0 : index
    tpu.barrier barrier_id(%barrier3A)
    %dma_start3A_2351 = arith.constant 0 : i32
    %dma_start3A_2352 = arith.constant 0 : i32
    %dma_start3A_2353 = arith.constant 0 : i32
    %dma_start3A_2354 = tpu.memref_slice %arg9[%dma_start3A_2351, %dma_start3A_2353] : memref<8x128xf32, #tpu.memory_space<vmem>> -> memref<1x128xf32, #tpu.memory_space<vmem>>
    %dma_start3A_2355 = tpu.memref_squeeze %dma_start3A_2354 : memref<1x128xf32, #tpu.memory_space<vmem>> -> memref<128xf32, #tpu.memory_space<vmem>>
    %dma_start3A_2356 = arith.constant 0 : i32
    %dma_start3A_2357 = tpu.memref_slice %arg8[%dma_start3A_2352, %dma_start3A_2356] : memref<8x128xi32, #tpu.memory_space<vmem>> -> memref<1x128xi32, #tpu.memory_space<vmem>>
    %dma_start3A_2358 = tpu.memref_squeeze %dma_start3A_2357 : memref<1x128xi32, #tpu.memory_space<vmem>> -> memref<128xi32, #tpu.memory_space<vmem>>
    %dma_start3A_2359 = arith.constant 0 : i32
    %dma_start3A_2360 = tpu.memref_slice %arg5[%dma_start3A_2359] : memref<262144xf32, #tpu.memory_space<hbm>> -> memref<262144xf32, #tpu.memory_space<hbm>>
    tpu.enqueue_indirect_dma source(%dma_start3A_2355 : memref<128xf32, #tpu.memory_space<vmem>>) target(%dma_start3A_2360 : memref<262144xf32, #tpu.memory_space<hbm>>) offsets(%dma_start3A_2358 : memref<128xi32, #tpu.memory_space<vmem>>) semaphore(%arg11 : memref<!tpu.dma_semaphore, #tpu.memory_space<semaphore_mem>>)
    %dma_start3A_2361 = arith.constant 1 : i32
    %dma_start3A_2362 = arith.constant 1 : i32
    %dma_start3A_2363 = arith.constant 0 : i32
    %dma_start3A_2364 = tpu.memref_slice %arg9[%dma_start3A_2361, %dma_start3A_2363] : memref<8x128xf32, #tpu.memory_space<vmem>> -> memref<1x128xf32, #tpu.memory_space<vmem>>
    %dma_start3A_2365 = tpu.memref_squeeze %dma_start3A_2364 : memref<1x128xf32, #tpu.memory_space<vmem>> -> memref<128xf32, #tpu.memory_space<vmem>>
    %dma_start3A_2366 = arith.constant 0 : i32
    %dma_start3A_2367 = tpu.memref_slice %arg8[%dma_start3A_2362, %dma_start3A_2366] : memref<8x128xi32, #tpu.memory_space<vmem>> -> memref<1x128xi32, #tpu.memory_space<vmem>>
    %dma_start3A_2368 = tpu.memref_squeeze %dma_start3A_2367 : memref<1x128xi32, #tpu.memory_space<vmem>> -> memref<128xi32, #tpu.memory_space<vmem>>
    %dma_start3A_2369 = arith.constant 0 : i32
    %dma_start3A_2370 = tpu.memref_slice %arg5[%dma_start3A_2369] : memref<262144xf32, #tpu.memory_space<hbm>> -> memref<262144xf32, #tpu.memory_space<hbm>>
    tpu.enqueue_indirect_dma source(%dma_start3A_2365 : memref<128xf32, #tpu.memory_space<vmem>>) target(%dma_start3A_2370 : memref<262144xf32, #tpu.memory_space<hbm>>) offsets(%dma_start3A_2368 : memref<128xi32, #tpu.memory_space<vmem>>) semaphore(%arg11 : memref<!tpu.dma_semaphore, #tpu.memory_space<semaphore_mem>>)
    %dma_start3A_2371 = arith.constant 2 : i32
    %dma_start3A_2372 = arith.constant 2 : i32
    %dma_start3A_2373 = arith.constant 0 : i32
    %dma_start3A_2374 = tpu.memref_slice %arg9[%dma_start3A_2371, %dma_start3A_2373] : memref<8x128xf32, #tpu.memory_space<vmem>> -> memref<1x128xf32, #tpu.memory_space<vmem>>
    %dma_start3A_2375 = tpu.memref_squeeze %dma_start3A_2374 : memref<1x128xf32, #tpu.memory_space<vmem>> -> memref<128xf32, #tpu.memory_space<vmem>>
    %dma_start3A_2376 = arith.constant 0 : i32
    %dma_start3A_2377 = tpu.memref_slice %arg8[%dma_start3A_2372, %dma_start3A_2376] : memref<8x128xi32, #tpu.memory_space<vmem>> -> memref<1x128xi32, #tpu.memory_space<vmem>>
    %dma_start3A_2378 = tpu.memref_squeeze %dma_start3A_2377 : memref<1x128xi32, #tpu.memory_space<vmem>> -> memref<128xi32, #tpu.memory_space<vmem>>
    %dma_start3A_2379 = arith.constant 0 : i32
    %dma_start3A_2380 = tpu.memref_slice %arg5[%dma_start3A_2379] : memref<262144xf32, #tpu.memory_space<hbm>> -> memref<262144xf32, #tpu.memory_space<hbm>>
    tpu.enqueue_indirect_dma source(%dma_start3A_2375 : memref<128xf32, #tpu.memory_space<vmem>>) target(%dma_start3A_2380 : memref<262144xf32, #tpu.memory_space<hbm>>) offsets(%dma_start3A_2378 : memref<128xi32, #tpu.memory_space<vmem>>) semaphore(%arg11 : memref<!tpu.dma_semaphore, #tpu.memory_space<semaphore_mem>>)
    %dma_start3A_2381 = arith.constant 3 : i32
    %dma_start3A_2382 = arith.constant 3 : i32
    %dma_start3A_2383 = arith.constant 0 : i32
    %dma_start3A_2384 = tpu.memref_slice %arg9[%dma_start3A_2381, %dma_start3A_2383] : memref<8x128xf32, #tpu.memory_space<vmem>> -> memref<1x128xf32, #tpu.memory_space<vmem>>
    %dma_start3A_2385 = tpu.memref_squeeze %dma_start3A_2384 : memref<1x128xf32, #tpu.memory_space<vmem>> -> memref<128xf32, #tpu.memory_space<vmem>>
    %dma_start3A_2386 = arith.constant 0 : i32
    %dma_start3A_2387 = tpu.memref_slice %arg8[%dma_start3A_2382, %dma_start3A_2386] : memref<8x128xi32, #tpu.memory_space<vmem>> -> memref<1x128xi32, #tpu.memory_space<vmem>>
    %dma_start3A_2388 = tpu.memref_squeeze %dma_start3A_2387 : memref<1x128xi32, #tpu.memory_space<vmem>> -> memref<128xi32, #tpu.memory_space<vmem>>
    %dma_start3A_2389 = arith.constant 0 : i32
    %dma_start3A_2390 = tpu.memref_slice %arg5[%dma_start3A_2389] : memref<262144xf32, #tpu.memory_space<hbm>> -> memref<262144xf32, #tpu.memory_space<hbm>>
    tpu.enqueue_indirect_dma source(%dma_start3A_2385 : memref<128xf32, #tpu.memory_space<vmem>>) target(%dma_start3A_2390 : memref<262144xf32, #tpu.memory_space<hbm>>) offsets(%dma_start3A_2388 : memref<128xi32, #tpu.memory_space<vmem>>) semaphore(%arg11 : memref<!tpu.dma_semaphore, #tpu.memory_space<semaphore_mem>>)
    %dma_start3A_2391 = arith.constant 4 : i32
    %dma_start3A_2392 = arith.constant 4 : i32
    %dma_start3A_2393 = arith.constant 0 : i32
    %dma_start3A_2394 = tpu.memref_slice %arg9[%dma_start3A_2391, %dma_start3A_2393] : memref<8x128xf32, #tpu.memory_space<vmem>> -> memref<1x128xf32, #tpu.memory_space<vmem>>
    %dma_start3A_2395 = tpu.memref_squeeze %dma_start3A_2394 : memref<1x128xf32, #tpu.memory_space<vmem>> -> memref<128xf32, #tpu.memory_space<vmem>>
    %dma_start3A_2396 = arith.constant 0 : i32
    %dma_start3A_2397 = tpu.memref_slice %arg8[%dma_start3A_2392, %dma_start3A_2396] : memref<8x128xi32, #tpu.memory_space<vmem>> -> memref<1x128xi32, #tpu.memory_space<vmem>>
    %dma_start3A_2398 = tpu.memref_squeeze %dma_start3A_2397 : memref<1x128xi32, #tpu.memory_space<vmem>> -> memref<128xi32, #tpu.memory_space<vmem>>
    %dma_start3A_2399 = arith.constant 0 : i32
    %dma_start3A_2400 = tpu.memref_slice %arg5[%dma_start3A_2399] : memref<262144xf32, #tpu.memory_space<hbm>> -> memref<262144xf32, #tpu.memory_space<hbm>>
    tpu.enqueue_indirect_dma source(%dma_start3A_2395 : memref<128xf32, #tpu.memory_space<vmem>>) target(%dma_start3A_2400 : memref<262144xf32, #tpu.memory_space<hbm>>) offsets(%dma_start3A_2398 : memref<128xi32, #tpu.memory_space<vmem>>) semaphore(%arg11 : memref<!tpu.dma_semaphore, #tpu.memory_space<semaphore_mem>>)
    %dma_start3A_2401 = arith.constant 5 : i32
    %dma_start3A_2402 = arith.constant 5 : i32
    %dma_start3A_2403 = arith.constant 0 : i32
    %dma_start3A_2404 = tpu.memref_slice %arg9[%dma_start3A_2401, %dma_start3A_2403] : memref<8x128xf32, #tpu.memory_space<vmem>> -> memref<1x128xf32, #tpu.memory_space<vmem>>
    %dma_start3A_2405 = tpu.memref_squeeze %dma_start3A_2404 : memref<1x128xf32, #tpu.memory_space<vmem>> -> memref<128xf32, #tpu.memory_space<vmem>>
    %dma_start3A_2406 = arith.constant 0 : i32
    %dma_start3A_2407 = tpu.memref_slice %arg8[%dma_start3A_2402, %dma_start3A_2406] : memref<8x128xi32, #tpu.memory_space<vmem>> -> memref<1x128xi32, #tpu.memory_space<vmem>>
    %dma_start3A_2408 = tpu.memref_squeeze %dma_start3A_2407 : memref<1x128xi32, #tpu.memory_space<vmem>> -> memref<128xi32, #tpu.memory_space<vmem>>
    %dma_start3A_2409 = arith.constant 0 : i32
    %dma_start3A_2410 = tpu.memref_slice %arg5[%dma_start3A_2409] : memref<262144xf32, #tpu.memory_space<hbm>> -> memref<262144xf32, #tpu.memory_space<hbm>>
    tpu.enqueue_indirect_dma source(%dma_start3A_2405 : memref<128xf32, #tpu.memory_space<vmem>>) target(%dma_start3A_2410 : memref<262144xf32, #tpu.memory_space<hbm>>) offsets(%dma_start3A_2408 : memref<128xi32, #tpu.memory_space<vmem>>) semaphore(%arg11 : memref<!tpu.dma_semaphore, #tpu.memory_space<semaphore_mem>>)
    %dma_start3A_2411 = arith.constant 6 : i32
    %dma_start3A_2412 = arith.constant 6 : i32
    %dma_start3A_2413 = arith.constant 0 : i32
    %dma_start3A_2414 = tpu.memref_slice %arg9[%dma_start3A_2411, %dma_start3A_2413] : memref<8x128xf32, #tpu.memory_space<vmem>> -> memref<1x128xf32, #tpu.memory_space<vmem>>
    %dma_start3A_2415 = tpu.memref_squeeze %dma_start3A_2414 : memref<1x128xf32, #tpu.memory_space<vmem>> -> memref<128xf32, #tpu.memory_space<vmem>>
    %dma_start3A_2416 = arith.constant 0 : i32
    %dma_start3A_2417 = tpu.memref_slice %arg8[%dma_start3A_2412, %dma_start3A_2416] : memref<8x128xi32, #tpu.memory_space<vmem>> -> memref<1x128xi32, #tpu.memory_space<vmem>>
    %dma_start3A_2418 = tpu.memref_squeeze %dma_start3A_2417 : memref<1x128xi32, #tpu.memory_space<vmem>> -> memref<128xi32, #tpu.memory_space<vmem>>
    %dma_start3A_2419 = arith.constant 0 : i32
    %dma_start3A_2420 = tpu.memref_slice %arg5[%dma_start3A_2419] : memref<262144xf32, #tpu.memory_space<hbm>> -> memref<262144xf32, #tpu.memory_space<hbm>>
    tpu.enqueue_indirect_dma source(%dma_start3A_2415 : memref<128xf32, #tpu.memory_space<vmem>>) target(%dma_start3A_2420 : memref<262144xf32, #tpu.memory_space<hbm>>) offsets(%dma_start3A_2418 : memref<128xi32, #tpu.memory_space<vmem>>) semaphore(%arg11 : memref<!tpu.dma_semaphore, #tpu.memory_space<semaphore_mem>>)
    %dma_start3A_2421 = arith.constant 7 : i32
    %dma_start3A_2422 = arith.constant 7 : i32
    %dma_start3A_2423 = arith.constant 0 : i32
    %dma_start3A_2424 = tpu.memref_slice %arg9[%dma_start3A_2421, %dma_start3A_2423] : memref<8x128xf32, #tpu.memory_space<vmem>> -> memref<1x128xf32, #tpu.memory_space<vmem>>
    %dma_start3A_2425 = tpu.memref_squeeze %dma_start3A_2424 : memref<1x128xf32, #tpu.memory_space<vmem>> -> memref<128xf32, #tpu.memory_space<vmem>>
    %dma_start3A_2426 = arith.constant 0 : i32
    %dma_start3A_2427 = tpu.memref_slice %arg8[%dma_start3A_2422, %dma_start3A_2426] : memref<8x128xi32, #tpu.memory_space<vmem>> -> memref<1x128xi32, #tpu.memory_space<vmem>>
    %dma_start3A_2428 = tpu.memref_squeeze %dma_start3A_2427 : memref<1x128xi32, #tpu.memory_space<vmem>> -> memref<128xi32, #tpu.memory_space<vmem>>
    %dma_start3A_2429 = arith.constant 0 : i32
    %dma_start3A_2430 = tpu.memref_slice %arg5[%dma_start3A_2429] : memref<262144xf32, #tpu.memory_space<hbm>> -> memref<262144xf32, #tpu.memory_space<hbm>>
    tpu.enqueue_indirect_dma source(%dma_start3A_2425 : memref<128xf32, #tpu.memory_space<vmem>>) target(%dma_start3A_2430 : memref<262144xf32, #tpu.memory_space<hbm>>) offsets(%dma_start3A_2428 : memref<128xi32, #tpu.memory_space<vmem>>) semaphore(%arg11 : memref<!tpu.dma_semaphore, #tpu.memory_space<semaphore_mem>>)
    %dma_wait3A_2431 = arith.constant 0 : i32
    %dma_wait3A_2432 = arith.constant 0 : i32
    %dma_wait3A_2433 = arith.constant 0 : i32
    %dma_wait3A_2434 = tpu.memref_slice %arg9[%dma_wait3A_2431, %dma_wait3A_2433] : memref<8x128xf32, #tpu.memory_space<vmem>> -> memref<1x128xf32, #tpu.memory_space<vmem>>
    %dma_wait3A_2435 = tpu.memref_squeeze %dma_wait3A_2434 : memref<1x128xf32, #tpu.memory_space<vmem>> -> memref<128xf32, #tpu.memory_space<vmem>>
    %dma_wait3A_2436 = arith.constant 0 : i32
    %dma_wait3A_2437 = tpu.memref_slice %arg8[%dma_wait3A_2432, %dma_wait3A_2436] : memref<8x128xi32, #tpu.memory_space<vmem>> -> memref<1x128xi32, #tpu.memory_space<vmem>>
    %dma_wait3A_2438 = tpu.memref_squeeze %dma_wait3A_2437 : memref<1x128xi32, #tpu.memory_space<vmem>> -> memref<128xi32, #tpu.memory_space<vmem>>
    %dma_wait3A_2439 = arith.constant 0 : i32
    %dma_wait3A_2440 = tpu.memref_slice %arg5[%dma_wait3A_2439] : memref<262144xf32, #tpu.memory_space<hbm>> -> memref<262144xf32, #tpu.memory_space<hbm>>
    tpu.wait_indirect_dma semaphore(%arg11 : memref<!tpu.dma_semaphore, #tpu.memory_space<semaphore_mem>>) src(%dma_wait3A_2435 : memref<128xf32, #tpu.memory_space<vmem>>) dst(%dma_wait3A_2440 : memref<262144xf32, #tpu.memory_space<hbm>>)
    %dma_wait3A_2441 = arith.constant 1 : i32
    %dma_wait3A_2442 = arith.constant 1 : i32
    %dma_wait3A_2443 = arith.constant 0 : i32
    %dma_wait3A_2444 = tpu.memref_slice %arg9[%dma_wait3A_2441, %dma_wait3A_2443] : memref<8x128xf32, #tpu.memory_space<vmem>> -> memref<1x128xf32, #tpu.memory_space<vmem>>
    %dma_wait3A_2445 = tpu.memref_squeeze %dma_wait3A_2444 : memref<1x128xf32, #tpu.memory_space<vmem>> -> memref<128xf32, #tpu.memory_space<vmem>>
    %dma_wait3A_2446 = arith.constant 0 : i32
    %dma_wait3A_2447 = tpu.memref_slice %arg8[%dma_wait3A_2442, %dma_wait3A_2446] : memref<8x128xi32, #tpu.memory_space<vmem>> -> memref<1x128xi32, #tpu.memory_space<vmem>>
    %dma_wait3A_2448 = tpu.memref_squeeze %dma_wait3A_2447 : memref<1x128xi32, #tpu.memory_space<vmem>> -> memref<128xi32, #tpu.memory_space<vmem>>
    %dma_wait3A_2449 = arith.constant 0 : i32
    %dma_wait3A_2450 = tpu.memref_slice %arg5[%dma_wait3A_2449] : memref<262144xf32, #tpu.memory_space<hbm>> -> memref<262144xf32, #tpu.memory_space<hbm>>
    tpu.wait_indirect_dma semaphore(%arg11 : memref<!tpu.dma_semaphore, #tpu.memory_space<semaphore_mem>>) src(%dma_wait3A_2445 : memref<128xf32, #tpu.memory_space<vmem>>) dst(%dma_wait3A_2450 : memref<262144xf32, #tpu.memory_space<hbm>>)
    %dma_wait3A_2451 = arith.constant 2 : i32
    %dma_wait3A_2452 = arith.constant 2 : i32
    %dma_wait3A_2453 = arith.constant 0 : i32
    %dma_wait3A_2454 = tpu.memref_slice %arg9[%dma_wait3A_2451, %dma_wait3A_2453] : memref<8x128xf32, #tpu.memory_space<vmem>> -> memref<1x128xf32, #tpu.memory_space<vmem>>
    %dma_wait3A_2455 = tpu.memref_squeeze %dma_wait3A_2454 : memref<1x128xf32, #tpu.memory_space<vmem>> -> memref<128xf32, #tpu.memory_space<vmem>>
    %dma_wait3A_2456 = arith.constant 0 : i32
    %dma_wait3A_2457 = tpu.memref_slice %arg8[%dma_wait3A_2452, %dma_wait3A_2456] : memref<8x128xi32, #tpu.memory_space<vmem>> -> memref<1x128xi32, #tpu.memory_space<vmem>>
    %dma_wait3A_2458 = tpu.memref_squeeze %dma_wait3A_2457 : memref<1x128xi32, #tpu.memory_space<vmem>> -> memref<128xi32, #tpu.memory_space<vmem>>
    %dma_wait3A_2459 = arith.constant 0 : i32
    %dma_wait3A_2460 = tpu.memref_slice %arg5[%dma_wait3A_2459] : memref<262144xf32, #tpu.memory_space<hbm>> -> memref<262144xf32, #tpu.memory_space<hbm>>
    tpu.wait_indirect_dma semaphore(%arg11 : memref<!tpu.dma_semaphore, #tpu.memory_space<semaphore_mem>>) src(%dma_wait3A_2455 : memref<128xf32, #tpu.memory_space<vmem>>) dst(%dma_wait3A_2460 : memref<262144xf32, #tpu.memory_space<hbm>>)
    %dma_wait3A_2461 = arith.constant 3 : i32
    %dma_wait3A_2462 = arith.constant 3 : i32
    %dma_wait3A_2463 = arith.constant 0 : i32
    %dma_wait3A_2464 = tpu.memref_slice %arg9[%dma_wait3A_2461, %dma_wait3A_2463] : memref<8x128xf32, #tpu.memory_space<vmem>> -> memref<1x128xf32, #tpu.memory_space<vmem>>
    %dma_wait3A_2465 = tpu.memref_squeeze %dma_wait3A_2464 : memref<1x128xf32, #tpu.memory_space<vmem>> -> memref<128xf32, #tpu.memory_space<vmem>>
    %dma_wait3A_2466 = arith.constant 0 : i32
    %dma_wait3A_2467 = tpu.memref_slice %arg8[%dma_wait3A_2462, %dma_wait3A_2466] : memref<8x128xi32, #tpu.memory_space<vmem>> -> memref<1x128xi32, #tpu.memory_space<vmem>>
    %dma_wait3A_2468 = tpu.memref_squeeze %dma_wait3A_2467 : memref<1x128xi32, #tpu.memory_space<vmem>> -> memref<128xi32, #tpu.memory_space<vmem>>
    %dma_wait3A_2469 = arith.constant 0 : i32
    %dma_wait3A_2470 = tpu.memref_slice %arg5[%dma_wait3A_2469] : memref<262144xf32, #tpu.memory_space<hbm>> -> memref<262144xf32, #tpu.memory_space<hbm>>
    tpu.wait_indirect_dma semaphore(%arg11 : memref<!tpu.dma_semaphore, #tpu.memory_space<semaphore_mem>>) src(%dma_wait3A_2465 : memref<128xf32, #tpu.memory_space<vmem>>) dst(%dma_wait3A_2470 : memref<262144xf32, #tpu.memory_space<hbm>>)
    %dma_wait3A_2471 = arith.constant 4 : i32
    %dma_wait3A_2472 = arith.constant 4 : i32
    %dma_wait3A_2473 = arith.constant 0 : i32
    %dma_wait3A_2474 = tpu.memref_slice %arg9[%dma_wait3A_2471, %dma_wait3A_2473] : memref<8x128xf32, #tpu.memory_space<vmem>> -> memref<1x128xf32, #tpu.memory_space<vmem>>
    %dma_wait3A_2475 = tpu.memref_squeeze %dma_wait3A_2474 : memref<1x128xf32, #tpu.memory_space<vmem>> -> memref<128xf32, #tpu.memory_space<vmem>>
    %dma_wait3A_2476 = arith.constant 0 : i32
    %dma_wait3A_2477 = tpu.memref_slice %arg8[%dma_wait3A_2472, %dma_wait3A_2476] : memref<8x128xi32, #tpu.memory_space<vmem>> -> memref<1x128xi32, #tpu.memory_space<vmem>>
    %dma_wait3A_2478 = tpu.memref_squeeze %dma_wait3A_2477 : memref<1x128xi32, #tpu.memory_space<vmem>> -> memref<128xi32, #tpu.memory_space<vmem>>
    %dma_wait3A_2479 = arith.constant 0 : i32
    %dma_wait3A_2480 = tpu.memref_slice %arg5[%dma_wait3A_2479] : memref<262144xf32, #tpu.memory_space<hbm>> -> memref<262144xf32, #tpu.memory_space<hbm>>
    tpu.wait_indirect_dma semaphore(%arg11 : memref<!tpu.dma_semaphore, #tpu.memory_space<semaphore_mem>>) src(%dma_wait3A_2475 : memref<128xf32, #tpu.memory_space<vmem>>) dst(%dma_wait3A_2480 : memref<262144xf32, #tpu.memory_space<hbm>>)
    %dma_wait3A_2481 = arith.constant 5 : i32
    %dma_wait3A_2482 = arith.constant 5 : i32
    %dma_wait3A_2483 = arith.constant 0 : i32
    %dma_wait3A_2484 = tpu.memref_slice %arg9[%dma_wait3A_2481, %dma_wait3A_2483] : memref<8x128xf32, #tpu.memory_space<vmem>> -> memref<1x128xf32, #tpu.memory_space<vmem>>
    %dma_wait3A_2485 = tpu.memref_squeeze %dma_wait3A_2484 : memref<1x128xf32, #tpu.memory_space<vmem>> -> memref<128xf32, #tpu.memory_space<vmem>>
    %dma_wait3A_2486 = arith.constant 0 : i32
    %dma_wait3A_2487 = tpu.memref_slice %arg8[%dma_wait3A_2482, %dma_wait3A_2486] : memref<8x128xi32, #tpu.memory_space<vmem>> -> memref<1x128xi32, #tpu.memory_space<vmem>>
    %dma_wait3A_2488 = tpu.memref_squeeze %dma_wait3A_2487 : memref<1x128xi32, #tpu.memory_space<vmem>> -> memref<128xi32, #tpu.memory_space<vmem>>
    %dma_wait3A_2489 = arith.constant 0 : i32
    %dma_wait3A_2490 = tpu.memref_slice %arg5[%dma_wait3A_2489] : memref<262144xf32, #tpu.memory_space<hbm>> -> memref<262144xf32, #tpu.memory_space<hbm>>
    tpu.wait_indirect_dma semaphore(%arg11 : memref<!tpu.dma_semaphore, #tpu.memory_space<semaphore_mem>>) src(%dma_wait3A_2485 : memref<128xf32, #tpu.memory_space<vmem>>) dst(%dma_wait3A_2490 : memref<262144xf32, #tpu.memory_space<hbm>>)
    %dma_wait3A_2491 = arith.constant 6 : i32
    %dma_wait3A_2492 = arith.constant 6 : i32
    %dma_wait3A_2493 = arith.constant 0 : i32
    %dma_wait3A_2494 = tpu.memref_slice %arg9[%dma_wait3A_2491, %dma_wait3A_2493] : memref<8x128xf32, #tpu.memory_space<vmem>> -> memref<1x128xf32, #tpu.memory_space<vmem>>
    %dma_wait3A_2495 = tpu.memref_squeeze %dma_wait3A_2494 : memref<1x128xf32, #tpu.memory_space<vmem>> -> memref<128xf32, #tpu.memory_space<vmem>>
    %dma_wait3A_2496 = arith.constant 0 : i32
    %dma_wait3A_2497 = tpu.memref_slice %arg8[%dma_wait3A_2492, %dma_wait3A_2496] : memref<8x128xi32, #tpu.memory_space<vmem>> -> memref<1x128xi32, #tpu.memory_space<vmem>>
    %dma_wait3A_2498 = tpu.memref_squeeze %dma_wait3A_2497 : memref<1x128xi32, #tpu.memory_space<vmem>> -> memref<128xi32, #tpu.memory_space<vmem>>
    %dma_wait3A_2499 = arith.constant 0 : i32
    %dma_wait3A_2500 = tpu.memref_slice %arg5[%dma_wait3A_2499] : memref<262144xf32, #tpu.memory_space<hbm>> -> memref<262144xf32, #tpu.memory_space<hbm>>
    tpu.wait_indirect_dma semaphore(%arg11 : memref<!tpu.dma_semaphore, #tpu.memory_space<semaphore_mem>>) src(%dma_wait3A_2495 : memref<128xf32, #tpu.memory_space<vmem>>) dst(%dma_wait3A_2500 : memref<262144xf32, #tpu.memory_space<hbm>>)
    %dma_wait3A_2501 = arith.constant 7 : i32
    %dma_wait3A_2502 = arith.constant 7 : i32
    %dma_wait3A_2503 = arith.constant 0 : i32
    %dma_wait3A_2504 = tpu.memref_slice %arg9[%dma_wait3A_2501, %dma_wait3A_2503] : memref<8x128xf32, #tpu.memory_space<vmem>> -> memref<1x128xf32, #tpu.memory_space<vmem>>
    %dma_wait3A_2505 = tpu.memref_squeeze %dma_wait3A_2504 : memref<1x128xf32, #tpu.memory_space<vmem>> -> memref<128xf32, #tpu.memory_space<vmem>>
    %dma_wait3A_2506 = arith.constant 0 : i32
    %dma_wait3A_2507 = tpu.memref_slice %arg8[%dma_wait3A_2502, %dma_wait3A_2506] : memref<8x128xi32, #tpu.memory_space<vmem>> -> memref<1x128xi32, #tpu.memory_space<vmem>>
    %dma_wait3A_2508 = tpu.memref_squeeze %dma_wait3A_2507 : memref<1x128xi32, #tpu.memory_space<vmem>> -> memref<128xi32, #tpu.memory_space<vmem>>
    %dma_wait3A_2509 = arith.constant 0 : i32
    %dma_wait3A_2510 = tpu.memref_slice %arg5[%dma_wait3A_2509] : memref<262144xf32, #tpu.memory_space<hbm>> -> memref<262144xf32, #tpu.memory_space<hbm>>
    tpu.wait_indirect_dma semaphore(%arg11 : memref<!tpu.dma_semaphore, #tpu.memory_space<semaphore_mem>>) src(%dma_wait3A_2505 : memref<128xf32, #tpu.memory_space<vmem>>) dst(%dma_wait3A_2510 : memref<262144xf32, #tpu.memory_space<hbm>>)
    return
  }
}

module attributes {stable_mosaic.version = 14 : i64} {
  func.func @_dist_body(%arg0: i32, %arg1: memref<2x1024xf32, #tpu.memory_space<vmem>>, %arg2: memref<4096x2xf32, #tpu.memory_space<vmem>>, %arg3: memref<1x1024xf32, #tpu.memory_space<vmem>>) attributes {dimension_semantics = [#tpu.dimension_semantics<arbitrary>], iteration_bounds = array<i64: 16>, scalar_prefetch = 0 : i64, scratch_operands = 0 : i64, tpu.core_type = #tpu.core_type<tc>, window_params = [{transform_indices = @transform_0, window_bounds = array<i64: 2, 1024>}, {pipeline_mode = #tpu.pipeline_mode<synchronous>, transform_indices = @transform_1, window_bounds = array<i64: 4096, 2>}, {transform_indices = @transform_2, window_bounds = array<i64: 1, 1024>}]} {
    %get3A = arith.constant 0 : index
    %get3A_0 = arith.constant 0 : index
    %get3A_1 = vector.load %arg2[%get3A, %get3A_0] : memref<4096x2xf32, #tpu.memory_space<vmem>>, vector<4096x2xf32>
    %get3A_2 = arith.constant 0 : index
    %get3A_3 = arith.constant 0 : index
    %get3A_4 = vector.load %arg1[%get3A_2, %get3A_3] : memref<2x1024xf32, #tpu.memory_space<vmem>>, vector<2x1024xf32>
    %dot_general3A = arith.constant dense<0.000000e+00> : vector<4096x1024xf32>
    %dot_general3A_5 = tpu.matmul %get3A_1, %get3A_4, %dot_general3A {dimension_numbers = #tpu.dot_dimension_numbers<[1], [0], [0], [1], [0, 0, 1, 1], [], []>, transpose_lhs_hint = false} : vector<4096x2xf32>, vector<2x1024xf32>, vector<4096x1024xf32> -> vector<4096x1024xf32>
    %mul3A = arith.mulf %get3A_1, %get3A_1 : vector<4096x2xf32>
    %reduce_sum3A = arith.constant dense<0.000000e+00> : vector<4096xf32>
    %reduce_sum3A_6 = vector.multi_reduction <add>, %mul3A, %reduce_sum3A [1] : vector<4096x2xf32> to vector<4096xf32>
    %broadcast_in_dim3A = vector.shape_cast %reduce_sum3A_6 : vector<4096xf32> to vector<4096x1xf32>
    %mul3A_7 = arith.constant 2.500000e-01 : f32
    %mul3A_8 = vector.broadcast %mul3A_7 : f32 to vector<4096x1xf32>
    %mul3A_9 = arith.mulf %broadcast_in_dim3A, %mul3A_8 : vector<4096x1xf32>
    %add3A = vector.broadcast %mul3A_9 : vector<4096x1xf32> to vector<4096x1024xf32>
    %add3A_10 = arith.addf %dot_general3A_5, %add3A : vector<4096x1024xf32>
    %reduce_min3A = arith.constant dense<0x7F800000> : vector<1024xf32>
    %reduce_min3A_11 = vector.multi_reduction <minimumf>, %add3A_10, %reduce_min3A [0] : vector<4096x1024xf32> to vector<1024xf32>
    %broadcast_in_dim3A_12 = vector.shape_cast %reduce_min3A_11 : vector<1024xf32> to vector<1x1024xf32>
    %slice3A = vector.extract_strided_slice %get3A_4 {offsets = [0, 0], sizes = [1, 1024], strides = [1, 1]} : vector<2x1024xf32> to vector<1x1024xf32>
    %slice3A_13 = vector.extract_strided_slice %get3A_4 {offsets = [0, 0], sizes = [1, 1024], strides = [1, 1]} : vector<2x1024xf32> to vector<1x1024xf32>
    %mul3A_14 = arith.mulf %slice3A, %slice3A_13 : vector<1x1024xf32>
    %slice3A_15 = vector.extract_strided_slice %get3A_4 {offsets = [1, 0], sizes = [1, 1024], strides = [1, 1]} : vector<2x1024xf32> to vector<1x1024xf32>
    %slice3A_16 = vector.extract_strided_slice %get3A_4 {offsets = [1, 0], sizes = [1, 1024], strides = [1, 1]} : vector<2x1024xf32> to vector<1x1024xf32>
    %mul3A_17 = arith.mulf %slice3A_15, %slice3A_16 : vector<1x1024xf32>
    %add3A_18 = arith.addf %mul3A_14, %mul3A_17 : vector<1x1024xf32>
    %add3A_19 = arith.addf %broadcast_in_dim3A_12, %add3A_18 : vector<1x1024xf32>
    %max3A = arith.constant 9.99999997E-7 : f32
    %max3A_20 = vector.broadcast %max3A : f32 to vector<1x1024xf32>
    %max3A_21 = arith.maximumf %add3A_19, %max3A_20 : vector<1x1024xf32>
    %sqrt3A = math.sqrt %max3A_21 : vector<1x1024xf32>
    %swap3A = arith.constant 0 : index
    %swap3A_22 = arith.constant 0 : index
    %swap3A_23 = vector.load %arg3[%swap3A, %swap3A_22] : memref<1x1024xf32, #tpu.memory_space<vmem>>, vector<1x1024xf32>
    tpu.vector_store %arg3[%swap3A, %swap3A_22], %sqrt3A {strides = array<i32>} : memref<1x1024xf32, #tpu.memory_space<vmem>>, vector<1x1024xf32>,
    return
  }
  func.func @transform_0(%arg0: i32) -> (i32, i32) {
    %c0_i32 = arith.constant 0 : i32
    %c0_i32_0 = arith.constant 0 : i32
    return %c0_i32, %arg0 : i32, i32
  }
  func.func @transform_1(%arg0: i32) -> (i32, i32) {
    %c0_i32 = arith.constant 0 : i32
    %c0_i32_0 = arith.constant 0 : i32
    %c0_i32_1 = arith.constant 0 : i32
    return %c0_i32, %c0_i32_0 : i32, i32
  }
  func.func @transform_2(%arg0: i32) -> (i32, i32) {
    %c0_i32 = arith.constant 0 : i32
    %c0_i32_0 = arith.constant 0 : i32
    return %c0_i32, %arg0 : i32, i32
  }
}

</mosaic_0001>

<sc_bundles>
// kernel: kernel.4.cloned.1.call-start
scs
__scs_entry_jumppad:
0x0: {  	(pc) =	sbr.rel $0x88, $3  }
0x1: {  	(tag) =	ssettag $0x0;
	lr =	simm.s32 $0x1  }
0x2: {  	[smem:$0x3F9E] =	sst lr;
	_ =	strace $0xD0000000  }
0x3: {  	_ = 	snop  }
0x4: {  	_ = 	snop  }
0x5: {  	_ = 	snop  }
0x6: {  	_ = 	snop  }
0x7: {  	_ = 	snop  }
__scs_overlays_trampoline_lowered:
0x8: {  	[smem:$0x3FAD] =	sst s0  }
0x9: {  	[smem:$0x3FAE] =	sst s1  }
0xa: {  	[smem:$0x3FAF] =	sst s2  }
0xb: {  	[smem:$0x3FB0] =	sst s3  }
0xc: {  	[smem:$0x3FB1] =	sst s4  }
0xd: {  	[smem:$0x3FB2] =	sst s5  }
0xe: {  	[smem:$0x3FB3] =	sst s6  }
0xf: {  	[smem:$0x3FB4] =	sst s7  }
0x10: {  	[smem:$0x3FB5] =	sst s8  }
0x11: {  	[smem:$0x3FB6] =	sst s9;
	s0 =	simm.s32 @!p0 $0x0  }
0x12: {  	s1 =	sld [smem:$0x3F9C];
	s0 =	simm.s32 @p0 $0x1  }
0x13: {  	[smem:$0x3FB7] =	sst s0;
	s0 =	simm.s32 @!p1 $0x0  }
0x14: {  	s2 =	sld [smem:$0x3F9B];
	s0 =	simm.s32 @p1 $0x1  }
0x15: {  	[smem:$0x3FB8] =	sst s0;
	s0 =	simm.s32 @!p2 $0x0  }
0x16: {  	s3 =	sld [smem:$0x3FDB];
	s0 =	simm.s32 @p2 $0x1  }
0x17: {  	s4 =	simm.s32 $0x1BF5;
	[smem:$0x3FBA] =	sst s0  }
0x18: {  	s0 =	sld [smem:$0x3F9D];
	_ =	swait.ge [sflag:s4], $0x0  }
0x19: {  	s7 =	sld [smem:$0x3F9E]  }
0x1a: {  	s8 =	sadd.s32 $0xFFFFE003, lr  }
0x1b: {  	s9 =	sadd.s32 $0xFFFFFEF7, lr;
	s5 =	simm.s32 $0xFFFFFFFF;
	p2 =	slt.u32 s8, $0xFFFFF086  }
0x1c: {  	p1 =	slt.u32 s9, $0xF7A;
	s5 =	simm.s32 @!p2 $0x0  }
0x1d: {  	s5 =	simm.s32 @p1 $0x1;
	p0 =	seq.s32 s7, s2  }
0x1e: {  	s7 =	smul.u32 @!p0 $0xF7A, s2;
	p2 =	seq.s32 @!p0 s5, $0x0  }
0x1f: {  	s9 =	smul.u32 $0xF7A, s1;
	s8 =	simm.s32 @!p0 $0x1BF5;
	p2 =	por !p2, p0  }
0x20: {  	[sflag:s8] =	ssyncset.s32 @!p0 $0xFFFFF086;
	s6 =	sadd.s32 @!p0 s3, s7;
	s7 =	simm.s32 @!p0 $0x108  }
0x21: {  	s3 =	sadd.s32 s3, s9;
	s6 =	sadd.s32 @!p0 $0x88, s6;
	s7 =	simm.s32 @p2 $0x1082  }
0x22: {  	[simem:s7], [sflag:s8] =	dma.local @!p0 [hbm:s6], $0xF7A  }
0x23: {  	s9 =	sor.u32 $0xD0000000, s2;
	s6 =	simm.s32 $0x108;
	_ =	swait.ge @!p0 [sflag:s8], $0x0  }
0x24: {  	s3 =	sadd.s32 $0x88, s3;
	s6 =	simm.s32 @!p1 $0x1082;
	[sflag:s4] =	ssyncset.s32 $0xFFFFF086  }
0x25: {  	[simem:s6], [sflag:s4] =	dma.local [hbm:s3], $0xF7A  }
0x26: {  	[smem:$0x3F9E] =	sst s1;
	(tag) =	ssettag s2;
	_ =	strace s9  }
0x27: {  	s1 =	sld [smem:$0x3FAE]  }
0x28: {  	s2 =	sld [smem:$0x3FAF]  }
0x29: {  	s4 =	sld [smem:$0x3FB1]  }
0x2a: {  	p0 =	seq.s32 s5, $0x0;
	s5 =	sld [smem:$0x3FB2]  }
0x2b: {  	s6 =	sld [smem:$0x3FB3]  }
0x2c: {  	s7 =	sld [smem:$0x3FB4]  }
0x2d: {  	s3 =	simm.s32 $0x108;
	s8 =	sld [smem:$0x3FB5]  }
0x2e: {  	s3 =	simm.s32 @!p0 $0x1082;
	s9 =	sld [smem:$0x3FB6]  }
0x2f: {  	lr =	sadd.s32 s0, s3;
	s0 =	sld [smem:$0x3FAD]  }
0x30: {  	s3 =	sld [smem:$0x3FB0]  }
0x31: {  	[smem:$0x3FB9] =	sst s10  }
0x32: {  	s10 =	sld [smem:$0x3FB7];
	_ =	sdelay $0x3  }
0x33: {  	p0 =	seq.s32 s10, $0x1;
	s10 =	sld [smem:$0x3FB9];
	_ =	sdelay $0x3  }
0x34: {  	[smem:$0x3FB9] =	sst s10  }
0x35: {  	s10 =	sld [smem:$0x3FB8];
	_ =	sdelay $0x3  }
0x36: {  	p1 =	seq.s32 s10, $0x1;
	s10 =	sld [smem:$0x3FB9];
	_ =	sdelay $0x3  }
0x37: {  	[smem:$0x3FB9] =	sst s10  }
0x38: {  	s10 =	sld [smem:$0x3FBA]  }
0x39: {  	_ = 	snop;
	(pc) =	sbr.ind lr, $3  }
0x3a: {  	_ = 	snop  }
0x3b: {  	_ = 	snop  }
0x3c: {  	p2 =	seq.s32 s10, $0x1;
	s10 =	sld [smem:$0x3FB9]  }
0x3d: {  	_ =	shalt  }
0x3e: {  	_ =	shalt  }
0x3f: {  	_ =	shalt  }
0x40: {  	_ =	shalt  }
0x41: {  	_ =	shalt  }
0x42: {  	_ =	shalt  }
0x43: {  	_ =	shalt  }
0x44: {  	_ =	shalt  }
0x45: {  	_ =	shalt  }
0x46: {  	_ =	shalt  }
0x47: {  	_ =	shalt  }
0x48: {  	_ =	shalt  }
0x49: {  	_ =	shalt  }
0x4a: {  	_ =	shalt  }
0x4b: {  	_ =	shalt  }
0x4c: {  	_ =	shalt  }
0x4d: {  	_ =	shalt  }
0x4e: {  	_ =	shalt  }
0x4f: {  	_ =	shalt  }
0x50: {  	_ =	shalt  }
0x51: {  	_ =	shalt  }
0x52: {  	_ =	shalt  }
0x53: {  	_ =	shalt  }
0x54: {  	_ =	shalt  }
0x55: {  	_ =	shalt  }
0x56: {  	_ =	shalt  }
0x57: {  	_ =	shalt  }
0x58: {  	_ =	shalt  }
0x59: {  	_ =	shalt  }
0x5a: {  	_ =	shalt  }
0x5b: {  	_ =	shalt  }
0x5c: {  	_ =	shalt  }
0x5d: {  	_ =	shalt  }
0x5e: {  	_ =	shalt  }
0x5f: {  	_ =	shalt  }
0x60: {  	_ =	shalt  }
0x61: {  	_ =	shalt  }
0x62: {  	_ =	shalt  }
0x63: {  	_ =	shalt  }
0x64: {  	_ =	shalt  }
0x65: {  	_ =	shalt  }
0x66: {  	_ =	shalt  }
0x67: {  	_ =	shalt  }
0x68: {  	_ =	shalt  }
0x69: {  	_ =	shalt  }
0x6a: {  	_ =	shalt  }
0x6b: {  	_ =	shalt  }
0x6c: {  	_ =	shalt  }
0x6d: {  	_ =	shalt  }
0x6e: {  	_ =	shalt  }
0x6f: {  	_ =	shalt  }
0x70: {  	_ =	shalt  }
0x71: {  	_ =	shalt  }
0x72: {  	_ =	shalt  }
0x73: {  	_ =	shalt  }
0x74: {  	_ =	shalt  }
0x75: {  	_ =	shalt  }
0x76: {  	_ =	shalt  }
0x77: {  	_ =	shalt  }
0x78: {  	_ =	shalt  }
0x79: {  	_ =	shalt  }
0x7a: {  	_ =	shalt  }
0x7b: {  	_ =	shalt  }
0x7c: {  	_ =	shalt  }
0x7d: {  	_ =	shalt  }
0x7e: {  	_ =	shalt  }
0x7f: {  	_ =	shalt  }
0x80: {  	_ =	shalt  }
0x81: {  	_ =	shalt  }
0x82: {  	_ =	shalt  }
0x83: {  	_ =	shalt  }
0x84: {  	_ =	shalt  }
0x85: {  	_ =	shalt  }
0x86: {  	_ =	shalt  }
0x87: {  	_ =	shalt  }
.Lfunc_end0:
.L_simem_size_0:
called_computation_lowered:
.L_overlay_start_0:
0x88: {  	s0 =	sld [smem:$0x3FD9]  }
0x89: {  	s1 =	sld [smem:$0x3FFE];
	_ =	sdelay $0x3  }
0x8a: {  	s0 =	sadd.s32 s1, s0  }
0x8b: {  	[smem:$0x3FC5] =	sst s0  }
0x8c: {  	_ = 	snop  }
0x8d: {  	s0 =	sld [smem:$0x3FD0];
	(tm) =	ssettm $0x1  }
0x8e: {  	s16 =	sld [smem:$0x3FFB];
	_ =	sdelay $0x3  }
0x8f: {  	_ =	strace s16  }
0x90: {  	s1 =	sld [smem:$0x3FFC];
	_ =	sdelay $0x3  }
0x91: {  	_ =	strace s1  }
0x92: {  	s1 =	sld [smem:$0x3FFD];
	_ =	sdelay $0x3  }
0x93: {  	_ =	strace s1  }
0x94: {  	_ =	strace $0x8FFFFFFF  }
0x95: {  	s17 =	sld [smem:$0x3FDB];
	_ =	sdelay $0x1  }
0x96: {  	s2 =	simm.s32 $_scs_section_size  }
0x97: {  	s3 =	simm.s32 $_size__tile_overlayer_lowered;
	s4 =	simm.s32 $_tile_overlayer_lowered  }
0x98: {  	s20 =	simm.s32 $0x1BFF;
	s19 =	sshll.u32 s4, $0x1;
	s1 =	sadd.s32 s2, s17  }
0x99: {  	s5 =	simm.s32 $0x0;
	s18 =	sshll.u32 s3, $0x1;
	s3 =	sadd.s32 s19, s1  }
0x9a: {  	[timem:s5], [sflag:s20] =	dma.local [hbm:s3], s18  }
0x9b: {  	_ =	swait.ge [sflag:s20], s18  }
0x9c: {  	s2 =	ssub.s32 $0x0, s18;
	[sflag:s20] =	ssyncset.done $0x0  }
0x9d: {  	[sflag:s20] =	ssyncadd.s32 s2;
	_ =	sdelay $0x1  }
0x9e: {  	s21 =	simm.s32 $0x1B8B  }
0x9f: {  	_ =	swait.ge [sflag:s21], $0x1  }
0xa0: {  	[sflag:s21] =	ssyncset.done $0x0  }
0xa1: {  	s23 =	simm.s32 $0x1B8E;
	s22 =	sld [smem:$0x3FFE];
	[sflag:s21] =	ssyncadd.s32 $0xFFFFFFFF  }
0xa2: {  	s24 =	simm.s32 $execute0_lowered;
	[smem:$0x3FD2] =	sst s23  }
0xa3: {  	s3 =	sshll.u32 s24, $0x1;
	_ =	strace $0x80000046;
	[dreg:$0x1] =	wrdreg $0xFFFFFFFF  }
0xa4: {  	s25 =	simm.s32 $_size_execute0_lowered;
	s1 =	sadd.s32 s1, s3;
	[dreg:$0x0] =	wrdreg $0x0  }
0xa5: {  	s3 =	sshll.u32 s25, $0x1;
	[dreg:$0x2] =	wrdreg s1  }
0xa6: {  	[dreg:$0x3] =	wrdreg s3  }
0xa7: {  	[dreg:$0x4] =	wrdreg $0xC0  }
0xa8: {  	_ =	task [dreg:s5], $0x5FFFF  }
0xa9: {  	[dreg:$0x1] =	wrdreg $0xFFFFFFFF  }
0xaa: {  	[dreg:$0x0] =	wrdreg $0x60  }
0xab: {  	[dreg:$0x2] =	wrdreg s0  }
0xac: {  	[dreg:$0x3] =	wrdreg s22  }
0xad: {  	[dreg:$0x4] =	wrdreg $0x9  }
0xae: {  	_ =	task.clear_ibuf [dreg:s5], $0x5FFFF;
	_ =	strace $0x90000046  }
0xaf: {  	s26 =	simm.s32 $0x9;
	_ =	strace $0x80000048  }
0xb0: {  	_ =	swait.ge [sflag:s26], $0x1  }
0xb1: {  	[sflag:s26] =	ssyncadd.s32 $0xFFFFFFFF  }
0xb2: {  	_ =	strace $0x90000048  }
0xb3: {  	_ =	sfence  }
0xb4: {  	s28 =	sld [smem:$0x0];
	_ =	sdelay $0x1  }
0xb5: {  	s29 =	srdreg.scid  }
0xb6: {  	s30 =	sshll.u32 s29, $0xD;
	s31 =	sshrl.u32 s29, $0x2  }
0xb7: {  	s2 =	sand.u32 $0x4000, s30;
	s1 =	sand.u32 $0x1, s29;
	s0 =	sadd.s32 s31, s28  }
0xb8: {  	s1 =	sor.u32 s2, s1;
	s0 =	sshll.u32 s0, $0x11  }
0xb9: {  	s0 =	sor.u32 s0, s1  }
0xba: {  	s0 =	sadd.s32 $0x8F2B, s0  }
0xbb: {  	[sflag:s0] =	ssyncadd.remote.s32 $0x1  }
0xbc: {  	_ =	sfence.sel $0xFFFF  }
0xbd: {  	[dreg:$0x0] =	wrdreg $0xFFFFFFFF;
	(pc) =	sbr.abs _section_cstart, $3  }
0xbe: {  	[dreg:$0x1] =	wrdreg $0xFFFFFFFF  }
0xbf: {  	_ =	task.clear_ibuf [dreg:s5], $0x2FFFF;
	_ =	strace $0x9FFFFFFF  }
0xc0: {  	(tm) =	ssettm $0x7FFFFFFF  }
0xc1: {  	_ =	shalt  }
tec
execute0_lowered:
.L_overlay_start_1:
0x0: {  	(tag) =	ssettag $0x1  }
0x1: {  	s2 =	rddreg [dreg:$0x0];
	s1 =	stileid.u32  }
0x2: {  	s4 =	rddreg [dreg:$0x1];
	s3 =	simm.s32 $0x0;
	s5 =	sshll.u32 s1, $0x7  }
0x3: {  	[smem:$0x7FF] =	sst s3;
	s6 =	sadd.s32 s5, s4  }
0x4: {  	s0 =	rddreg [dreg:$0x2];
	_ =	strace $0x80000047;
	s7 =	sadd.s32 $0x1400, s6  }
0x5: {  	[tilespmem:s3], [sflag:$0x1] =	stream.linear.gather [hbm4b:s7+s3], $0x400, $0x38;
	[tilespmem:$0x2000] =	vst v63  }
0x6: {  	s31 =	simm.s32 $0x400;
	s6 =	sadd.s32 $0xC00, s6  }
0x7: {  	[tilespmem:s31], [sflag:$0x1] =	stream.linear.gather [hbm4b:s6+s3], $0x400, $0x38;
	[tilespmem:$0x2000] =	vst v63  }
0x8: {  	s8 =	simm.s32 $0xC00;
	s5 =	sadd.s32 s2, s5  }
0x9: {  	v0 =	vimm.f32 $0.0e+00;
	[tilespmem:s8], [sflag:$0x1] =	stream.linear.gather [hbm4b:s5+s3], $0x400, $0x38;
	[tilespmem:$0x2000] =	vst v63  }
0xa: {  	[tilespmem:$0x1000] =	vst v0  }
0xb: {  	[tilespmem:$0x1010] =	vst v0  }
0xc: {  	[tilespmem:$0x1020] =	vst v0  }
0xd: {  	[tilespmem:$0x1030] =	vst v0  }
0xe: {  	[tilespmem:$0x1040] =	vst v0  }
0xf: {  	[tilespmem:$0x1050] =	vst v0  }
0x10: {  	[tilespmem:$0x1060] =	vst v0  }
0x11: {  	[tilespmem:$0x1070] =	vst v0  }
0x12: {  	[tilespmem:$0x1080] =	vst v0  }
0x13: {  	[tilespmem:$0x1090] =	vst v0  }
0x14: {  	[tilespmem:$0x10A0] =	vst v0  }
0x15: {  	[tilespmem:$0x10B0] =	vst v0  }
0x16: {  	[tilespmem:$0x10C0] =	vst v0  }
0x17: {  	[tilespmem:$0x10D0] =	vst v0  }
0x18: {  	[tilespmem:$0x10E0] =	vst v0  }
0x19: {  	[tilespmem:$0x10F0] =	vst v0  }
0x1a: {  	[tilespmem:$0x1100] =	vst v0  }
0x1b: {  	[tilespmem:$0x1110] =	vst v0  }
0x1c: {  	[tilespmem:$0x1120] =	vst v0  }
0x1d: {  	[tilespmem:$0x1130] =	vst v0  }
0x1e: {  	[tilespmem:$0x1140] =	vst v0  }
0x1f: {  	[tilespmem:$0x1150] =	vst v0  }
0x20: {  	[tilespmem:$0x1160] =	vst v0  }
0x21: {  	[tilespmem:$0x1170] =	vst v0  }
0x22: {  	[tilespmem:$0x1180] =	vst v0  }
0x23: {  	[tilespmem:$0x1190] =	vst v0  }
0x24: {  	[tilespmem:$0x11A0] =	vst v0  }
0x25: {  	[tilespmem:$0x11B0] =	vst v0  }
0x26: {  	[tilespmem:$0x11C0] =	vst v0  }
0x27: {  	[tilespmem:$0x11D0] =	vst v0  }
0x28: {  	[tilespmem:$0x11E0] =	vst v0  }
0x29: {  	[tilespmem:$0x11F0] =	vst v0  }
0x2a: {  	[tilespmem:$0x1200] =	vst v0  }
0x2b: {  	[tilespmem:$0x1210] =	vst v0  }
0x2c: {  	[tilespmem:$0x1220] =	vst v0  }
0x2d: {  	[tilespmem:$0x1230] =	vst v0  }
0x2e: {  	[tilespmem:$0x1240] =	vst v0  }
0x2f: {  	[tilespmem:$0x1250] =	vst v0  }
0x30: {  	[tilespmem:$0x1260] =	vst v0  }
0x31: {  	[tilespmem:$0x1270] =	vst v0  }
0x32: {  	[tilespmem:$0x1280] =	vst v0  }
0x33: {  	[tilespmem:$0x1290] =	vst v0  }
0x34: {  	[tilespmem:$0x12A0] =	vst v0  }
0x35: {  	[tilespmem:$0x12B0] =	vst v0  }
0x36: {  	[tilespmem:$0x12C0] =	vst v0  }
0x37: {  	[tilespmem:$0x12D0] =	vst v0  }
0x38: {  	[tilespmem:$0x12E0] =	vst v0  }
0x39: {  	[tilespmem:$0x12F0] =	vst v0  }
0x3a: {  	[tilespmem:$0x1300] =	vst v0  }
0x3b: {  	[tilespmem:$0x1310] =	vst v0  }
0x3c: {  	[tilespmem:$0x1320] =	vst v0  }
0x3d: {  	[tilespmem:$0x1330] =	vst v0  }
0x3e: {  	[tilespmem:$0x1340] =	vst v0  }
0x3f: {  	[tilespmem:$0x1350] =	vst v0  }
0x40: {  	[tilespmem:$0x1360] =	vst v0  }
0x41: {  	[tilespmem:$0x1370] =	vst v0  }
0x42: {  	[tilespmem:$0x1380] =	vst v0  }
0x43: {  	[tilespmem:$0x1390] =	vst v0  }
0x44: {  	[tilespmem:$0x13A0] =	vst v0  }
0x45: {  	[tilespmem:$0x13B0] =	vst v0  }
0x46: {  	[tilespmem:$0x13C0] =	vst v0  }
0x47: {  	[tilespmem:$0x13D0] =	vst v0  }
0x48: {  	[tilespmem:$0x13E0] =	vst v0  }
0x49: {  	[tilespmem:$0x13F0] =	vst v0  }
0x4a: {  	[tilespmem:$0x1400] =	vst v0  }
0x4b: {  	[tilespmem:$0x1410] =	vst v0  }
0x4c: {  	[tilespmem:$0x1420] =	vst v0  }
0x4d: {  	[tilespmem:$0x1430] =	vst v0  }
0x4e: {  	[tilespmem:$0x1440] =	vst v0  }
0x4f: {  	[tilespmem:$0x1450] =	vst v0  }
0x50: {  	[tilespmem:$0x1460] =	vst v0  }
0x51: {  	[tilespmem:$0x1470] =	vst v0  }
0x52: {  	[tilespmem:$0x1480] =	vst v0  }
0x53: {  	[tilespmem:$0x1490] =	vst v0  }
0x54: {  	[tilespmem:$0x14A0] =	vst v0  }
0x55: {  	[tilespmem:$0x14B0] =	vst v0  }
0x56: {  	[tilespmem:$0x14C0] =	vst v0  }
0x57: {  	[tilespmem:$0x14D0] =	vst v0  }
0x58: {  	[tilespmem:$0x14E0] =	vst v0  }
0x59: {  	[tilespmem:$0x14F0] =	vst v0  }
0x5a: {  	[tilespmem:$0x1500] =	vst v0  }
0x5b: {  	[tilespmem:$0x1510] =	vst v0  }
0x5c: {  	[tilespmem:$0x1520] =	vst v0  }
0x5d: {  	[tilespmem:$0x1530] =	vst v0  }
0x5e: {  	[tilespmem:$0x1540] =	vst v0  }
0x5f: {  	[tilespmem:$0x1550] =	vst v0  }
0x60: {  	[tilespmem:$0x1560] =	vst v0  }
0x61: {  	[tilespmem:$0x1570] =	vst v0  }
0x62: {  	[tilespmem:$0x1580] =	vst v0  }
0x63: {  	[tilespmem:$0x1590] =	vst v0  }
0x64: {  	[tilespmem:$0x15A0] =	vst v0  }
0x65: {  	[tilespmem:$0x15B0] =	vst v0  }
0x66: {  	[tilespmem:$0x15C0] =	vst v0  }
0x67: {  	[tilespmem:$0x15D0] =	vst v0  }
0x68: {  	[tilespmem:$0x15E0] =	vst v0  }
0x69: {  	[tilespmem:$0x15F0] =	vst v0  }
0x6a: {  	[tilespmem:$0x1600] =	vst v0  }
0x6b: {  	[tilespmem:$0x1610] =	vst v0  }
0x6c: {  	[tilespmem:$0x1620] =	vst v0  }
0x6d: {  	[tilespmem:$0x1630] =	vst v0  }
0x6e: {  	[tilespmem:$0x1640] =	vst v0  }
0x6f: {  	[tilespmem:$0x1650] =	vst v0  }
0x70: {  	[tilespmem:$0x1660] =	vst v0  }
0x71: {  	[tilespmem:$0x1670] =	vst v0  }
0x72: {  	[tilespmem:$0x1680] =	vst v0  }
0x73: {  	[tilespmem:$0x1690] =	vst v0  }
0x74: {  	[tilespmem:$0x16A0] =	vst v0  }
0x75: {  	[tilespmem:$0x16B0] =	vst v0  }
0x76: {  	[tilespmem:$0x16C0] =	vst v0  }
0x77: {  	[tilespmem:$0x16D0] =	vst v0  }
0x78: {  	[tilespmem:$0x16E0] =	vst v0  }
0x79: {  	[tilespmem:$0x16F0] =	vst v0  }
0x7a: {  	[tilespmem:$0x1700] =	vst v0  }
0x7b: {  	[tilespmem:$0x1710] =	vst v0  }
0x7c: {  	[tilespmem:$0x1720] =	vst v0  }
0x7d: {  	[tilespmem:$0x1730] =	vst v0  }
0x7e: {  	[tilespmem:$0x1740] =	vst v0  }
0x7f: {  	[tilespmem:$0x1750] =	vst v0  }
0x80: {  	[tilespmem:$0x1760] =	vst v0  }
0x81: {  	[tilespmem:$0x1770] =	vst v0  }
0x82: {  	[tilespmem:$0x1780] =	vst v0  }
0x83: {  	[tilespmem:$0x1790] =	vst v0  }
0x84: {  	[tilespmem:$0x17A0] =	vst v0  }
0x85: {  	[tilespmem:$0x17B0] =	vst v0  }
0x86: {  	[tilespmem:$0x17C0] =	vst v0  }
0x87: {  	[tilespmem:$0x17D0] =	vst v0  }
0x88: {  	[tilespmem:$0x17E0] =	vst v0  }
0x89: {  	[tilespmem:$0x17F0] =	vst v0  }
0x8a: {  	[tilespmem:$0x1800] =	vst v0  }
0x8b: {  	[tilespmem:$0x1810] =	vst v0  }
0x8c: {  	[tilespmem:$0x1820] =	vst v0  }
0x8d: {  	[tilespmem:$0x1830] =	vst v0  }
0x8e: {  	[tilespmem:$0x1840] =	vst v0  }
0x8f: {  	[tilespmem:$0x1850] =	vst v0  }
0x90: {  	[tilespmem:$0x1860] =	vst v0  }
0x91: {  	[tilespmem:$0x1870] =	vst v0  }
0x92: {  	[tilespmem:$0x1880] =	vst v0  }
0x93: {  	[tilespmem:$0x1890] =	vst v0  }
0x94: {  	[tilespmem:$0x18A0] =	vst v0  }
0x95: {  	[tilespmem:$0x18B0] =	vst v0  }
0x96: {  	[tilespmem:$0x18C0] =	vst v0  }
0x97: {  	[tilespmem:$0x18D0] =	vst v0  }
0x98: {  	[tilespmem:$0x18E0] =	vst v0  }
0x99: {  	[tilespmem:$0x18F0] =	vst v0  }
0x9a: {  	[tilespmem:$0x1900] =	vst v0  }
0x9b: {  	[tilespmem:$0x1910] =	vst v0  }
0x9c: {  	[tilespmem:$0x1920] =	vst v0  }
0x9d: {  	[tilespmem:$0x1930] =	vst v0  }
0x9e: {  	[tilespmem:$0x1940] =	vst v0  }
0x9f: {  	[tilespmem:$0x1950] =	vst v0  }
0xa0: {  	[tilespmem:$0x1960] =	vst v0  }
0xa1: {  	[tilespmem:$0x1970] =	vst v0  }
0xa2: {  	[tilespmem:$0x1980] =	vst v0  }
0xa3: {  	[tilespmem:$0x1990] =	vst v0  }
0xa4: {  	[tilespmem:$0x19A0] =	vst v0  }
0xa5: {  	[tilespmem:$0x19B0] =	vst v0  }
0xa6: {  	[tilespmem:$0x19C0] =	vst v0  }
0xa7: {  	[tilespmem:$0x19D0] =	vst v0  }
0xa8: {  	[tilespmem:$0x19E0] =	vst v0  }
0xa9: {  	[tilespmem:$0x19F0] =	vst v0  }
0xaa: {  	[tilespmem:$0x1A00] =	vst v0  }
0xab: {  	[tilespmem:$0x1A10] =	vst v0  }
0xac: {  	[tilespmem:$0x1A20] =	vst v0  }
0xad: {  	[tilespmem:$0x1A30] =	vst v0  }
0xae: {  	[tilespmem:$0x1A40] =	vst v0  }
0xaf: {  	[tilespmem:$0x1A50] =	vst v0  }
0xb0: {  	[tilespmem:$0x1A60] =	vst v0  }
0xb1: {  	[tilespmem:$0x1A70] =	vst v0  }
0xb2: {  	[tilespmem:$0x1A80] =	vst v0  }
0xb3: {  	[tilespmem:$0x1A90] =	vst v0  }
0xb4: {  	[tilespmem:$0x1AA0] =	vst v0  }
0xb5: {  	[tilespmem:$0x1AB0] =	vst v0  }
0xb6: {  	[tilespmem:$0x1AC0] =	vst v0  }
0xb7: {  	[tilespmem:$0x1AD0] =	vst v0  }
0xb8: {  	[tilespmem:$0x1AE0] =	vst v0  }
0xb9: {  	[tilespmem:$0x1AF0] =	vst v0  }
0xba: {  	[tilespmem:$0x1B00] =	vst v0  }
0xbb: {  	[tilespmem:$0x1B10] =	vst v0  }
0xbc: {  	[tilespmem:$0x1B20] =	vst v0  }
0xbd: {  	[tilespmem:$0x1B30] =	vst v0  }
0xbe: {  	[tilespmem:$0x1B40] =	vst v0  }
0xbf: {  	[tilespmem:$0x1B50] =	vst v0  }
0xc0: {  	[tilespmem:$0x1B60] =	vst v0  }
0xc1: {  	[tilespmem:$0x1B70] =	vst v0  }
0xc2: {  	[tilespmem:$0x1B80] =	vst v0  }
0xc3: {  	[tilespmem:$0x1B90] =	vst v0  }
0xc4: {  	[tilespmem:$0x1BA0] =	vst v0  }
0xc5: {  	[tilespmem:$0x1BB0] =	vst v0  }
0xc6: {  	[tilespmem:$0x1BC0] =	vst v0  }
0xc7: {  	[tilespmem:$0x1BD0] =	vst v0  }
0xc8: {  	[tilespmem:$0x1BE0] =	vst v0  }
0xc9: {  	[tilespmem:$0x1BF0] =	vst v0  }
0xca: {  	[tilespmem:$0x1C00] =	vst v0  }
0xcb: {  	[tilespmem:$0x1C10] =	vst v0  }
0xcc: {  	[tilespmem:$0x1C20] =	vst v0  }
0xcd: {  	[tilespmem:$0x1C30] =	vst v0  }
0xce: {  	[tilespmem:$0x1C40] =	vst v0  }
0xcf: {  	[tilespmem:$0x1C50] =	vst v0  }
0xd0: {  	[tilespmem:$0x1C60] =	vst v0  }
0xd1: {  	[tilespmem:$0x1C70] =	vst v0  }
0xd2: {  	[tilespmem:$0x1C80] =	vst v0  }
0xd3: {  	[tilespmem:$0x1C90] =	vst v0  }
0xd4: {  	[tilespmem:$0x1CA0] =	vst v0  }
0xd5: {  	[tilespmem:$0x1CB0] =	vst v0  }
0xd6: {  	[tilespmem:$0x1CC0] =	vst v0  }
0xd7: {  	[tilespmem:$0x1CD0] =	vst v0  }
0xd8: {  	[tilespmem:$0x1CE0] =	vst v0  }
0xd9: {  	[tilespmem:$0x1CF0] =	vst v0  }
0xda: {  	[tilespmem:$0x1D00] =	vst v0  }
0xdb: {  	[tilespmem:$0x1D10] =	vst v0  }
0xdc: {  	[tilespmem:$0x1D20] =	vst v0  }
0xdd: {  	[tilespmem:$0x1D30] =	vst v0  }
0xde: {  	[tilespmem:$0x1D40] =	vst v0  }
0xdf: {  	[tilespmem:$0x1D50] =	vst v0  }
0xe0: {  	[tilespmem:$0x1D60] =	vst v0  }
0xe1: {  	[tilespmem:$0x1D70] =	vst v0  }
0xe2: {  	[tilespmem:$0x1D80] =	vst v0  }
0xe3: {  	[tilespmem:$0x1D90] =	vst v0  }
0xe4: {  	[tilespmem:$0x1DA0] =	vst v0  }
0xe5: {  	[tilespmem:$0x1DB0] =	vst v0  }
0xe6: {  	[tilespmem:$0x1DC0] =	vst v0  }
0xe7: {  	[tilespmem:$0x1DD0] =	vst v0  }
0xe8: {  	[tilespmem:$0x1DE0] =	vst v0  }
0xe9: {  	[tilespmem:$0x1DF0] =	vst v0  }
0xea: {  	[tilespmem:$0x1E00] =	vst v0  }
0xeb: {  	[tilespmem:$0x1E10] =	vst v0  }
0xec: {  	[tilespmem:$0x1E20] =	vst v0  }
0xed: {  	[tilespmem:$0x1E30] =	vst v0  }
0xee: {  	[tilespmem:$0x1E40] =	vst v0  }
0xef: {  	[tilespmem:$0x1E50] =	vst v0  }
0xf0: {  	[tilespmem:$0x1E60] =	vst v0  }
0xf1: {  	[tilespmem:$0x1E70] =	vst v0  }
0xf2: {  	[tilespmem:$0x1E80] =	vst v0  }
0xf3: {  	[tilespmem:$0x1E90] =	vst v0  }
0xf4: {  	[tilespmem:$0x1EA0] =	vst v0  }
0xf5: {  	[tilespmem:$0x1EB0] =	vst v0  }
0xf6: {  	[tilespmem:$0x1EC0] =	vst v0  }
0xf7: {  	[tilespmem:$0x1ED0] =	vst v0  }
0xf8: {  	[tilespmem:$0x1EE0] =	vst v0  }
0xf9: {  	[tilespmem:$0x1EF0] =	vst v0  }
0xfa: {  	[tilespmem:$0x1F00] =	vst v0  }
0xfb: {  	[tilespmem:$0x1F10] =	vst v0  }
0xfc: {  	[tilespmem:$0x1F20] =	vst v0  }
0xfd: {  	[tilespmem:$0x1F30] =	vst v0  }
0xfe: {  	[tilespmem:$0x1F40] =	vst v0  }
0xff: {  	[tilespmem:$0x1F50] =	vst v0  }
0x100: {  	[tilespmem:$0x1F60] =	vst v0  }
0x101: {  	[tilespmem:$0x1F70] =	vst v0  }
0x102: {  	[tilespmem:$0x1F80] =	vst v0  }
0x103: {  	[tilespmem:$0x1F90] =	vst v0  }
0x104: {  	[tilespmem:$0x1FA0] =	vst v0  }
0x105: {  	[tilespmem:$0x1FB0] =	vst v0  }
0x106: {  	[tilespmem:$0x1FC0] =	vst v0  }
0x107: {  	[tilespmem:$0x1FD0] =	vst v0  }
0x108: {  	s9 =	sshll.u32 s1, $0xB;
	s4 =	sadd.s32 $0x1C00, s4;
	[tilespmem:$0x1FE0] =	vst v0  }
0x109: {  	s10 =	simm.s32 $0x1000;
	s5 =	sadd.s32 s4, s9;
	[tilespmem:$0x1FF0] =	vst v0  }
0x10a: {  	[hbm4b:s5+s3] =	stream.linear.scatter [tilespmem:s10], [sflag:$0x2], $0x1000, $0x38;
	[tilespmem:$0x2000] =	vst v63  }
0x10b: {  	s11 =	sadd.s32 $0x200, s5  }
0x10c: {  	[hbm4b:s11+s3] =	stream.linear.scatter [tilespmem:s10], [sflag:$0x2], $0x1000, $0x38;
	[tilespmem:$0x2000] =	vst v63  }
0x10d: {  	s12 =	sadd.s32 $0x400, s5  }
0x10e: {  	[hbm4b:s12+s3] =	stream.linear.scatter [tilespmem:s10], [sflag:$0x2], $0x1000, $0x38;
	[tilespmem:$0x2000] =	vst v63  }
0x10f: {  	s13 =	simm.s32 $0x1;
	s5 =	sadd.s32 $0x600, s5  }
0x110: {  	[hbm4b:s5+s3] =	stream.linear.scatter [tilespmem:s10], [sflag:$0x2], $0x1000, $0x38;
	[tilespmem:$0x2000] =	vst v63  }
0x111: {  	_ =	swait.ge [sflag:s13], $0x400  }
0x112: {  	[sflag:s13] =	ssyncset.done $0x0  }
0x113: {  	[sflag:s13] =	ssyncadd.s32 $0xFFFFFC00  }
0x114: {  	_ =	swait.ge [sflag:s13], $0x400  }
0x115: {  	[sflag:s13] =	ssyncset.done $0x0  }
0x116: {  	[sflag:s13] =	ssyncadd.s32 $0xFFFFFC00  }
0x117: {  	_ =	swait.ge [sflag:s13], $0x400  }
0x118: {  	[sflag:s13] =	ssyncset.done $0x0  }
0x119: {  	[sflag:s13] =	ssyncadd.s32 $0xFFFFFC00  }
0x11a: {  	v1 =	vld [tilespmem:$0x0]  }
0x11b: {  	v2 =	vld [tilespmem:$0x400]  }
0x11c: {  	v7 =	vld [tilespmem:$0x10]  }
0x11d: {  	v8 =	vld [tilespmem:$0x410]  }
0x11e: {  	v11 =	vld [tilespmem:$0x20]  }
0x11f: {  	v12 =	vld [tilespmem:$0x420]  }
0x120: {  	v13 =	vld [tilespmem:$0x30]  }
0x121: {  	v14 =	vld [tilespmem:$0x430]  }
0x122: {  	v15 =	vld [tilespmem:$0x40]  }
0x123: {  	v16 =	vld [tilespmem:$0x440]  }
0x124: {  	v17 =	vld [tilespmem:$0x50]  }
0x125: {  	v18 =	vld [tilespmem:$0x450]  }
0x126: {  	v19 =	vld [tilespmem:$0x60]  }
0x127: {  	v20 =	vld [tilespmem:$0x460]  }
0x128: {  	v21 =	vld [tilespmem:$0x70]  }
0x129: {  	v22 =	vld [tilespmem:$0x470]  }
0x12a: {  	v23 =	vld [tilespmem:$0x80]  }
0x12b: {  	v24 =	vld [tilespmem:$0x480]  }
0x12c: {  	v25 =	vld [tilespmem:$0x90]  }
0x12d: {  	v26 =	vld [tilespmem:$0x490]  }
0x12e: {  	v27 =	vld [tilespmem:$0xA0]  }
0x12f: {  	v28 =	vld [tilespmem:$0x4A0]  }
0x130: {  	v29 =	vld [tilespmem:$0xB0]  }
0x131: {  	v30 =	vld [tilespmem:$0x4B0]  }
0x132: {  	v31 =	vld [tilespmem:$0xC0]  }
0x133: {  	v32 =	vld [tilespmem:$0x4C0]  }
0x134: {  	v33 =	vld [tilespmem:$0xD0]  }
0x135: {  	v34 =	vld [tilespmem:$0x4D0]  }
0x136: {  	v35 =	vld [tilespmem:$0xE0]  }
0x137: {  	v36 =	vld [tilespmem:$0x4E0]  }
0x138: {  	v37 =	vld [tilespmem:$0xF0]  }
0x139: {  	v38 =	vld [tilespmem:$0x4F0]  }
0x13a: {  	v39 =	vld [tilespmem:$0x100]  }
0x13b: {  	v40 =	vld [tilespmem:$0x500]  }
0x13c: {  	v41 =	vld [tilespmem:$0x110]  }
0x13d: {  	v42 =	vld [tilespmem:$0x510]  }
0x13e: {  	v43 =	vld [tilespmem:$0x120]  }
0x13f: {  	v44 =	vld [tilespmem:$0x520]  }
0x140: {  	v45 =	vld [tilespmem:$0x130]  }
0x141: {  	v46 =	vld [tilespmem:$0x530]  }
0x142: {  	v47 =	vld [tilespmem:$0x140]  }
0x143: {  	v48 =	vld [tilespmem:$0x540]  }
0x144: {  	v49 =	vld [tilespmem:$0x150]  }
0x145: {  	v50 =	vld [tilespmem:$0x550]  }
0x146: {  	v51 =	vld [tilespmem:$0x160]  }
0x147: {  	v52 =	vld [tilespmem:$0x560]  }
0x148: {  	v53 =	vld [tilespmem:$0x170]  }
0x149: {  	v54 =	vld [tilespmem:$0x570]  }
0x14a: {  	v55 =	vld [tilespmem:$0x180]  }
0x14b: {  	v56 =	vld [tilespmem:$0x580]  }
0x14c: {  	v57 =	vld [tilespmem:$0x190]  }
0x14d: {  	v58 =	vld [tilespmem:$0x590]  }
0x14e: {  	v59 =	vld [tilespmem:$0x1A0]  }
0x14f: {  	v60 =	vld [tilespmem:$0x5A0]  }
0x150: {  	v61 =	vld [tilespmem:$0x1B0]  }
0x151: {  	v62 =	vld [tilespmem:$0x5B0]  }
0x152: {  	v63 =	vld [tilespmem:$0x1C0]  }
0x153: {  	v4 =	vld [tilespmem:$0x5C0]  }
0x154: {  	v3 =	vld [tilespmem:$0x1D0]  }
0x155: {  	v0 =	vld [tilespmem:$0x5F0]  }
0x156: {  	v6 =	vld [tilespmem:$0x5D0]  }
0x157: {  	v5 =	vld [tilespmem:$0x1E0]  }
0x158: {  	v9 =	vld [tilespmem:$0x5E0]  }
0x159: {  	v10 =	vld [tilespmem:$0x1F0]  }
0x15a: {  	[tilespmem:$0x1FFB0] =	vst v0;
	v0 =	vld [tilespmem:$0x200];
	v17 =	vshll.u32 v17, $0x9  }
0x15b: {  	v19 =	vshll.u32 v19, $0x9;
	v18 =	vadd.s32 v18, v17;
	v17 =	vld [tilespmem:$0x660]  }
0x15c: {  	v21 =	vshll.u32 v21, $0x9;
	v20 =	vadd.s32 v20, v19;
	v19 =	vld [tilespmem:$0x670]  }
0x15d: {  	v23 =	vshll.u32 v23, $0x9;
	v22 =	vadd.s32 v22, v21;
	v21 =	vld [tilespmem:$0x680]  }
0x15e: {  	v25 =	vshll.u32 v25, $0x9;
	v24 =	vadd.s32 v24, v23;
	v23 =	vld [tilespmem:$0x690]  }
0x15f: {  	v27 =	vshll.u32 v27, $0x9;
	v26 =	vadd.s32 v26, v25;
	v25 =	vld [tilespmem:$0x6A0]  }
0x160: {  	v28 =	vadd.s32 v28, v27;
	v27 =	vld [tilespmem:$0x6B0];
	[tilespmem:$0x850] =	vst v18  }
0x161: {  	[tilespmem:$0x860] =	vst v20;
	v18 =	vld [tilespmem:$0x270]  }
0x162: {  	[tilespmem:$0x870] =	vst v22;
	v20 =	vld [tilespmem:$0x280]  }
0x163: {  	[tilespmem:$0x880] =	vst v24;
	v22 =	vld [tilespmem:$0x290]  }
0x164: {  	v29 =	vshll.u32 v29, $0x9;
	v31 =	vshll.u32 v31, $0x9;
	v33 =	vshll.u32 v33, $0x9;
	[tilespmem:$0x890] =	vst v26;
	v24 =	vld [tilespmem:$0x2A0]  }
0x165: {  	v35 =	vshll.u32 v35, $0x9;
	v30 =	vadd.s32 v30, v29;
	[tilespmem:$0x8A0] =	vst v28;
	v28 =	vshll.u32 v39, $0x9;
	v26 =	vld [tilespmem:$0x2B0]  }
0x166: {  	v32 =	vadd.s32 v32, v31;
	[tilespmem:$0x8B0] =	vst v30;
	v30 =	vshll.u32 v41, $0x9;
	v29 =	vadd.s32 v40, v28;
	v28 =	vld [tilespmem:$0x2C0]  }
0x167: {  	v34 =	vadd.s32 v34, v33;
	[tilespmem:$0x8C0] =	vst v32;
	v32 =	vshll.u32 v43, $0x9;
	v31 =	vadd.s32 v42, v30;
	v30 =	vld [tilespmem:$0x2D0]  }
0x168: {  	v36 =	vadd.s32 v36, v35;
	[tilespmem:$0x8D0] =	vst v34;
	v34 =	vshll.u32 v45, $0x9;
	v33 =	vadd.s32 v44, v32;
	v32 =	vld [tilespmem:$0x2E0]  }
0x169: {  	v37 =	vshll.u32 v37, $0x9;
	[tilespmem:$0x8E0] =	vst v36;
	v36 =	vshll.u32 v47, $0x9;
	v35 =	vadd.s32 v46, v34;
	v34 =	vld [tilespmem:$0x2F0]  }
0x16a: {  	v38 =	vadd.s32 v38, v37;
	v37 =	vadd.s32 v48, v36;
	v36 =	vld [tilespmem:$0x300]  }
0x16b: {  	[tilespmem:$0x8F0] =	vst v38;
	v44 =	vshll.u32 v55, $0x9;
	v55 =	vshll.u32 v5, $0x9;
	v5 =	vld [tilespmem:$0x310]  }
0x16c: {  	v46 =	vshll.u32 v57, $0x9;
	v57 =	vshll.u32 v10, $0x9;
	v10 =	vld [tilespmem:$0x720];
	[tilespmem:$0x900] =	vst v29  }
0x16d: {  	[tilespmem:$0x910] =	vst v31;
	v29 =	vld [tilespmem:$0x6C0]  }
0x16e: {  	[tilespmem:$0x920] =	vst v33;
	v31 =	vld [tilespmem:$0x6D0]  }
0x16f: {  	v38 =	vshll.u32 v49, $0x9;
	[tilespmem:$0x930] =	vst v35;
	v33 =	vld [tilespmem:$0x6E0]  }
0x170: {  	v3 =	vshll.u32 v3, $0x9;
	v39 =	vadd.s32 v50, v38;
	v42 =	vshll.u32 v53, $0x9;
	[tilespmem:$0x940] =	vst v37;
	v35 =	vld [tilespmem:$0x6F0]  }
0x171: {  	v40 =	vshll.u32 v51, $0x9;
	[tilespmem:$0x950] =	vst v39;
	v43 =	vadd.s32 v54, v42;
	v54 =	vadd.s32 v6, v3;
	v6 =	vld [tilespmem:$0x710]  }
0x172: {  	v41 =	vadd.s32 v52, v40;
	v47 =	vadd.s32 v58, v46;
	v58 =	vld [tilespmem:$0x1FFB0];
	[tilespmem:$0x1FFC0] =	vst v0  }
0x173: {  	v45 =	vadd.s32 v56, v44;
	v56 =	vadd.s32 v9, v55;
	v9 =	vld [tilespmem:$0x320];
	[tilespmem:$0x960] =	vst v41  }
0x174: {  	v39 =	vld [tilespmem:$0x360];
	[tilespmem:$0x970] =	vst v43  }
0x175: {  	v48 =	vshll.u32 v59, $0x9;
	v42 =	vld [tilespmem:$0x760];
	[tilespmem:$0x980] =	vst v45  }
0x176: {  	v50 =	vshll.u32 v61, $0x9;
	v49 =	vadd.s32 v60, v48;
	v48 =	vld [tilespmem:$0x770];
	[tilespmem:$0x990] =	vst v47  }
0x177: {  	v51 =	vadd.s32 v62, v50;
	v52 =	vshll.u32 v63, $0x9;
	v0 =	vld [tilespmem:$0x600];
	[tilespmem:$0x9A0] =	vst v49  }
0x178: {  	[tilespmem:$0x9B0] =	vst v51;
	v53 =	vadd.s32 v4, v52;
	v4 =	vld [tilespmem:$0x700]  }
0x179: {  	[tilespmem:$0x9D0] =	vst v54;
	v45 =	vld [tilespmem:$0x370]  }
0x17a: {  	[tilespmem:$0x9E0] =	vst v56;
	v51 =	vld [tilespmem:$0x380];
	v18 =	vshll.u32 v18, $0x9  }
0x17b: {  	v54 =	vld [tilespmem:$0x780];
	[tilespmem:$0x9C0] =	vst v53;
	v38 =	vshll.u32 v20, $0x9;
	v37 =	vadd.s32 v19, v18  }
0x17c: {  	v59 =	vld [tilespmem:$0x1FFC0];
	v41 =	vshll.u32 v22, $0x9;
	v40 =	vadd.s32 v21, v38;
	[tilespmem:$0xA70] =	vst v37  }
0x17d: {  	v44 =	vshll.u32 v24, $0x9;
	v47 =	vshll.u32 v26, $0x9;
	v24 =	vld [tilespmem:$0x7A0];
	v43 =	vadd.s32 v23, v41;
	[tilespmem:$0xA80] =	vst v40  }
0x17e: {  	v46 =	vadd.s32 v25, v44;
	v49 =	vadd.s32 v27, v47;
	v27 =	vld [tilespmem:$0x3B0];
	[tilespmem:$0xA90] =	vst v43  }
0x17f: {  	v53 =	vshll.u32 v30, $0x9;
	v30 =	vld [tilespmem:$0x7B0];
	[tilespmem:$0xAA0] =	vst v46  }
0x180: {  	v50 =	vshll.u32 v28, $0x9;
	[tilespmem:$0x1FFD0] =	vst v0;
	v0 =	vld [tilespmem:$0x210]  }
0x181: {  	[tilespmem:$0xAB0] =	vst v49;
	v52 =	vadd.s32 v29, v50;
	v38 =	vshll.u32 v39, $0x9;
	v39 =	vld [tilespmem:$0x3D0]  }
0x182: {  	v23 =	vshll.u32 v5, $0x9;
	v55 =	vadd.s32 v31, v53;
	[tilespmem:$0xAC0] =	vst v52;
	v40 =	vadd.s32 v42, v38;
	v42 =	vld [tilespmem:$0x7D0]  }
0x183: {  	v25 =	vadd.s32 v6, v23;
	[tilespmem:$0xAD0] =	vst v55;
	v41 =	vshll.u32 v45, $0x9;
	v45 =	vld [tilespmem:$0x3E0]  }
0x184: {  	v26 =	vshll.u32 v9, $0x9;
	[tilespmem:$0xB10] =	vst v25;
	v44 =	vshll.u32 v51, $0x9;
	v51 =	vld [tilespmem:$0x3F0]  }
0x185: {  	v28 =	vadd.s32 v10, v26;
	[tilespmem:$0x1FFE0] =	vst v0;
	v0 =	vld [tilespmem:$0x610]  }
0x186: {  	v60 =	vld [tilespmem:$0x1FFD0];
	[tilespmem:$0xB20] =	vst v28  }
0x187: {  	[tilespmem:$0xB60] =	vst v40;
	v43 =	vadd.s32 v48, v41;
	v48 =	vld [tilespmem:$0x7E0]  }
0x188: {  	v46 =	vadd.s32 v54, v44;
	v54 =	vld [tilespmem:$0x7F0];
	[tilespmem:$0xB70] =	vst v43  }
0x189: {  	[tilespmem:$0xB80] =	vst v46;
	v53 =	vshll.u32 v27, $0x9;
	v61 =	vld [tilespmem:$0x1FFE0]  }
0x18a: {  	v55 =	vadd.s32 v30, v53;
	[tilespmem:$0x1FFF0] =	vst v0;
	v0 =	vshll.u32 v1, $0x9;
	v1 =	vld [tilespmem:$0x220]  }
0x18b: {  	v7 =	vshll.u32 v7, $0x9;
	[tilespmem:$0xBB0] =	vst v55;
	v0 =	vadd.s32 v2, v0;
	v2 =	vld [tilespmem:$0x620]  }
0x18c: {  	v62 =	vld [tilespmem:$0x1FFF0];
	[tilespmem:$0x800] =	vst v0;
	v0 =	vadd.s32 v8, v7;
	v8 =	vshll.u32 v11, $0x9  }
0x18d: {  	v13 =	vshll.u32 v13, $0x9;
	v7 =	vld [tilespmem:$0x230];
	[tilespmem:$0x810] =	vst v0;
	v12 =	vadd.s32 v12, v8  }
0x18e: {  	v11 =	vshll.u32 v15, $0x9;
	v15 =	vld [tilespmem:$0x650];
	v0 =	vadd.s32 v14, v13;
	[tilespmem:$0x820] =	vst v12  }
0x18f: {  	v8 =	vld [tilespmem:$0x630];
	v16 =	vadd.s32 v16, v11;
	[tilespmem:$0x830] =	vst v0  }
0x190: {  	v56 =	vshll.u32 v32, $0x9;
	v13 =	vld [tilespmem:$0x640];
	[tilespmem:$0x840] =	vst v16;
	v0 =	vadd.s32 v58, v57  }
0x191: {  	v3 =	vshll.u32 v59, $0x9;
	v14 =	vld [tilespmem:$0x250];
	v58 =	vadd.s32 v33, v56;
	[tilespmem:$0x9F0] =	vst v0  }
0x192: {  	v59 =	vshll.u32 v34, $0x9;
	v12 =	vld [tilespmem:$0x240];
	v0 =	vadd.s32 v60, v3;
	[tilespmem:$0xAE0] =	vst v58  }
0x193: {  	v16 =	vld [tilespmem:$0x260];
	v3 =	vshll.u32 v61, $0x9;
	v61 =	vadd.s32 v35, v59;
	[tilespmem:$0xA00] =	vst v0  }
0x194: {  	v57 =	vld [tilespmem:$0x390];
	v1 =	vshll.u32 v1, $0x9;
	v0 =	vadd.s32 v62, v3;
	[tilespmem:$0xAF0] =	vst v61  }
0x195: {  	v33 =	vld [tilespmem:$0x3C0];
	v58 =	vshll.u32 v39, $0x9;
	v63 =	vadd.s32 v2, v1;
	[tilespmem:$0xA10] =	vst v0  }
0x196: {  	v60 =	vld [tilespmem:$0x790];
	v62 =	vshll.u32 v36, $0x9;
	v59 =	vadd.s32 v42, v58;
	[tilespmem:$0xA20] =	vst v63  }
0x197: {  	v3 =	vld [tilespmem:$0x330];
	v7 =	vshll.u32 v7, $0x9;
	v22 =	vadd.s32 v4, v62;
	[tilespmem:$0xBD0] =	vst v59  }
0x198: {  	v36 =	vld [tilespmem:$0x7C0];
	v11 =	vadd.s32 v8, v7;
	v14 =	vshll.u32 v14, $0x9;
	[tilespmem:$0xB00] =	vst v22  }
0x199: {  	v2 =	vld [tilespmem:$0x730];
	v12 =	vshll.u32 v12, $0x9;
	[tilespmem:$0xA30] =	vst v11;
	v15 =	vadd.s32 v15, v14  }
0x19a: {  	v63 =	vld [tilespmem:$0x3A0];
	v16 =	vshll.u32 v16, $0x9;
	v13 =	vadd.s32 v13, v12;
	[tilespmem:$0xA50] =	vst v15  }
0x19b: {  	v7 =	vld [tilespmem:$0x340];
	v47 =	vshll.u32 v57, $0x9;
	v17 =	vadd.s32 v17, v16;
	[tilespmem:$0xA40] =	vst v13  }
0x19c: {  	v8 =	vld [tilespmem:$0x740];
	v56 =	vshll.u32 v33, $0x9;
	v49 =	vadd.s32 v60, v47;
	[tilespmem:$0xA60] =	vst v17  }
0x19d: {  	v11 =	vld [tilespmem:$0x350];
	v60 =	vshll.u32 v45, $0x9;
	[tilespmem:$0xB90] =	vst v49;
	v57 =	vadd.s32 v36, v56  }
0x19e: {  	v12 =	vld [tilespmem:$0x750];
	v29 =	vshll.u32 v3, $0x9;
	v61 =	vadd.s32 v48, v60;
	[tilespmem:$0xBC0] =	vst v57  }
0x19f: {  	v62 =	vshll.u32 v51, $0x9;
	v31 =	vadd.s32 v2, v29;
	[tilespmem:$0xBE0] =	vst v61  }
0x1a0: {  	v50 =	vshll.u32 v63, $0x9;
	v63 =	vadd.s32 v54, v62;
	[tilespmem:$0xB30] =	vst v31  }
0x1a1: {  	v32 =	vshll.u32 v7, $0x9;
	v52 =	vadd.s32 v24, v50;
	[tilespmem:$0xBF0] =	vst v63  }
0x1a2: {  	v34 =	vadd.s32 v8, v32;
	v35 =	vshll.u32 v11, $0x9;
	[tilespmem:$0xBA0] =	vst v52  }
0x1a3: {  	[tilespmem:$0xB40] =	vst v34;
	v37 =	vadd.s32 v12, v35  }
0x1a4: {  	s14 =	simm.s32 $0x2;
	[tilespmem:$0xB50] =	vst v37  }
0x1a5: {  	_ =	swait.ge [sflag:s14], $0x1000  }
0x1a6: {  	[sflag:s14] =	ssyncset.done $0x0  }
0x1a7: {  	[sflag:s14] =	ssyncadd.s32 $0xFFFFF000  }
0x1a8: {  	_ =	swait.ge [sflag:s14], $0x1000  }
0x1a9: {  	[sflag:s14] =	ssyncset.done $0x0  }
0x1aa: {  	[sflag:s14] =	ssyncadd.s32 $0xFFFFF000  }
0x1ab: {  	_ =	swait.ge [sflag:s14], $0x1000  }
0x1ac: {  	[sflag:s14] =	ssyncset.done $0x0  }
0x1ad: {  	[sflag:s14] =	ssyncadd.s32 $0xFFFFF000  }
0x1ae: {  	_ =	swait.ge [sflag:s14], $0x1000  }
0x1af: {  	[sflag:s14] =	ssyncset.done $0x0  }
0x1b0: {  	[sflag:s14] =	ssyncadd.s32 $0xFFFFF000  }
0x1b1: {  	s15 =	simm.s32 $0x80;
	s16 =	simm.s32 $0x800;
	[bflag:$0x0] =	sbarrier.arrive $0xFFFF  }
0x1b2: {  	[hbm4b:s4+s15] =	stream.indirect.scatter [tilespmem:s8], [sflag:$0x1], $0x1, s16, s15, $0xb8;
	[tilespmem:$0x2000] =	vst v63  }
0x1b3: {  	s17 =	simm.s32 $0x880;
	s18 =	simm.s32 $0xC80  }
0x1b4: {  	[hbm4b:s4+s15] =	stream.indirect.scatter [tilespmem:s18], [sflag:$0x1], $0x1, s17, s15, $0xb8;
	[tilespmem:$0x2000] =	vst v63  }
0x1b5: {  	s19 =	simm.s32 $0x900;
	s20 =	simm.s32 $0xD00  }
0x1b6: {  	[hbm4b:s4+s15] =	stream.indirect.scatter [tilespmem:s20], [sflag:$0x1], $0x1, s19, s15, $0xb8;
	[tilespmem:$0x2000] =	vst v63  }
0x1b7: {  	s21 =	simm.s32 $0x980;
	s22 =	simm.s32 $0xD80  }
0x1b8: {  	[hbm4b:s4+s15] =	stream.indirect.scatter [tilespmem:s22], [sflag:$0x1], $0x1, s21, s15, $0xb8;
	[tilespmem:$0x2000] =	vst v63  }
0x1b9: {  	s23 =	simm.s32 $0xA00;
	s24 =	simm.s32 $0xE00  }
0x1ba: {  	[hbm4b:s4+s15] =	stream.indirect.scatter [tilespmem:s24], [sflag:$0x1], $0x1, s23, s15, $0xb8;
	[tilespmem:$0x2000] =	vst v63  }
0x1bb: {  	s25 =	simm.s32 $0xA80;
	s26 =	simm.s32 $0xE80  }
0x1bc: {  	[hbm4b:s4+s15] =	stream.indirect.scatter [tilespmem:s26], [sflag:$0x1], $0x1, s25, s15, $0xb8;
	[tilespmem:$0x2000] =	vst v63  }
0x1bd: {  	s28 =	simm.s32 $0xB00;
	s29 =	simm.s32 $0xF00  }
0x1be: {  	[hbm4b:s4+s15] =	stream.indirect.scatter [tilespmem:s29], [sflag:$0x1], $0x1, s28, s15, $0xb8;
	[tilespmem:$0x2000] =	vst v63  }
0x1bf: {  	s30 =	simm.s32 $0xB80;
	s31 =	simm.s32 $0xF80  }
0x1c0: {  	[hbm4b:s4+s15] =	stream.indirect.scatter [tilespmem:s31], [sflag:$0x1], $0x1, s30, s15, $0xb8;
	[tilespmem:$0x2000] =	vst v63  }
0x1c1: {  	_ =	swait.ge [sflag:s13], $0x80  }
0x1c2: {  	[sflag:s13] =	ssyncset.done $0x0  }
0x1c3: {  	[sflag:s13] =	ssyncadd.s32 $0xFFFFFF80  }
0x1c4: {  	_ =	swait.ge [sflag:s13], $0x80  }
0x1c5: {  	[sflag:s13] =	ssyncset.done $0x0  }
0x1c6: {  	[sflag:s13] =	ssyncadd.s32 $0xFFFFFF80  }
0x1c7: {  	_ =	swait.ge [sflag:s13], $0x80  }
0x1c8: {  	[sflag:s13] =	ssyncset.done $0x0  }
0x1c9: {  	[sflag:s13] =	ssyncadd.s32 $0xFFFFFF80  }
0x1ca: {  	_ =	swait.ge [sflag:s13], $0x80  }
0x1cb: {  	[sflag:s13] =	ssyncset.done $0x0  }
0x1cc: {  	[sflag:s13] =	ssyncadd.s32 $0xFFFFFF80  }
0x1cd: {  	_ =	swait.ge [sflag:s13], $0x80  }
0x1ce: {  	[sflag:s13] =	ssyncset.done $0x0  }
0x1cf: {  	[sflag:s13] =	ssyncadd.s32 $0xFFFFFF80  }
0x1d0: {  	_ =	swait.ge [sflag:s13], $0x80  }
0x1d1: {  	[sflag:s13] =	ssyncset.done $0x0  }
0x1d2: {  	[sflag:s13] =	ssyncadd.s32 $0xFFFFFF80  }
0x1d3: {  	_ =	swait.ge [sflag:s13], $0x80  }
0x1d4: {  	[sflag:s13] =	ssyncset.done $0x0  }
0x1d5: {  	[sflag:s13] =	ssyncadd.s32 $0xFFFFFF80  }
0x1d6: {  	_ =	swait.ge [sflag:s13], $0x80  }
0x1d7: {  	[sflag:s13] =	ssyncset.done $0x0  }
0x1d8: {  	[sflag:s13] =	ssyncadd.s32 $0xFFFFFF80  }
0x1d9: {  	_ =	sfence.sel $0x180000  }
0x1da: {  	[bflag:$0x0] =	sbarrier.arrive $0xFFFF  }
0x1db: {  	p0 =	sne.s32 s1, $0x0;
	_ =	strace $0x90000047  }
0x1dc: {  	s0 =	sadd.s32 @!p0 $0x100000, s0;
	[bflag:$0x2] =	sbarrier.arrive $0xFFFF  }
0x1dd: {  	[sflag:s0] =	ssyncadd.tile.s32 @!p0 $0x1;
	_ =	shalt  }
.Lfunc_end2:
_tile_overlayer_lowered:
.L_overlay_start_2:
0x1de: {  	(tag) =	ssettag $0x2  }
0x1df: {  	s0 =	rddreg [dreg:$0x0];
	s2 =	stileid.u32  }
0x1e0: {  	s1 =	rddreg [dreg:$0x1];
	p0 =	sne.s32 s2, $0x0  }
0x1e1: {  	s3 =	rddreg [dreg:$0x2];
	[bflag:$0x3] =	sbarrier.arrive $0xFFFF;
	s2 =	simm.s32 @!p0 $0x1C03  }
0x1e2: {  	[timem:s3], [sflag:s2] =	dma.local @!p0 [hbm:s0], s1  }
0x1e3: {  	s0 =	simm.s32 @!p0 $0x3  }
0x1e4: {  	_ =	swait.ge @!p0 [sflag:s0], s1  }
0x1e5: {  	s1 =	ssub.s32 @!p0 $0x0, s1;
	[sflag:s0] =	ssyncset.done @!p0 $0x0  }
0x1e6: {  	[sflag:s0] =	ssyncadd.s32 @!p0 s1  }
0x1e7: {  	[bflag:$0x3] =	sbarrier.arrive $0xFFFF  }
0x1e8: {  	_ =	shalt  }

</sc_bundles>
